<compile_context>
chip_gen: v7x
topology: tpu7x:2x2x1
jax: 0.10.2.dev20260603
libtpu: 0.0.44.dev20260713+nightly
codegen_flags: <defaults>
</compile_context>

<pallas_src>
import numpy as np

import jax
import jax.numpy as jnp
from jax import lax
from jax.experimental import pallas as pl
from jax.experimental.pallas import tpu as pltpu
from jax.experimental.pallas import tpu_sc as plsc

_M32 = np.uint32(0xFFFFFFFF)


def _rotl(x, r):
    r = np.uint32(r)
    return ((x << r) | (x >> np.uint32(32 - r))) & _M32


def _threefry2x32(key0, key1, x0, x1):
    x0 = x0.astype(np.uint32).copy()
    x1 = x1.astype(np.uint32).copy()
    ks = [np.uint32(key0), np.uint32(key1),
          np.uint32(np.uint32(key0) ^ np.uint32(key1) ^ np.uint32(0x1BD11BDA))]
    rot1 = (13, 15, 26, 6)
    rot2 = (17, 29, 16, 24)
    x0 = (x0 + ks[0]) & _M32
    x1 = (x1 + ks[1]) & _M32
    for i in range(5):
        for r in (rot1 if i % 2 == 0 else rot2):
            x0 = (x0 + x1) & _M32
            x1 = _rotl(x1, r)
            x1 = x1 ^ x0
        x0 = (x0 + ks[(i + 1) % 3]) & _M32
        x1 = (x1 + ks[(i + 2) % 3] + np.uint32(i + 1)) & _M32
    return x0, x1


def _uniform_bits(key, n):
    b1, b2 = _threefry2x32(key[0], key[1],
                           np.zeros(n, np.uint32), np.arange(n, dtype=np.uint32))
    bits = b1 ^ b2
    fb = (bits >> np.uint32(9)) | np.uint32(0x3F800000)
    u = fb.view(np.float32) - np.float32(1.0)
    mn = np.float32(1e-20)
    return np.maximum(mn, u * np.float32(np.float32(1.0) - mn) + mn)


def _build_constants():
    b1, b2 = _threefry2x32(np.uint32(0), np.uint32(42),
                           np.zeros(2, np.uint32), np.arange(2, dtype=np.uint32))
    kg = (b1[0], b2[0])
    ks = (b1[1], b2[1])
    u1 = _uniform_bits(kg, 900).astype(np.float64)
    u2 = _uniform_bits(ks, 900).astype(np.float64)
    g1 = (-np.log(-np.log(u1))).astype(np.float32).reshape(100, 9)
    e2 = (1.0 / (-np.log(u2))).astype(np.float32).reshape(100, 9)

    def to_chunks(a):
        p = np.zeros((112, 9), np.float32)
        p[:100] = a
        return np.ascontiguousarray(p.reshape(7, 16, 9).transpose(0, 2, 1))

    return np.concatenate([to_chunks(g1), to_chunks(e2)], axis=1)


_CONSTS = _build_constants()

_NCHUNK = 7

_GDN = lax.GatherDimensionNumbers(
    offset_dims=(), collapsed_slice_dims=(0,), start_index_map=(0,))


def _permute(x, idx):
    return lax.gather(x, idx.reshape(16, 1), _GDN, (1,),
                      mode=lax.GatherScatterMode.PROMISE_IN_BOUNDS)


def _select_gather(vecs, srcv, lane, active):
    acc = None
    for v in active:
        g = _permute(vecs[v], lane)
        acc = g if acc is None else jnp.where(srcv == v, g, acc)
    return acc


def _deinterleave(rows):
    l16 = lax.iota(jnp.int32, 16)
    cols = []
    for j in range(9):
        pos = l16 * 9 + j
        srcv = pos >> 4
        lane = pos & 15
        active = sorted({(l * 9 + j) >> 4 for l in range(16)})
        cols.append(_select_gather(rows, srcv, lane, active))
    return cols


def _interleave9(cols):
    l16 = lax.iota(jnp.int32, 16)
    outs = []
    for i in range(9):
        base = 16 * i
        q0 = base // 9
        r = l16 + (base - 9 * q0)
        ge1 = jnp.where(r >= 9, 1, 0)
        ge2 = jnp.where(r >= 18, 1, 0)
        q = (ge1 + ge2) + q0
        rem = r - 9 * (ge1 + ge2)
        active = sorted({(base + l) % 9 for l in range(16)})
        outs.append(_select_gather(cols, rem, q, active))
    return outs


def _interleave_pair(a, b):
    l16 = lax.iota(jnp.int32, 16)
    outs = []
    for i in range(2):
        pos = l16 + 16 * i
        q = pos >> 1
        even = (pos & 1) == 0
        outs.append(jnp.where(even, _permute(a, q), _permute(b, q)))
    return outs


def _sc_body(w_hbm, c_hbm, probs_hbm, idx_hbm, w_v, c_v, p_v, i_v,
             sem_c, sem_w):
    wid = lax.axis_index("s")

    @pl.when(wid < _NCHUNK)
    def _():
        cpy = pltpu.async_copy(c_hbm.at[wid], c_v, sem_c)

        @pl.when(wid < _NCHUNK - 1)
        def _():
            pltpu.async_copy(w_hbm.at[pl.ds(wid * 144, 144)], w_v,
                             sem_w).wait()

        @pl.when(wid == _NCHUNK - 1)
        def _():
            pltpu.async_copy(w_hbm.at[pl.ds(864, 36)], w_v.at[pl.ds(0, 36)],
                             sem_w).wait()

        rows = [w_v[pl.ds(16 * i, 16)] for i in range(9)]
        cols = _deinterleave(rows)
        cpy.wait()

        zs = [(cols[j] + c_v[j, :]) * 2.0 for j in range(9)]
        m = zs[0]
        for j in range(1, 9):
            m = jnp.maximum(m, zs[j])
        es = [jnp.exp(z - m) for z in zs]
        s = es[0]
        for j in range(1, 9):
            s = s + es[j]
        rs = 1.0 / s
        ps = [e * rs for e in es]
        keys = [(p + 1e-7) * c_v[9 + j, :] for j, p in enumerate(ps)]

        best = keys[0]
        bi = jnp.zeros((16,), jnp.int32)
        for j in range(1, 9):
            g = keys[j] > best
            best = jnp.where(g, keys[j], best)
            bi = jnp.where(g, j, bi)
        neg = jnp.full((16,), -1.0, jnp.float32)
        best2 = jnp.where(bi == 0, neg, keys[0])
        b2i = jnp.zeros((16,), jnp.int32)
        for j in range(1, 9):
            cand = jnp.where(bi == j, neg, keys[j])
            g = cand > best2
            best2 = jnp.where(g, cand, best2)
            b2i = jnp.where(g, j, b2i)

        pflat = _interleave9(ps)
        for i in range(9):
            p_v[pl.ds(16 * i, 16)] = pflat[i]
        iflat = _interleave_pair(bi, b2i)
        i_v[pl.ds(0, 16)] = iflat[0]
        i_v[pl.ds(16, 16)] = iflat[1]

        @pl.when(wid < _NCHUNK - 1)
        def _():
            po = pltpu.async_copy(p_v, probs_hbm.at[pl.ds(wid * 144, 144)],
                                  sem_w)
            io = pltpu.async_copy(i_v, idx_hbm.at[pl.ds(wid * 32, 32)], sem_c)
            po.wait()
            io.wait()

        @pl.when(wid == _NCHUNK - 1)
        def _():
            po = pltpu.async_copy(p_v.at[pl.ds(0, 36)],
                                  probs_hbm.at[pl.ds(864, 36)], sem_w)
            io = pltpu.async_copy(i_v.at[pl.ds(0, 8)],
                                  idx_hbm.at[pl.ds(192, 8)], sem_c)
            po.wait()
            io.wait()


_sc_call_cache = []


def _get_sc_call():
    if not _sc_call_cache:
        _sc_call_cache.append(pl.kernel(
            _sc_body,
            out_type=[jax.ShapeDtypeStruct((900,), jnp.float32),
                      jax.ShapeDtypeStruct((200,), jnp.int32)],
            mesh=plsc.VectorSubcoreMesh(core_axis_name="c",
                                        subcore_axis_name="s", num_cores=1,
                                        num_subcores=8),
            scratch_types=[pltpu.VMEM((144,), jnp.float32),
                           pltpu.VMEM((18, 16), jnp.float32),
                           pltpu.VMEM((144,), jnp.float32),
                           pltpu.VMEM((32,), jnp.int32),
                           pltpu.SemaphoreType.DMA,
                           pltpu.SemaphoreType.DMA],
            compiler_params=pltpu.CompilerParams(use_tc_tiling_on_sc=False),
        ))
    return _sc_call_cache[0]


def kernel(inputs, weight):
    del inputs
    probs_flat, idx_flat = _get_sc_call()(weight.reshape(900), _CONSTS)
    return probs_flat.reshape(100, 9), idx_flat.reshape(100, 2)

# --- scband reference (transcript-rebuilt; emitter-appended) ---
"""Pipeline reference for scband-test-11879879541722 (READ-ONLY COPY).

The authoritative reference and input builder live on the scoring server;
editing this copy changes nothing except your own understanding.
"""

import jax, jax.numpy as jnp
import numpy as np


def setup_inputs(seed: int = 0) -> dict:
    key = jax.random.key(seed)
    k1, k2 = jax.random.split(key)
    inputs = jax.random.normal(k1, (64, 8192), dtype=jnp.float32)
    # weight param: nn.init.normal_(self.weight, 0, 0.01). The torch forward
    # re-initializes the weight with N(0, 0.01) noise on every call, so
    # sampling the parameter fresh here is distributionally faithful.
    weight = (jax.random.normal(k2, (100, 9), dtype=jnp.float32) * 0.01).astype(jnp.float32)
    return {"inputs": inputs, "weight": weight}


def reference(inputs, weight):
    # `inputs` is accepted but unused, exactly like the torch forward.
    key = jax.random.key(42)
    kg, ks = jax.random.split(key)
    logits = weight
    # gumbels = -torch.empty_like(logits).exponential_().log()
    # Exp(1) sample = -log(U),  so gumbel = -log(-log(U))
    u = jax.random.uniform(kg, logits.shape, minval=1e-20, maxval=1.0, dtype=logits.dtype)
    exp_sample = -jnp.log(u)
    gumbels = -jnp.log(exp_sample)
    new_logits = (logits + gumbels) / 0.5
    probs = jax.nn.softmax(new_logits, axis=1)
    # torch.multinomial(probs + 1e-7, 2, replacement=False) per row,
    # implemented with the Gumbel-top-k trick (exact for sampling w/o replacement)
    u2 = jax.random.uniform(ks, probs.shape, minval=1e-20, maxval=1.0, dtype=probs.dtype)
    g = -jnp.log(-jnp.log(u2))
    perturbed = jnp.log(probs + 1e-7) + g
    _, selected_index = jax.lax.top_k(perturbed, 2)
    return probs, selected_index.astype(jnp.int32)

if __name__ == "__main__":
    import jax
    _d = setup_inputs()
    print(jax.jit(kernel)(*tuple(_d.values())))

</pallas_src>

<mosaic_0001>
#map = affine_map<(d0, d1) -> (0)>
#map1 = affine_map<(d0, d1) -> (0, 0, 0)>
module attributes {stable_mosaic.version = 14 : i64} {
  func.func @_sc_body(%arg0: i32, %arg1: i32, %arg2: memref<900xf32, #tpu.memory_space<hbm>>, %arg3: memref<7x18x16xf32, #tpu.memory_space<hbm>>, %arg4: memref<900xf32, #tpu.memory_space<hbm>>, %arg5: memref<200xi32, #tpu.memory_space<hbm>>, %arg6: memref<144xf32, #tpu.memory_space<vmem>>, %arg7: memref<18x16xf32, #tpu.memory_space<vmem>>, %arg8: memref<144xf32, #tpu.memory_space<vmem>>, %arg9: memref<32xi32, #tpu.memory_space<vmem>>, %arg10: memref<!tpu.dma_semaphore, #tpu.memory_space<semaphore_mem>>, %arg11: memref<!tpu.dma_semaphore, #tpu.memory_space<semaphore_mem>>) attributes {dimension_semantics = [#tpu.dimension_semantics<core_parallel>, #tpu.dimension_semantics<subcore_parallel>], iteration_bounds = array<i64: 1, 8>, scalar_prefetch = 0 : i64, scratch_operands = 6 : i64, tpu.core_type = #tpu.core_type<sc_vector_subcore>, window_params = [{transform_indices = #map}, {transform_indices = #map1}, {transform_indices = #map}, {transform_indices = #map}]} {
    %lt3A = arith.constant 7 : i32
    %lt3A_0 = arith.cmpi slt, %arg1, %lt3A : i32
    %convert_element_type3A = arith.extui %lt3A_0 : i1 to i32
    %cond3A = arith.constant 0 : i32
    %cond3A_1 = arith.cmpi ne, %convert_element_type3A, %cond3A : i32
    scf.if %cond3A_1 {
      %dma_start3A = arith.constant 0 : i32
      %dma_start3A_2 = arith.constant 0 : i32
      %dma_start3A_3 = tpu.memref_slice %arg3[%arg1, %dma_start3A, %dma_start3A_2] : memref<7x18x16xf32, #tpu.memory_space<hbm>> -> memref<1x18x16xf32, #tpu.memory_space<hbm>>
      %dma_start3A_4 = tpu.memref_squeeze %dma_start3A_3 : memref<1x18x16xf32, #tpu.memory_space<hbm>> -> memref<18x16xf32, #tpu.memory_space<hbm>>
      %dma_start3A_5 = arith.constant 0 : i32
      %dma_start3A_6 = arith.constant 0 : i32
      %dma_start3A_7 = tpu.memref_slice %arg3[%arg1, %dma_start3A_5, %dma_start3A_6] : memref<7x18x16xf32, #tpu.memory_space<hbm>> -> memref<1x18x16xf32, #tpu.memory_space<hbm>>
      %dma_start3A_8 = tpu.memref_squeeze %dma_start3A_7 : memref<1x18x16xf32, #tpu.memory_space<hbm>> -> memref<18x16xf32, #tpu.memory_space<hbm>>
      tpu.enqueue_dma source(%dma_start3A_8 : memref<18x16xf32, #tpu.memory_space<hbm>>) target(%arg7 : memref<18x16xf32, #tpu.memory_space<vmem>>) target_semaphore(%arg10 : memref<!tpu.dma_semaphore, #tpu.memory_space<semaphore_mem>>)
      %lt3A_9 = arith.constant 6 : i32
      %lt3A_10 = arith.cmpi slt, %arg1, %lt3A_9 : i32
      %convert_element_type3A_11 = arith.extui %lt3A_10 : i1 to i32
      %cond3A_12 = arith.constant 0 : i32
      %cond3A_13 = arith.cmpi ne, %convert_element_type3A_11, %cond3A_12 : i32
      scf.if %cond3A_13 {
        %mul3A_1881 = arith.constant 144 : i32
        %mul3A_1882 = arith.muli %arg1, %mul3A_1881 : i32
        %dma_start3A_1883 = tpu.memref_slice %arg2[%mul3A_1882] : memref<900xf32, #tpu.memory_space<hbm>> -> memref<144xf32, #tpu.memory_space<hbm>>
        %dma_start3A_1884 = tpu.memref_slice %arg2[%mul3A_1882] : memref<900xf32, #tpu.memory_space<hbm>> -> memref<144xf32, #tpu.memory_space<hbm>>
        tpu.enqueue_dma source(%dma_start3A_1884 : memref<144xf32, #tpu.memory_space<hbm>>) target(%arg6 : memref<144xf32, #tpu.memory_space<vmem>>) target_semaphore(%arg11 : memref<!tpu.dma_semaphore, #tpu.memory_space<semaphore_mem>>)
        %dma_wait3A_1885 = tpu.memref_slice %arg2[%mul3A_1882] : memref<900xf32, #tpu.memory_space<hbm>> -> memref<144xf32, #tpu.memory_space<hbm>>
        %dma_wait3A_1886 = tpu.memref_slice %arg2[%mul3A_1882] : memref<900xf32, #tpu.memory_space<hbm>> -> memref<144xf32, #tpu.memory_space<hbm>>
        tpu.wait_dma2 semaphore(%arg11 : memref<!tpu.dma_semaphore, #tpu.memory_space<semaphore_mem>>) src(%dma_wait3A_1886 : memref<144xf32, #tpu.memory_space<hbm>>) dst(%arg6 : memref<144xf32, #tpu.memory_space<vmem>>)
      } else {
      }
      %eq3A = arith.constant 6 : i32
      %eq3A_14 = arith.cmpi eq, %arg1, %eq3A : i32
      %convert_element_type3A_15 = arith.extui %eq3A_14 : i1 to i32
      %cond3A_16 = arith.constant 0 : i32
      %cond3A_17 = arith.cmpi ne, %convert_element_type3A_15, %cond3A_16 : i32
      scf.if %cond3A_17 {
        %dma_start3A_1881 = arith.constant 0 : i32
        %dma_start3A_1882 = tpu.memref_slice %arg6[%dma_start3A_1881] : memref<144xf32, #tpu.memory_space<vmem>> -> memref<36xf32, #tpu.memory_space<vmem>>
        %dma_start3A_1883 = arith.constant 864 : i32
        %dma_start3A_1884 = tpu.memref_slice %arg2[%dma_start3A_1883] : memref<900xf32, #tpu.memory_space<hbm>> -> memref<36xf32, #tpu.memory_space<hbm>>
        %dma_start3A_1885 = arith.constant 0 : i32
        %dma_start3A_1886 = tpu.memref_slice %arg6[%dma_start3A_1885] : memref<144xf32, #tpu.memory_space<vmem>> -> memref<36xf32, #tpu.memory_space<vmem>>
        %dma_start3A_1887 = arith.constant 864 : i32
        %dma_start3A_1888 = tpu.memref_slice %arg2[%dma_start3A_1887] : memref<900xf32, #tpu.memory_space<hbm>> -> memref<36xf32, #tpu.memory_space<hbm>>
        tpu.enqueue_dma source(%dma_start3A_1888 : memref<36xf32, #tpu.memory_space<hbm>>) target(%dma_start3A_1886 : memref<36xf32, #tpu.memory_space<vmem>>) target_semaphore(%arg11 : memref<!tpu.dma_semaphore, #tpu.memory_space<semaphore_mem>>)
        %dma_wait3A_1889 = arith.constant 0 : i32
        %dma_wait3A_1890 = tpu.memref_slice %arg6[%dma_wait3A_1889] : memref<144xf32, #tpu.memory_space<vmem>> -> memref<36xf32, #tpu.memory_space<vmem>>
        %dma_wait3A_1891 = arith.constant 864 : i32
        %dma_wait3A_1892 = tpu.memref_slice %arg2[%dma_wait3A_1891] : memref<900xf32, #tpu.memory_space<hbm>> -> memref<36xf32, #tpu.memory_space<hbm>>
        %dma_wait3A_1893 = arith.constant 0 : i32
        %dma_wait3A_1894 = tpu.memref_slice %arg6[%dma_wait3A_1893] : memref<144xf32, #tpu.memory_space<vmem>> -> memref<36xf32, #tpu.memory_space<vmem>>
        %dma_wait3A_1895 = arith.constant 864 : i32
        %dma_wait3A_1896 = tpu.memref_slice %arg2[%dma_wait3A_1895] : memref<900xf32, #tpu.memory_space<hbm>> -> memref<36xf32, #tpu.memory_space<hbm>>
        tpu.wait_dma2 semaphore(%arg11 : memref<!tpu.dma_semaphore, #tpu.memory_space<semaphore_mem>>) src(%dma_wait3A_1896 : memref<36xf32, #tpu.memory_space<hbm>>) dst(%dma_wait3A_1894 : memref<36xf32, #tpu.memory_space<vmem>>)
      } else {
      }
      %get3A = arith.constant 0 : index
      %get3A_18 = tpu.vector_load %arg6[%get3A] {strides = array<i32>} : memref<144xf32, #tpu.memory_space<vmem>>, vector<16xf32>,
      %get3A_19 = vector.shape_cast %get3A_18 : vector<16xf32> to vector<16xf32>
      %get3A_20 = arith.constant 16 : index
      %get3A_21 = tpu.vector_load %arg6[%get3A_20] {strides = array<i32>} : memref<144xf32, #tpu.memory_space<vmem>>, vector<16xf32>,
      %get3A_22 = vector.shape_cast %get3A_21 : vector<16xf32> to vector<16xf32>
      %get3A_23 = arith.constant 32 : index
      %get3A_24 = tpu.vector_load %arg6[%get3A_23] {strides = array<i32>} : memref<144xf32, #tpu.memory_space<vmem>>, vector<16xf32>,
      %get3A_25 = vector.shape_cast %get3A_24 : vector<16xf32> to vector<16xf32>
      %get3A_26 = arith.constant 48 : index
      %get3A_27 = tpu.vector_load %arg6[%get3A_26] {strides = array<i32>} : memref<144xf32, #tpu.memory_space<vmem>>, vector<16xf32>,
      %get3A_28 = vector.shape_cast %get3A_27 : vector<16xf32> to vector<16xf32>
      %get3A_29 = arith.constant 64 : index
      %get3A_30 = tpu.vector_load %arg6[%get3A_29] {strides = array<i32>} : memref<144xf32, #tpu.memory_space<vmem>>, vector<16xf32>,
      %get3A_31 = vector.shape_cast %get3A_30 : vector<16xf32> to vector<16xf32>
      %get3A_32 = arith.constant 80 : index
      %get3A_33 = tpu.vector_load %arg6[%get3A_32] {strides = array<i32>} : memref<144xf32, #tpu.memory_space<vmem>>, vector<16xf32>,
      %get3A_34 = vector.shape_cast %get3A_33 : vector<16xf32> to vector<16xf32>
      %get3A_35 = arith.constant 96 : index
      %get3A_36 = tpu.vector_load %arg6[%get3A_35] {strides = array<i32>} : memref<144xf32, #tpu.memory_space<vmem>>, vector<16xf32>,
      %get3A_37 = vector.shape_cast %get3A_36 : vector<16xf32> to vector<16xf32>
      %get3A_38 = arith.constant 112 : index
      %get3A_39 = tpu.vector_load %arg6[%get3A_38] {strides = array<i32>} : memref<144xf32, #tpu.memory_space<vmem>>, vector<16xf32>,
      %get3A_40 = vector.shape_cast %get3A_39 : vector<16xf32> to vector<16xf32>
      %get3A_41 = arith.constant 128 : index
      %get3A_42 = tpu.vector_load %arg6[%get3A_41] {strides = array<i32>} : memref<144xf32, #tpu.memory_space<vmem>>, vector<16xf32>,
      %get3A_43 = vector.shape_cast %get3A_42 : vector<16xf32> to vector<16xf32>
      %iota3A = tpu.iota {dimensions = array<i32: 0>} : vector<16xi32>
      %mul3A = arith.constant 9 : i32
      %mul3A_44 = vector.broadcast %mul3A : i32 to vector<16xi32>
      %mul3A_45 = arith.muli %iota3A, %mul3A_44 : vector<16xi32>
      %add3A = arith.constant 0 : i32
      %add3A_46 = vector.broadcast %add3A : i32 to vector<16xi32>
      %add3A_47 = arith.addi %mul3A_45, %add3A_46 : vector<16xi32>
      %shift_right_arithmetic3A = arith.constant 4 : i32
      %shift_right_arithmetic3A_48 = vector.broadcast %shift_right_arithmetic3A : i32 to vector<16xi32>
      %shift_right_arithmetic3A_49 = arith.shrsi %add3A_47, %shift_right_arithmetic3A_48 : vector<16xi32>
      %and3A = arith.constant 15 : i32
      %and3A_50 = vector.broadcast %and3A : i32 to vector<16xi32>
      %and3A_51 = arith.andi %add3A_47, %and3A_50 : vector<16xi32>
      %reshape3A = vector.shape_cast %and3A_51 : vector<16xi32> to vector<16x1xi32>
      %gather3A = vector.shape_cast %reshape3A : vector<16x1xi32> to vector<16xi32>
      %gather3A_52 = tpu.dynamic_gather %get3A_19[%gather3A] in [0] : vector<16xf32>, vector<16xi32> -> vector<16xf32>
      %reshape3A_53 = vector.shape_cast %and3A_51 : vector<16xi32> to vector<16x1xi32>
      %gather3A_54 = vector.shape_cast %reshape3A_53 : vector<16x1xi32> to vector<16xi32>
      %gather3A_55 = tpu.dynamic_gather %get3A_22[%gather3A_54] in [0] : vector<16xf32>, vector<16xi32> -> vector<16xf32>
      %eq3A_56 = arith.constant 1 : i32
      %eq3A_57 = vector.broadcast %eq3A_56 : i32 to vector<16xi32>
      %eq3A_58 = arith.cmpi eq, %shift_right_arithmetic3A_49, %eq3A_57 : vector<16xi32>
      %select_n3A = arith.select %eq3A_58, %gather3A_55, %gather3A_52 : vector<16xi1>, vector<16xf32>
      %reshape3A_59 = vector.shape_cast %and3A_51 : vector<16xi32> to vector<16x1xi32>
      %gather3A_60 = vector.shape_cast %reshape3A_59 : vector<16x1xi32> to vector<16xi32>
      %gather3A_61 = tpu.dynamic_gather %get3A_25[%gather3A_60] in [0] : vector<16xf32>, vector<16xi32> -> vector<16xf32>
      %eq3A_62 = arith.constant 2 : i32
      %eq3A_63 = vector.broadcast %eq3A_62 : i32 to vector<16xi32>
      %eq3A_64 = arith.cmpi eq, %shift_right_arithmetic3A_49, %eq3A_63 : vector<16xi32>
      %select_n3A_65 = arith.select %eq3A_64, %gather3A_61, %select_n3A : vector<16xi1>, vector<16xf32>
      %reshape3A_66 = vector.shape_cast %and3A_51 : vector<16xi32> to vector<16x1xi32>
      %gather3A_67 = vector.shape_cast %reshape3A_66 : vector<16x1xi32> to vector<16xi32>
      %gather3A_68 = tpu.dynamic_gather %get3A_28[%gather3A_67] in [0] : vector<16xf32>, vector<16xi32> -> vector<16xf32>
      %eq3A_69 = arith.constant 3 : i32
      %eq3A_70 = vector.broadcast %eq3A_69 : i32 to vector<16xi32>
      %eq3A_71 = arith.cmpi eq, %shift_right_arithmetic3A_49, %eq3A_70 : vector<16xi32>
      %select_n3A_72 = arith.select %eq3A_71, %gather3A_68, %select_n3A_65 : vector<16xi1>, vector<16xf32>
      %reshape3A_73 = vector.shape_cast %and3A_51 : vector<16xi32> to vector<16x1xi32>
      %gather3A_74 = vector.shape_cast %reshape3A_73 : vector<16x1xi32> to vector<16xi32>
      %gather3A_75 = tpu.dynamic_gather %get3A_31[%gather3A_74] in [0] : vector<16xf32>, vector<16xi32> -> vector<16xf32>
      %eq3A_76 = arith.constant 4 : i32
      %eq3A_77 = vector.broadcast %eq3A_76 : i32 to vector<16xi32>
      %eq3A_78 = arith.cmpi eq, %shift_right_arithmetic3A_49, %eq3A_77 : vector<16xi32>
      %select_n3A_79 = arith.select %eq3A_78, %gather3A_75, %select_n3A_72 : vector<16xi1>, vector<16xf32>
      %reshape3A_80 = vector.shape_cast %and3A_51 : vector<16xi32> to vector<16x1xi32>
      %gather3A_81 = vector.shape_cast %reshape3A_80 : vector<16x1xi32> to vector<16xi32>
      %gather3A_82 = tpu.dynamic_gather %get3A_34[%gather3A_81] in [0] : vector<16xf32>, vector<16xi32> -> vector<16xf32>
      %eq3A_83 = arith.constant 5 : i32
      %eq3A_84 = vector.broadcast %eq3A_83 : i32 to vector<16xi32>
      %eq3A_85 = arith.cmpi eq, %shift_right_arithmetic3A_49, %eq3A_84 : vector<16xi32>
      %select_n3A_86 = arith.select %eq3A_85, %gather3A_82, %select_n3A_79 : vector<16xi1>, vector<16xf32>
      %reshape3A_87 = vector.shape_cast %and3A_51 : vector<16xi32> to vector<16x1xi32>
      %gather3A_88 = vector.shape_cast %reshape3A_87 : vector<16x1xi32> to vector<16xi32>
      %gather3A_89 = tpu.dynamic_gather %get3A_37[%gather3A_88] in [0] : vector<16xf32>, vector<16xi32> -> vector<16xf32>
      %eq3A_90 = arith.constant 6 : i32
      %eq3A_91 = vector.broadcast %eq3A_90 : i32 to vector<16xi32>
      %eq3A_92 = arith.cmpi eq, %shift_right_arithmetic3A_49, %eq3A_91 : vector<16xi32>
      %select_n3A_93 = arith.select %eq3A_92, %gather3A_89, %select_n3A_86 : vector<16xi1>, vector<16xf32>
      %reshape3A_94 = vector.shape_cast %and3A_51 : vector<16xi32> to vector<16x1xi32>
      %gather3A_95 = vector.shape_cast %reshape3A_94 : vector<16x1xi32> to vector<16xi32>
      %gather3A_96 = tpu.dynamic_gather %get3A_40[%gather3A_95] in [0] : vector<16xf32>, vector<16xi32> -> vector<16xf32>
      %eq3A_97 = arith.constant 7 : i32
      %eq3A_98 = vector.broadcast %eq3A_97 : i32 to vector<16xi32>
      %eq3A_99 = arith.cmpi eq, %shift_right_arithmetic3A_49, %eq3A_98 : vector<16xi32>
      %select_n3A_100 = arith.select %eq3A_99, %gather3A_96, %select_n3A_93 : vector<16xi1>, vector<16xf32>
      %reshape3A_101 = vector.shape_cast %and3A_51 : vector<16xi32> to vector<16x1xi32>
      %gather3A_102 = vector.shape_cast %reshape3A_101 : vector<16x1xi32> to vector<16xi32>
      %gather3A_103 = tpu.dynamic_gather %get3A_43[%gather3A_102] in [0] : vector<16xf32>, vector<16xi32> -> vector<16xf32>
      %eq3A_104 = arith.constant 8 : i32
      %eq3A_105 = vector.broadcast %eq3A_104 : i32 to vector<16xi32>
      %eq3A_106 = arith.cmpi eq, %shift_right_arithmetic3A_49, %eq3A_105 : vector<16xi32>
      %select_n3A_107 = arith.select %eq3A_106, %gather3A_103, %select_n3A_100 : vector<16xi1>, vector<16xf32>
      %mul3A_108 = arith.constant 9 : i32
      %mul3A_109 = vector.broadcast %mul3A_108 : i32 to vector<16xi32>
      %mul3A_110 = arith.muli %iota3A, %mul3A_109 : vector<16xi32>
      %add3A_111 = arith.constant 1 : i32
      %add3A_112 = vector.broadcast %add3A_111 : i32 to vector<16xi32>
      %add3A_113 = arith.addi %mul3A_110, %add3A_112 : vector<16xi32>
      %shift_right_arithmetic3A_114 = arith.constant 4 : i32
      %shift_right_arithmetic3A_115 = vector.broadcast %shift_right_arithmetic3A_114 : i32 to vector<16xi32>
      %shift_right_arithmetic3A_116 = arith.shrsi %add3A_113, %shift_right_arithmetic3A_115 : vector<16xi32>
      %and3A_117 = arith.constant 15 : i32
      %and3A_118 = vector.broadcast %and3A_117 : i32 to vector<16xi32>
      %and3A_119 = arith.andi %add3A_113, %and3A_118 : vector<16xi32>
      %reshape3A_120 = vector.shape_cast %and3A_119 : vector<16xi32> to vector<16x1xi32>
      %gather3A_121 = vector.shape_cast %reshape3A_120 : vector<16x1xi32> to vector<16xi32>
      %gather3A_122 = tpu.dynamic_gather %get3A_19[%gather3A_121] in [0] : vector<16xf32>, vector<16xi32> -> vector<16xf32>
      %reshape3A_123 = vector.shape_cast %and3A_119 : vector<16xi32> to vector<16x1xi32>
      %gather3A_124 = vector.shape_cast %reshape3A_123 : vector<16x1xi32> to vector<16xi32>
      %gather3A_125 = tpu.dynamic_gather %get3A_22[%gather3A_124] in [0] : vector<16xf32>, vector<16xi32> -> vector<16xf32>
      %eq3A_126 = arith.constant 1 : i32
      %eq3A_127 = vector.broadcast %eq3A_126 : i32 to vector<16xi32>
      %eq3A_128 = arith.cmpi eq, %shift_right_arithmetic3A_116, %eq3A_127 : vector<16xi32>
      %select_n3A_129 = arith.select %eq3A_128, %gather3A_125, %gather3A_122 : vector<16xi1>, vector<16xf32>
      %reshape3A_130 = vector.shape_cast %and3A_119 : vector<16xi32> to vector<16x1xi32>
      %gather3A_131 = vector.shape_cast %reshape3A_130 : vector<16x1xi32> to vector<16xi32>
      %gather3A_132 = tpu.dynamic_gather %get3A_25[%gather3A_131] in [0] : vector<16xf32>, vector<16xi32> -> vector<16xf32>
      %eq3A_133 = arith.constant 2 : i32
      %eq3A_134 = vector.broadcast %eq3A_133 : i32 to vector<16xi32>
      %eq3A_135 = arith.cmpi eq, %shift_right_arithmetic3A_116, %eq3A_134 : vector<16xi32>
      %select_n3A_136 = arith.select %eq3A_135, %gather3A_132, %select_n3A_129 : vector<16xi1>, vector<16xf32>
      %reshape3A_137 = vector.shape_cast %and3A_119 : vector<16xi32> to vector<16x1xi32>
      %gather3A_138 = vector.shape_cast %reshape3A_137 : vector<16x1xi32> to vector<16xi32>
      %gather3A_139 = tpu.dynamic_gather %get3A_28[%gather3A_138] in [0] : vector<16xf32>, vector<16xi32> -> vector<16xf32>
      %eq3A_140 = arith.constant 3 : i32
      %eq3A_141 = vector.broadcast %eq3A_140 : i32 to vector<16xi32>
      %eq3A_142 = arith.cmpi eq, %shift_right_arithmetic3A_116, %eq3A_141 : vector<16xi32>
      %select_n3A_143 = arith.select %eq3A_142, %gather3A_139, %select_n3A_136 : vector<16xi1>, vector<16xf32>
      %reshape3A_144 = vector.shape_cast %and3A_119 : vector<16xi32> to vector<16x1xi32>
      %gather3A_145 = vector.shape_cast %reshape3A_144 : vector<16x1xi32> to vector<16xi32>
      %gather3A_146 = tpu.dynamic_gather %get3A_31[%gather3A_145] in [0] : vector<16xf32>, vector<16xi32> -> vector<16xf32>
      %eq3A_147 = arith.constant 4 : i32
      %eq3A_148 = vector.broadcast %eq3A_147 : i32 to vector<16xi32>
      %eq3A_149 = arith.cmpi eq, %shift_right_arithmetic3A_116, %eq3A_148 : vector<16xi32>
      %select_n3A_150 = arith.select %eq3A_149, %gather3A_146, %select_n3A_143 : vector<16xi1>, vector<16xf32>
      %reshape3A_151 = vector.shape_cast %and3A_119 : vector<16xi32> to vector<16x1xi32>
      %gather3A_152 = vector.shape_cast %reshape3A_151 : vector<16x1xi32> to vector<16xi32>
      %gather3A_153 = tpu.dynamic_gather %get3A_34[%gather3A_152] in [0] : vector<16xf32>, vector<16xi32> -> vector<16xf32>
      %eq3A_154 = arith.constant 5 : i32
      %eq3A_155 = vector.broadcast %eq3A_154 : i32 to vector<16xi32>
      %eq3A_156 = arith.cmpi eq, %shift_right_arithmetic3A_116, %eq3A_155 : vector<16xi32>
      %select_n3A_157 = arith.select %eq3A_156, %gather3A_153, %select_n3A_150 : vector<16xi1>, vector<16xf32>
      %reshape3A_158 = vector.shape_cast %and3A_119 : vector<16xi32> to vector<16x1xi32>
      %gather3A_159 = vector.shape_cast %reshape3A_158 : vector<16x1xi32> to vector<16xi32>
      %gather3A_160 = tpu.dynamic_gather %get3A_37[%gather3A_159] in [0] : vector<16xf32>, vector<16xi32> -> vector<16xf32>
      %eq3A_161 = arith.constant 6 : i32
      %eq3A_162 = vector.broadcast %eq3A_161 : i32 to vector<16xi32>
      %eq3A_163 = arith.cmpi eq, %shift_right_arithmetic3A_116, %eq3A_162 : vector<16xi32>
      %select_n3A_164 = arith.select %eq3A_163, %gather3A_160, %select_n3A_157 : vector<16xi1>, vector<16xf32>
      %reshape3A_165 = vector.shape_cast %and3A_119 : vector<16xi32> to vector<16x1xi32>
      %gather3A_166 = vector.shape_cast %reshape3A_165 : vector<16x1xi32> to vector<16xi32>
      %gather3A_167 = tpu.dynamic_gather %get3A_40[%gather3A_166] in [0] : vector<16xf32>, vector<16xi32> -> vector<16xf32>
      %eq3A_168 = arith.constant 7 : i32
      %eq3A_169 = vector.broadcast %eq3A_168 : i32 to vector<16xi32>
      %eq3A_170 = arith.cmpi eq, %shift_right_arithmetic3A_116, %eq3A_169 : vector<16xi32>
      %select_n3A_171 = arith.select %eq3A_170, %gather3A_167, %select_n3A_164 : vector<16xi1>, vector<16xf32>
      %reshape3A_172 = vector.shape_cast %and3A_119 : vector<16xi32> to vector<16x1xi32>
      %gather3A_173 = vector.shape_cast %reshape3A_172 : vector<16x1xi32> to vector<16xi32>
      %gather3A_174 = tpu.dynamic_gather %get3A_43[%gather3A_173] in [0] : vector<16xf32>, vector<16xi32> -> vector<16xf32>
      %eq3A_175 = arith.constant 8 : i32
      %eq3A_176 = vector.broadcast %eq3A_175 : i32 to vector<16xi32>
      %eq3A_177 = arith.cmpi eq, %shift_right_arithmetic3A_116, %eq3A_176 : vector<16xi32>
      %select_n3A_178 = arith.select %eq3A_177, %gather3A_174, %select_n3A_171 : vector<16xi1>, vector<16xf32>
      %mul3A_179 = arith.constant 9 : i32
      %mul3A_180 = vector.broadcast %mul3A_179 : i32 to vector<16xi32>
      %mul3A_181 = arith.muli %iota3A, %mul3A_180 : vector<16xi32>
      %add3A_182 = arith.constant 2 : i32
      %add3A_183 = vector.broadcast %add3A_182 : i32 to vector<16xi32>
      %add3A_184 = arith.addi %mul3A_181, %add3A_183 : vector<16xi32>
      %shift_right_arithmetic3A_185 = arith.constant 4 : i32
      %shift_right_arithmetic3A_186 = vector.broadcast %shift_right_arithmetic3A_185 : i32 to vector<16xi32>
      %shift_right_arithmetic3A_187 = arith.shrsi %add3A_184, %shift_right_arithmetic3A_186 : vector<16xi32>
      %and3A_188 = arith.constant 15 : i32
      %and3A_189 = vector.broadcast %and3A_188 : i32 to vector<16xi32>
      %and3A_190 = arith.andi %add3A_184, %and3A_189 : vector<16xi32>
      %reshape3A_191 = vector.shape_cast %and3A_190 : vector<16xi32> to vector<16x1xi32>
      %gather3A_192 = vector.shape_cast %reshape3A_191 : vector<16x1xi32> to vector<16xi32>
      %gather3A_193 = tpu.dynamic_gather %get3A_19[%gather3A_192] in [0] : vector<16xf32>, vector<16xi32> -> vector<16xf32>
      %reshape3A_194 = vector.shape_cast %and3A_190 : vector<16xi32> to vector<16x1xi32>
      %gather3A_195 = vector.shape_cast %reshape3A_194 : vector<16x1xi32> to vector<16xi32>
      %gather3A_196 = tpu.dynamic_gather %get3A_22[%gather3A_195] in [0] : vector<16xf32>, vector<16xi32> -> vector<16xf32>
      %eq3A_197 = arith.constant 1 : i32
      %eq3A_198 = vector.broadcast %eq3A_197 : i32 to vector<16xi32>
      %eq3A_199 = arith.cmpi eq, %shift_right_arithmetic3A_187, %eq3A_198 : vector<16xi32>
      %select_n3A_200 = arith.select %eq3A_199, %gather3A_196, %gather3A_193 : vector<16xi1>, vector<16xf32>
      %reshape3A_201 = vector.shape_cast %and3A_190 : vector<16xi32> to vector<16x1xi32>
      %gather3A_202 = vector.shape_cast %reshape3A_201 : vector<16x1xi32> to vector<16xi32>
      %gather3A_203 = tpu.dynamic_gather %get3A_25[%gather3A_202] in [0] : vector<16xf32>, vector<16xi32> -> vector<16xf32>
      %eq3A_204 = arith.constant 2 : i32
      %eq3A_205 = vector.broadcast %eq3A_204 : i32 to vector<16xi32>
      %eq3A_206 = arith.cmpi eq, %shift_right_arithmetic3A_187, %eq3A_205 : vector<16xi32>
      %select_n3A_207 = arith.select %eq3A_206, %gather3A_203, %select_n3A_200 : vector<16xi1>, vector<16xf32>
      %reshape3A_208 = vector.shape_cast %and3A_190 : vector<16xi32> to vector<16x1xi32>
      %gather3A_209 = vector.shape_cast %reshape3A_208 : vector<16x1xi32> to vector<16xi32>
      %gather3A_210 = tpu.dynamic_gather %get3A_28[%gather3A_209] in [0] : vector<16xf32>, vector<16xi32> -> vector<16xf32>
      %eq3A_211 = arith.constant 3 : i32
      %eq3A_212 = vector.broadcast %eq3A_211 : i32 to vector<16xi32>
      %eq3A_213 = arith.cmpi eq, %shift_right_arithmetic3A_187, %eq3A_212 : vector<16xi32>
      %select_n3A_214 = arith.select %eq3A_213, %gather3A_210, %select_n3A_207 : vector<16xi1>, vector<16xf32>
      %reshape3A_215 = vector.shape_cast %and3A_190 : vector<16xi32> to vector<16x1xi32>
      %gather3A_216 = vector.shape_cast %reshape3A_215 : vector<16x1xi32> to vector<16xi32>
      %gather3A_217 = tpu.dynamic_gather %get3A_31[%gather3A_216] in [0] : vector<16xf32>, vector<16xi32> -> vector<16xf32>
      %eq3A_218 = arith.constant 4 : i32
      %eq3A_219 = vector.broadcast %eq3A_218 : i32 to vector<16xi32>
      %eq3A_220 = arith.cmpi eq, %shift_right_arithmetic3A_187, %eq3A_219 : vector<16xi32>
      %select_n3A_221 = arith.select %eq3A_220, %gather3A_217, %select_n3A_214 : vector<16xi1>, vector<16xf32>
      %reshape3A_222 = vector.shape_cast %and3A_190 : vector<16xi32> to vector<16x1xi32>
      %gather3A_223 = vector.shape_cast %reshape3A_222 : vector<16x1xi32> to vector<16xi32>
      %gather3A_224 = tpu.dynamic_gather %get3A_34[%gather3A_223] in [0] : vector<16xf32>, vector<16xi32> -> vector<16xf32>
      %eq3A_225 = arith.constant 5 : i32
      %eq3A_226 = vector.broadcast %eq3A_225 : i32 to vector<16xi32>
      %eq3A_227 = arith.cmpi eq, %shift_right_arithmetic3A_187, %eq3A_226 : vector<16xi32>
      %select_n3A_228 = arith.select %eq3A_227, %gather3A_224, %select_n3A_221 : vector<16xi1>, vector<16xf32>
      %reshape3A_229 = vector.shape_cast %and3A_190 : vector<16xi32> to vector<16x1xi32>
      %gather3A_230 = vector.shape_cast %reshape3A_229 : vector<16x1xi32> to vector<16xi32>
      %gather3A_231 = tpu.dynamic_gather %get3A_37[%gather3A_230] in [0] : vector<16xf32>, vector<16xi32> -> vector<16xf32>
      %eq3A_232 = arith.constant 6 : i32
      %eq3A_233 = vector.broadcast %eq3A_232 : i32 to vector<16xi32>
      %eq3A_234 = arith.cmpi eq, %shift_right_arithmetic3A_187, %eq3A_233 : vector<16xi32>
      %select_n3A_235 = arith.select %eq3A_234, %gather3A_231, %select_n3A_228 : vector<16xi1>, vector<16xf32>
      %reshape3A_236 = vector.shape_cast %and3A_190 : vector<16xi32> to vector<16x1xi32>
      %gather3A_237 = vector.shape_cast %reshape3A_236 : vector<16x1xi32> to vector<16xi32>
      %gather3A_238 = tpu.dynamic_gather %get3A_40[%gather3A_237] in [0] : vector<16xf32>, vector<16xi32> -> vector<16xf32>
      %eq3A_239 = arith.constant 7 : i32
      %eq3A_240 = vector.broadcast %eq3A_239 : i32 to vector<16xi32>
      %eq3A_241 = arith.cmpi eq, %shift_right_arithmetic3A_187, %eq3A_240 : vector<16xi32>
      %select_n3A_242 = arith.select %eq3A_241, %gather3A_238, %select_n3A_235 : vector<16xi1>, vector<16xf32>
      %reshape3A_243 = vector.shape_cast %and3A_190 : vector<16xi32> to vector<16x1xi32>
      %gather3A_244 = vector.shape_cast %reshape3A_243 : vector<16x1xi32> to vector<16xi32>
      %gather3A_245 = tpu.dynamic_gather %get3A_43[%gather3A_244] in [0] : vector<16xf32>, vector<16xi32> -> vector<16xf32>
      %eq3A_246 = arith.constant 8 : i32
      %eq3A_247 = vector.broadcast %eq3A_246 : i32 to vector<16xi32>
      %eq3A_248 = arith.cmpi eq, %shift_right_arithmetic3A_187, %eq3A_247 : vector<16xi32>
      %select_n3A_249 = arith.select %eq3A_248, %gather3A_245, %select_n3A_242 : vector<16xi1>, vector<16xf32>
      %mul3A_250 = arith.constant 9 : i32
      %mul3A_251 = vector.broadcast %mul3A_250 : i32 to vector<16xi32>
      %mul3A_252 = arith.muli %iota3A, %mul3A_251 : vector<16xi32>
      %add3A_253 = arith.constant 3 : i32
      %add3A_254 = vector.broadcast %add3A_253 : i32 to vector<16xi32>
      %add3A_255 = arith.addi %mul3A_252, %add3A_254 : vector<16xi32>
      %shift_right_arithmetic3A_256 = arith.constant 4 : i32
      %shift_right_arithmetic3A_257 = vector.broadcast %shift_right_arithmetic3A_256 : i32 to vector<16xi32>
      %shift_right_arithmetic3A_258 = arith.shrsi %add3A_255, %shift_right_arithmetic3A_257 : vector<16xi32>
      %and3A_259 = arith.constant 15 : i32
      %and3A_260 = vector.broadcast %and3A_259 : i32 to vector<16xi32>
      %and3A_261 = arith.andi %add3A_255, %and3A_260 : vector<16xi32>
      %reshape3A_262 = vector.shape_cast %and3A_261 : vector<16xi32> to vector<16x1xi32>
      %gather3A_263 = vector.shape_cast %reshape3A_262 : vector<16x1xi32> to vector<16xi32>
      %gather3A_264 = tpu.dynamic_gather %get3A_19[%gather3A_263] in [0] : vector<16xf32>, vector<16xi32> -> vector<16xf32>
      %reshape3A_265 = vector.shape_cast %and3A_261 : vector<16xi32> to vector<16x1xi32>
      %gather3A_266 = vector.shape_cast %reshape3A_265 : vector<16x1xi32> to vector<16xi32>
      %gather3A_267 = tpu.dynamic_gather %get3A_22[%gather3A_266] in [0] : vector<16xf32>, vector<16xi32> -> vector<16xf32>
      %eq3A_268 = arith.constant 1 : i32
      %eq3A_269 = vector.broadcast %eq3A_268 : i32 to vector<16xi32>
      %eq3A_270 = arith.cmpi eq, %shift_right_arithmetic3A_258, %eq3A_269 : vector<16xi32>
      %select_n3A_271 = arith.select %eq3A_270, %gather3A_267, %gather3A_264 : vector<16xi1>, vector<16xf32>
      %reshape3A_272 = vector.shape_cast %and3A_261 : vector<16xi32> to vector<16x1xi32>
      %gather3A_273 = vector.shape_cast %reshape3A_272 : vector<16x1xi32> to vector<16xi32>
      %gather3A_274 = tpu.dynamic_gather %get3A_25[%gather3A_273] in [0] : vector<16xf32>, vector<16xi32> -> vector<16xf32>
      %eq3A_275 = arith.constant 2 : i32
      %eq3A_276 = vector.broadcast %eq3A_275 : i32 to vector<16xi32>
      %eq3A_277 = arith.cmpi eq, %shift_right_arithmetic3A_258, %eq3A_276 : vector<16xi32>
      %select_n3A_278 = arith.select %eq3A_277, %gather3A_274, %select_n3A_271 : vector<16xi1>, vector<16xf32>
      %reshape3A_279 = vector.shape_cast %and3A_261 : vector<16xi32> to vector<16x1xi32>
      %gather3A_280 = vector.shape_cast %reshape3A_279 : vector<16x1xi32> to vector<16xi32>
      %gather3A_281 = tpu.dynamic_gather %get3A_28[%gather3A_280] in [0] : vector<16xf32>, vector<16xi32> -> vector<16xf32>
      %eq3A_282 = arith.constant 3 : i32
      %eq3A_283 = vector.broadcast %eq3A_282 : i32 to vector<16xi32>
      %eq3A_284 = arith.cmpi eq, %shift_right_arithmetic3A_258, %eq3A_283 : vector<16xi32>
      %select_n3A_285 = arith.select %eq3A_284, %gather3A_281, %select_n3A_278 : vector<16xi1>, vector<16xf32>
      %reshape3A_286 = vector.shape_cast %and3A_261 : vector<16xi32> to vector<16x1xi32>
      %gather3A_287 = vector.shape_cast %reshape3A_286 : vector<16x1xi32> to vector<16xi32>
      %gather3A_288 = tpu.dynamic_gather %get3A_31[%gather3A_287] in [0] : vector<16xf32>, vector<16xi32> -> vector<16xf32>
      %eq3A_289 = arith.constant 4 : i32
      %eq3A_290 = vector.broadcast %eq3A_289 : i32 to vector<16xi32>
      %eq3A_291 = arith.cmpi eq, %shift_right_arithmetic3A_258, %eq3A_290 : vector<16xi32>
      %select_n3A_292 = arith.select %eq3A_291, %gather3A_288, %select_n3A_285 : vector<16xi1>, vector<16xf32>
      %reshape3A_293 = vector.shape_cast %and3A_261 : vector<16xi32> to vector<16x1xi32>
      %gather3A_294 = vector.shape_cast %reshape3A_293 : vector<16x1xi32> to vector<16xi32>
      %gather3A_295 = tpu.dynamic_gather %get3A_34[%gather3A_294] in [0] : vector<16xf32>, vector<16xi32> -> vector<16xf32>
      %eq3A_296 = arith.constant 5 : i32
      %eq3A_297 = vector.broadcast %eq3A_296 : i32 to vector<16xi32>
      %eq3A_298 = arith.cmpi eq, %shift_right_arithmetic3A_258, %eq3A_297 : vector<16xi32>
      %select_n3A_299 = arith.select %eq3A_298, %gather3A_295, %select_n3A_292 : vector<16xi1>, vector<16xf32>
      %reshape3A_300 = vector.shape_cast %and3A_261 : vector<16xi32> to vector<16x1xi32>
      %gather3A_301 = vector.shape_cast %reshape3A_300 : vector<16x1xi32> to vector<16xi32>
      %gather3A_302 = tpu.dynamic_gather %get3A_37[%gather3A_301] in [0] : vector<16xf32>, vector<16xi32> -> vector<16xf32>
      %eq3A_303 = arith.constant 6 : i32
      %eq3A_304 = vector.broadcast %eq3A_303 : i32 to vector<16xi32>
      %eq3A_305 = arith.cmpi eq, %shift_right_arithmetic3A_258, %eq3A_304 : vector<16xi32>
      %select_n3A_306 = arith.select %eq3A_305, %gather3A_302, %select_n3A_299 : vector<16xi1>, vector<16xf32>
      %reshape3A_307 = vector.shape_cast %and3A_261 : vector<16xi32> to vector<16x1xi32>
      %gather3A_308 = vector.shape_cast %reshape3A_307 : vector<16x1xi32> to vector<16xi32>
      %gather3A_309 = tpu.dynamic_gather %get3A_40[%gather3A_308] in [0] : vector<16xf32>, vector<16xi32> -> vector<16xf32>
      %eq3A_310 = arith.constant 7 : i32
      %eq3A_311 = vector.broadcast %eq3A_310 : i32 to vector<16xi32>
      %eq3A_312 = arith.cmpi eq, %shift_right_arithmetic3A_258, %eq3A_311 : vector<16xi32>
      %select_n3A_313 = arith.select %eq3A_312, %gather3A_309, %select_n3A_306 : vector<16xi1>, vector<16xf32>
      %reshape3A_314 = vector.shape_cast %and3A_261 : vector<16xi32> to vector<16x1xi32>
      %gather3A_315 = vector.shape_cast %reshape3A_314 : vector<16x1xi32> to vector<16xi32>
      %gather3A_316 = tpu.dynamic_gather %get3A_43[%gather3A_315] in [0] : vector<16xf32>, vector<16xi32> -> vector<16xf32>
      %eq3A_317 = arith.constant 8 : i32
      %eq3A_318 = vector.broadcast %eq3A_317 : i32 to vector<16xi32>
      %eq3A_319 = arith.cmpi eq, %shift_right_arithmetic3A_258, %eq3A_318 : vector<16xi32>
      %select_n3A_320 = arith.select %eq3A_319, %gather3A_316, %select_n3A_313 : vector<16xi1>, vector<16xf32>
      %mul3A_321 = arith.constant 9 : i32
      %mul3A_322 = vector.broadcast %mul3A_321 : i32 to vector<16xi32>
      %mul3A_323 = arith.muli %iota3A, %mul3A_322 : vector<16xi32>
      %add3A_324 = arith.constant 4 : i32
      %add3A_325 = vector.broadcast %add3A_324 : i32 to vector<16xi32>
      %add3A_326 = arith.addi %mul3A_323, %add3A_325 : vector<16xi32>
      %shift_right_arithmetic3A_327 = arith.constant 4 : i32
      %shift_right_arithmetic3A_328 = vector.broadcast %shift_right_arithmetic3A_327 : i32 to vector<16xi32>
      %shift_right_arithmetic3A_329 = arith.shrsi %add3A_326, %shift_right_arithmetic3A_328 : vector<16xi32>
      %and3A_330 = arith.constant 15 : i32
      %and3A_331 = vector.broadcast %and3A_330 : i32 to vector<16xi32>
      %and3A_332 = arith.andi %add3A_326, %and3A_331 : vector<16xi32>
      %reshape3A_333 = vector.shape_cast %and3A_332 : vector<16xi32> to vector<16x1xi32>
      %gather3A_334 = vector.shape_cast %reshape3A_333 : vector<16x1xi32> to vector<16xi32>
      %gather3A_335 = tpu.dynamic_gather %get3A_19[%gather3A_334] in [0] : vector<16xf32>, vector<16xi32> -> vector<16xf32>
      %reshape3A_336 = vector.shape_cast %and3A_332 : vector<16xi32> to vector<16x1xi32>
      %gather3A_337 = vector.shape_cast %reshape3A_336 : vector<16x1xi32> to vector<16xi32>
      %gather3A_338 = tpu.dynamic_gather %get3A_22[%gather3A_337] in [0] : vector<16xf32>, vector<16xi32> -> vector<16xf32>
      %eq3A_339 = arith.constant 1 : i32
      %eq3A_340 = vector.broadcast %eq3A_339 : i32 to vector<16xi32>
      %eq3A_341 = arith.cmpi eq, %shift_right_arithmetic3A_329, %eq3A_340 : vector<16xi32>
      %select_n3A_342 = arith.select %eq3A_341, %gather3A_338, %gather3A_335 : vector<16xi1>, vector<16xf32>
      %reshape3A_343 = vector.shape_cast %and3A_332 : vector<16xi32> to vector<16x1xi32>
      %gather3A_344 = vector.shape_cast %reshape3A_343 : vector<16x1xi32> to vector<16xi32>
      %gather3A_345 = tpu.dynamic_gather %get3A_25[%gather3A_344] in [0] : vector<16xf32>, vector<16xi32> -> vector<16xf32>
      %eq3A_346 = arith.constant 2 : i32
      %eq3A_347 = vector.broadcast %eq3A_346 : i32 to vector<16xi32>
      %eq3A_348 = arith.cmpi eq, %shift_right_arithmetic3A_329, %eq3A_347 : vector<16xi32>
      %select_n3A_349 = arith.select %eq3A_348, %gather3A_345, %select_n3A_342 : vector<16xi1>, vector<16xf32>
      %reshape3A_350 = vector.shape_cast %and3A_332 : vector<16xi32> to vector<16x1xi32>
      %gather3A_351 = vector.shape_cast %reshape3A_350 : vector<16x1xi32> to vector<16xi32>
      %gather3A_352 = tpu.dynamic_gather %get3A_28[%gather3A_351] in [0] : vector<16xf32>, vector<16xi32> -> vector<16xf32>
      %eq3A_353 = arith.constant 3 : i32
      %eq3A_354 = vector.broadcast %eq3A_353 : i32 to vector<16xi32>
      %eq3A_355 = arith.cmpi eq, %shift_right_arithmetic3A_329, %eq3A_354 : vector<16xi32>
      %select_n3A_356 = arith.select %eq3A_355, %gather3A_352, %select_n3A_349 : vector<16xi1>, vector<16xf32>
      %reshape3A_357 = vector.shape_cast %and3A_332 : vector<16xi32> to vector<16x1xi32>
      %gather3A_358 = vector.shape_cast %reshape3A_357 : vector<16x1xi32> to vector<16xi32>
      %gather3A_359 = tpu.dynamic_gather %get3A_31[%gather3A_358] in [0] : vector<16xf32>, vector<16xi32> -> vector<16xf32>
      %eq3A_360 = arith.constant 4 : i32
      %eq3A_361 = vector.broadcast %eq3A_360 : i32 to vector<16xi32>
      %eq3A_362 = arith.cmpi eq, %shift_right_arithmetic3A_329, %eq3A_361 : vector<16xi32>
      %select_n3A_363 = arith.select %eq3A_362, %gather3A_359, %select_n3A_356 : vector<16xi1>, vector<16xf32>
      %reshape3A_364 = vector.shape_cast %and3A_332 : vector<16xi32> to vector<16x1xi32>
      %gather3A_365 = vector.shape_cast %reshape3A_364 : vector<16x1xi32> to vector<16xi32>
      %gather3A_366 = tpu.dynamic_gather %get3A_34[%gather3A_365] in [0] : vector<16xf32>, vector<16xi32> -> vector<16xf32>
      %eq3A_367 = arith.constant 5 : i32
      %eq3A_368 = vector.broadcast %eq3A_367 : i32 to vector<16xi32>
      %eq3A_369 = arith.cmpi eq, %shift_right_arithmetic3A_329, %eq3A_368 : vector<16xi32>
      %select_n3A_370 = arith.select %eq3A_369, %gather3A_366, %select_n3A_363 : vector<16xi1>, vector<16xf32>
      %reshape3A_371 = vector.shape_cast %and3A_332 : vector<16xi32> to vector<16x1xi32>
      %gather3A_372 = vector.shape_cast %reshape3A_371 : vector<16x1xi32> to vector<16xi32>
      %gather3A_373 = tpu.dynamic_gather %get3A_37[%gather3A_372] in [0] : vector<16xf32>, vector<16xi32> -> vector<16xf32>
      %eq3A_374 = arith.constant 6 : i32
      %eq3A_375 = vector.broadcast %eq3A_374 : i32 to vector<16xi32>
      %eq3A_376 = arith.cmpi eq, %shift_right_arithmetic3A_329, %eq3A_375 : vector<16xi32>
      %select_n3A_377 = arith.select %eq3A_376, %gather3A_373, %select_n3A_370 : vector<16xi1>, vector<16xf32>
      %reshape3A_378 = vector.shape_cast %and3A_332 : vector<16xi32> to vector<16x1xi32>
      %gather3A_379 = vector.shape_cast %reshape3A_378 : vector<16x1xi32> to vector<16xi32>
      %gather3A_380 = tpu.dynamic_gather %get3A_40[%gather3A_379] in [0] : vector<16xf32>, vector<16xi32> -> vector<16xf32>
      %eq3A_381 = arith.constant 7 : i32
      %eq3A_382 = vector.broadcast %eq3A_381 : i32 to vector<16xi32>
      %eq3A_383 = arith.cmpi eq, %shift_right_arithmetic3A_329, %eq3A_382 : vector<16xi32>
      %select_n3A_384 = arith.select %eq3A_383, %gather3A_380, %select_n3A_377 : vector<16xi1>, vector<16xf32>
      %reshape3A_385 = vector.shape_cast %and3A_332 : vector<16xi32> to vector<16x1xi32>
      %gather3A_386 = vector.shape_cast %reshape3A_385 : vector<16x1xi32> to vector<16xi32>
      %gather3A_387 = tpu.dynamic_gather %get3A_43[%gather3A_386] in [0] : vector<16xf32>, vector<16xi32> -> vector<16xf32>
      %eq3A_388 = arith.constant 8 : i32
      %eq3A_389 = vector.broadcast %eq3A_388 : i32 to vector<16xi32>
      %eq3A_390 = arith.cmpi eq, %shift_right_arithmetic3A_329, %eq3A_389 : vector<16xi32>
      %select_n3A_391 = arith.select %eq3A_390, %gather3A_387, %select_n3A_384 : vector<16xi1>, vector<16xf32>
      %mul3A_392 = arith.constant 9 : i32
      %mul3A_393 = vector.broadcast %mul3A_392 : i32 to vector<16xi32>
      %mul3A_394 = arith.muli %iota3A, %mul3A_393 : vector<16xi32>
      %add3A_395 = arith.constant 5 : i32
      %add3A_396 = vector.broadcast %add3A_395 : i32 to vector<16xi32>
      %add3A_397 = arith.addi %mul3A_394, %add3A_396 : vector<16xi32>
      %shift_right_arithmetic3A_398 = arith.constant 4 : i32
      %shift_right_arithmetic3A_399 = vector.broadcast %shift_right_arithmetic3A_398 : i32 to vector<16xi32>
      %shift_right_arithmetic3A_400 = arith.shrsi %add3A_397, %shift_right_arithmetic3A_399 : vector<16xi32>
      %and3A_401 = arith.constant 15 : i32
      %and3A_402 = vector.broadcast %and3A_401 : i32 to vector<16xi32>
      %and3A_403 = arith.andi %add3A_397, %and3A_402 : vector<16xi32>
      %reshape3A_404 = vector.shape_cast %and3A_403 : vector<16xi32> to vector<16x1xi32>
      %gather3A_405 = vector.shape_cast %reshape3A_404 : vector<16x1xi32> to vector<16xi32>
      %gather3A_406 = tpu.dynamic_gather %get3A_19[%gather3A_405] in [0] : vector<16xf32>, vector<16xi32> -> vector<16xf32>
      %reshape3A_407 = vector.shape_cast %and3A_403 : vector<16xi32> to vector<16x1xi32>
      %gather3A_408 = vector.shape_cast %reshape3A_407 : vector<16x1xi32> to vector<16xi32>
      %gather3A_409 = tpu.dynamic_gather %get3A_22[%gather3A_408] in [0] : vector<16xf32>, vector<16xi32> -> vector<16xf32>
      %eq3A_410 = arith.constant 1 : i32
      %eq3A_411 = vector.broadcast %eq3A_410 : i32 to vector<16xi32>
      %eq3A_412 = arith.cmpi eq, %shift_right_arithmetic3A_400, %eq3A_411 : vector<16xi32>
      %select_n3A_413 = arith.select %eq3A_412, %gather3A_409, %gather3A_406 : vector<16xi1>, vector<16xf32>
      %reshape3A_414 = vector.shape_cast %and3A_403 : vector<16xi32> to vector<16x1xi32>
      %gather3A_415 = vector.shape_cast %reshape3A_414 : vector<16x1xi32> to vector<16xi32>
      %gather3A_416 = tpu.dynamic_gather %get3A_25[%gather3A_415] in [0] : vector<16xf32>, vector<16xi32> -> vector<16xf32>
      %eq3A_417 = arith.constant 2 : i32
      %eq3A_418 = vector.broadcast %eq3A_417 : i32 to vector<16xi32>
      %eq3A_419 = arith.cmpi eq, %shift_right_arithmetic3A_400, %eq3A_418 : vector<16xi32>
      %select_n3A_420 = arith.select %eq3A_419, %gather3A_416, %select_n3A_413 : vector<16xi1>, vector<16xf32>
      %reshape3A_421 = vector.shape_cast %and3A_403 : vector<16xi32> to vector<16x1xi32>
      %gather3A_422 = vector.shape_cast %reshape3A_421 : vector<16x1xi32> to vector<16xi32>
      %gather3A_423 = tpu.dynamic_gather %get3A_28[%gather3A_422] in [0] : vector<16xf32>, vector<16xi32> -> vector<16xf32>
      %eq3A_424 = arith.constant 3 : i32
      %eq3A_425 = vector.broadcast %eq3A_424 : i32 to vector<16xi32>
      %eq3A_426 = arith.cmpi eq, %shift_right_arithmetic3A_400, %eq3A_425 : vector<16xi32>
      %select_n3A_427 = arith.select %eq3A_426, %gather3A_423, %select_n3A_420 : vector<16xi1>, vector<16xf32>
      %reshape3A_428 = vector.shape_cast %and3A_403 : vector<16xi32> to vector<16x1xi32>
      %gather3A_429 = vector.shape_cast %reshape3A_428 : vector<16x1xi32> to vector<16xi32>
      %gather3A_430 = tpu.dynamic_gather %get3A_31[%gather3A_429] in [0] : vector<16xf32>, vector<16xi32> -> vector<16xf32>
      %eq3A_431 = arith.constant 4 : i32
      %eq3A_432 = vector.broadcast %eq3A_431 : i32 to vector<16xi32>
      %eq3A_433 = arith.cmpi eq, %shift_right_arithmetic3A_400, %eq3A_432 : vector<16xi32>
      %select_n3A_434 = arith.select %eq3A_433, %gather3A_430, %select_n3A_427 : vector<16xi1>, vector<16xf32>
      %reshape3A_435 = vector.shape_cast %and3A_403 : vector<16xi32> to vector<16x1xi32>
      %gather3A_436 = vector.shape_cast %reshape3A_435 : vector<16x1xi32> to vector<16xi32>
      %gather3A_437 = tpu.dynamic_gather %get3A_34[%gather3A_436] in [0] : vector<16xf32>, vector<16xi32> -> vector<16xf32>
      %eq3A_438 = arith.constant 5 : i32
      %eq3A_439 = vector.broadcast %eq3A_438 : i32 to vector<16xi32>
      %eq3A_440 = arith.cmpi eq, %shift_right_arithmetic3A_400, %eq3A_439 : vector<16xi32>
      %select_n3A_441 = arith.select %eq3A_440, %gather3A_437, %select_n3A_434 : vector<16xi1>, vector<16xf32>
      %reshape3A_442 = vector.shape_cast %and3A_403 : vector<16xi32> to vector<16x1xi32>
      %gather3A_443 = vector.shape_cast %reshape3A_442 : vector<16x1xi32> to vector<16xi32>
      %gather3A_444 = tpu.dynamic_gather %get3A_37[%gather3A_443] in [0] : vector<16xf32>, vector<16xi32> -> vector<16xf32>
      %eq3A_445 = arith.constant 6 : i32
      %eq3A_446 = vector.broadcast %eq3A_445 : i32 to vector<16xi32>
      %eq3A_447 = arith.cmpi eq, %shift_right_arithmetic3A_400, %eq3A_446 : vector<16xi32>
      %select_n3A_448 = arith.select %eq3A_447, %gather3A_444, %select_n3A_441 : vector<16xi1>, vector<16xf32>
      %reshape3A_449 = vector.shape_cast %and3A_403 : vector<16xi32> to vector<16x1xi32>
      %gather3A_450 = vector.shape_cast %reshape3A_449 : vector<16x1xi32> to vector<16xi32>
      %gather3A_451 = tpu.dynamic_gather %get3A_40[%gather3A_450] in [0] : vector<16xf32>, vector<16xi32> -> vector<16xf32>
      %eq3A_452 = arith.constant 7 : i32
      %eq3A_453 = vector.broadcast %eq3A_452 : i32 to vector<16xi32>
      %eq3A_454 = arith.cmpi eq, %shift_right_arithmetic3A_400, %eq3A_453 : vector<16xi32>
      %select_n3A_455 = arith.select %eq3A_454, %gather3A_451, %select_n3A_448 : vector<16xi1>, vector<16xf32>
      %reshape3A_456 = vector.shape_cast %and3A_403 : vector<16xi32> to vector<16x1xi32>
      %gather3A_457 = vector.shape_cast %reshape3A_456 : vector<16x1xi32> to vector<16xi32>
      %gather3A_458 = tpu.dynamic_gather %get3A_43[%gather3A_457] in [0] : vector<16xf32>, vector<16xi32> -> vector<16xf32>
      %eq3A_459 = arith.constant 8 : i32
      %eq3A_460 = vector.broadcast %eq3A_459 : i32 to vector<16xi32>
      %eq3A_461 = arith.cmpi eq, %shift_right_arithmetic3A_400, %eq3A_460 : vector<16xi32>
      %select_n3A_462 = arith.select %eq3A_461, %gather3A_458, %select_n3A_455 : vector<16xi1>, vector<16xf32>
      %mul3A_463 = arith.constant 9 : i32
      %mul3A_464 = vector.broadcast %mul3A_463 : i32 to vector<16xi32>
      %mul3A_465 = arith.muli %iota3A, %mul3A_464 : vector<16xi32>
      %add3A_466 = arith.constant 6 : i32
      %add3A_467 = vector.broadcast %add3A_466 : i32 to vector<16xi32>
      %add3A_468 = arith.addi %mul3A_465, %add3A_467 : vector<16xi32>
      %shift_right_arithmetic3A_469 = arith.constant 4 : i32
      %shift_right_arithmetic3A_470 = vector.broadcast %shift_right_arithmetic3A_469 : i32 to vector<16xi32>
      %shift_right_arithmetic3A_471 = arith.shrsi %add3A_468, %shift_right_arithmetic3A_470 : vector<16xi32>
      %and3A_472 = arith.constant 15 : i32
      %and3A_473 = vector.broadcast %and3A_472 : i32 to vector<16xi32>
      %and3A_474 = arith.andi %add3A_468, %and3A_473 : vector<16xi32>
      %reshape3A_475 = vector.shape_cast %and3A_474 : vector<16xi32> to vector<16x1xi32>
      %gather3A_476 = vector.shape_cast %reshape3A_475 : vector<16x1xi32> to vector<16xi32>
      %gather3A_477 = tpu.dynamic_gather %get3A_19[%gather3A_476] in [0] : vector<16xf32>, vector<16xi32> -> vector<16xf32>
      %reshape3A_478 = vector.shape_cast %and3A_474 : vector<16xi32> to vector<16x1xi32>
      %gather3A_479 = vector.shape_cast %reshape3A_478 : vector<16x1xi32> to vector<16xi32>
      %gather3A_480 = tpu.dynamic_gather %get3A_22[%gather3A_479] in [0] : vector<16xf32>, vector<16xi32> -> vector<16xf32>
      %eq3A_481 = arith.constant 1 : i32
      %eq3A_482 = vector.broadcast %eq3A_481 : i32 to vector<16xi32>
      %eq3A_483 = arith.cmpi eq, %shift_right_arithmetic3A_471, %eq3A_482 : vector<16xi32>
      %select_n3A_484 = arith.select %eq3A_483, %gather3A_480, %gather3A_477 : vector<16xi1>, vector<16xf32>
      %reshape3A_485 = vector.shape_cast %and3A_474 : vector<16xi32> to vector<16x1xi32>
      %gather3A_486 = vector.shape_cast %reshape3A_485 : vector<16x1xi32> to vector<16xi32>
      %gather3A_487 = tpu.dynamic_gather %get3A_25[%gather3A_486] in [0] : vector<16xf32>, vector<16xi32> -> vector<16xf32>
      %eq3A_488 = arith.constant 2 : i32
      %eq3A_489 = vector.broadcast %eq3A_488 : i32 to vector<16xi32>
      %eq3A_490 = arith.cmpi eq, %shift_right_arithmetic3A_471, %eq3A_489 : vector<16xi32>
      %select_n3A_491 = arith.select %eq3A_490, %gather3A_487, %select_n3A_484 : vector<16xi1>, vector<16xf32>
      %reshape3A_492 = vector.shape_cast %and3A_474 : vector<16xi32> to vector<16x1xi32>
      %gather3A_493 = vector.shape_cast %reshape3A_492 : vector<16x1xi32> to vector<16xi32>
      %gather3A_494 = tpu.dynamic_gather %get3A_28[%gather3A_493] in [0] : vector<16xf32>, vector<16xi32> -> vector<16xf32>
      %eq3A_495 = arith.constant 3 : i32
      %eq3A_496 = vector.broadcast %eq3A_495 : i32 to vector<16xi32>
      %eq3A_497 = arith.cmpi eq, %shift_right_arithmetic3A_471, %eq3A_496 : vector<16xi32>
      %select_n3A_498 = arith.select %eq3A_497, %gather3A_494, %select_n3A_491 : vector<16xi1>, vector<16xf32>
      %reshape3A_499 = vector.shape_cast %and3A_474 : vector<16xi32> to vector<16x1xi32>
      %gather3A_500 = vector.shape_cast %reshape3A_499 : vector<16x1xi32> to vector<16xi32>
      %gather3A_501 = tpu.dynamic_gather %get3A_31[%gather3A_500] in [0] : vector<16xf32>, vector<16xi32> -> vector<16xf32>
      %eq3A_502 = arith.constant 4 : i32
      %eq3A_503 = vector.broadcast %eq3A_502 : i32 to vector<16xi32>
      %eq3A_504 = arith.cmpi eq, %shift_right_arithmetic3A_471, %eq3A_503 : vector<16xi32>
      %select_n3A_505 = arith.select %eq3A_504, %gather3A_501, %select_n3A_498 : vector<16xi1>, vector<16xf32>
      %reshape3A_506 = vector.shape_cast %and3A_474 : vector<16xi32> to vector<16x1xi32>
      %gather3A_507 = vector.shape_cast %reshape3A_506 : vector<16x1xi32> to vector<16xi32>
      %gather3A_508 = tpu.dynamic_gather %get3A_34[%gather3A_507] in [0] : vector<16xf32>, vector<16xi32> -> vector<16xf32>
      %eq3A_509 = arith.constant 5 : i32
      %eq3A_510 = vector.broadcast %eq3A_509 : i32 to vector<16xi32>
      %eq3A_511 = arith.cmpi eq, %shift_right_arithmetic3A_471, %eq3A_510 : vector<16xi32>
      %select_n3A_512 = arith.select %eq3A_511, %gather3A_508, %select_n3A_505 : vector<16xi1>, vector<16xf32>
      %reshape3A_513 = vector.shape_cast %and3A_474 : vector<16xi32> to vector<16x1xi32>
      %gather3A_514 = vector.shape_cast %reshape3A_513 : vector<16x1xi32> to vector<16xi32>
      %gather3A_515 = tpu.dynamic_gather %get3A_37[%gather3A_514] in [0] : vector<16xf32>, vector<16xi32> -> vector<16xf32>
      %eq3A_516 = arith.constant 6 : i32
      %eq3A_517 = vector.broadcast %eq3A_516 : i32 to vector<16xi32>
      %eq3A_518 = arith.cmpi eq, %shift_right_arithmetic3A_471, %eq3A_517 : vector<16xi32>
      %select_n3A_519 = arith.select %eq3A_518, %gather3A_515, %select_n3A_512 : vector<16xi1>, vector<16xf32>
      %reshape3A_520 = vector.shape_cast %and3A_474 : vector<16xi32> to vector<16x1xi32>
      %gather3A_521 = vector.shape_cast %reshape3A_520 : vector<16x1xi32> to vector<16xi32>
      %gather3A_522 = tpu.dynamic_gather %get3A_40[%gather3A_521] in [0] : vector<16xf32>, vector<16xi32> -> vector<16xf32>
      %eq3A_523 = arith.constant 7 : i32
      %eq3A_524 = vector.broadcast %eq3A_523 : i32 to vector<16xi32>
      %eq3A_525 = arith.cmpi eq, %shift_right_arithmetic3A_471, %eq3A_524 : vector<16xi32>
      %select_n3A_526 = arith.select %eq3A_525, %gather3A_522, %select_n3A_519 : vector<16xi1>, vector<16xf32>
      %reshape3A_527 = vector.shape_cast %and3A_474 : vector<16xi32> to vector<16x1xi32>
      %gather3A_528 = vector.shape_cast %reshape3A_527 : vector<16x1xi32> to vector<16xi32>
      %gather3A_529 = tpu.dynamic_gather %get3A_43[%gather3A_528] in [0] : vector<16xf32>, vector<16xi32> -> vector<16xf32>
      %eq3A_530 = arith.constant 8 : i32
      %eq3A_531 = vector.broadcast %eq3A_530 : i32 to vector<16xi32>
      %eq3A_532 = arith.cmpi eq, %shift_right_arithmetic3A_471, %eq3A_531 : vector<16xi32>
      %select_n3A_533 = arith.select %eq3A_532, %gather3A_529, %select_n3A_526 : vector<16xi1>, vector<16xf32>
      %mul3A_534 = arith.constant 9 : i32
      %mul3A_535 = vector.broadcast %mul3A_534 : i32 to vector<16xi32>
      %mul3A_536 = arith.muli %iota3A, %mul3A_535 : vector<16xi32>
      %add3A_537 = arith.constant 7 : i32
      %add3A_538 = vector.broadcast %add3A_537 : i32 to vector<16xi32>
      %add3A_539 = arith.addi %mul3A_536, %add3A_538 : vector<16xi32>
      %shift_right_arithmetic3A_540 = arith.constant 4 : i32
      %shift_right_arithmetic3A_541 = vector.broadcast %shift_right_arithmetic3A_540 : i32 to vector<16xi32>
      %shift_right_arithmetic3A_542 = arith.shrsi %add3A_539, %shift_right_arithmetic3A_541 : vector<16xi32>
      %and3A_543 = arith.constant 15 : i32
      %and3A_544 = vector.broadcast %and3A_543 : i32 to vector<16xi32>
      %and3A_545 = arith.andi %add3A_539, %and3A_544 : vector<16xi32>
      %reshape3A_546 = vector.shape_cast %and3A_545 : vector<16xi32> to vector<16x1xi32>
      %gather3A_547 = vector.shape_cast %reshape3A_546 : vector<16x1xi32> to vector<16xi32>
      %gather3A_548 = tpu.dynamic_gather %get3A_19[%gather3A_547] in [0] : vector<16xf32>, vector<16xi32> -> vector<16xf32>
      %reshape3A_549 = vector.shape_cast %and3A_545 : vector<16xi32> to vector<16x1xi32>
      %gather3A_550 = vector.shape_cast %reshape3A_549 : vector<16x1xi32> to vector<16xi32>
      %gather3A_551 = tpu.dynamic_gather %get3A_22[%gather3A_550] in [0] : vector<16xf32>, vector<16xi32> -> vector<16xf32>
      %eq3A_552 = arith.constant 1 : i32
      %eq3A_553 = vector.broadcast %eq3A_552 : i32 to vector<16xi32>
      %eq3A_554 = arith.cmpi eq, %shift_right_arithmetic3A_542, %eq3A_553 : vector<16xi32>
      %select_n3A_555 = arith.select %eq3A_554, %gather3A_551, %gather3A_548 : vector<16xi1>, vector<16xf32>
      %reshape3A_556 = vector.shape_cast %and3A_545 : vector<16xi32> to vector<16x1xi32>
      %gather3A_557 = vector.shape_cast %reshape3A_556 : vector<16x1xi32> to vector<16xi32>
      %gather3A_558 = tpu.dynamic_gather %get3A_25[%gather3A_557] in [0] : vector<16xf32>, vector<16xi32> -> vector<16xf32>
      %eq3A_559 = arith.constant 2 : i32
      %eq3A_560 = vector.broadcast %eq3A_559 : i32 to vector<16xi32>
      %eq3A_561 = arith.cmpi eq, %shift_right_arithmetic3A_542, %eq3A_560 : vector<16xi32>
      %select_n3A_562 = arith.select %eq3A_561, %gather3A_558, %select_n3A_555 : vector<16xi1>, vector<16xf32>
      %reshape3A_563 = vector.shape_cast %and3A_545 : vector<16xi32> to vector<16x1xi32>
      %gather3A_564 = vector.shape_cast %reshape3A_563 : vector<16x1xi32> to vector<16xi32>
      %gather3A_565 = tpu.dynamic_gather %get3A_28[%gather3A_564] in [0] : vector<16xf32>, vector<16xi32> -> vector<16xf32>
      %eq3A_566 = arith.constant 3 : i32
      %eq3A_567 = vector.broadcast %eq3A_566 : i32 to vector<16xi32>
      %eq3A_568 = arith.cmpi eq, %shift_right_arithmetic3A_542, %eq3A_567 : vector<16xi32>
      %select_n3A_569 = arith.select %eq3A_568, %gather3A_565, %select_n3A_562 : vector<16xi1>, vector<16xf32>
      %reshape3A_570 = vector.shape_cast %and3A_545 : vector<16xi32> to vector<16x1xi32>
      %gather3A_571 = vector.shape_cast %reshape3A_570 : vector<16x1xi32> to vector<16xi32>
      %gather3A_572 = tpu.dynamic_gather %get3A_31[%gather3A_571] in [0] : vector<16xf32>, vector<16xi32> -> vector<16xf32>
      %eq3A_573 = arith.constant 4 : i32
      %eq3A_574 = vector.broadcast %eq3A_573 : i32 to vector<16xi32>
      %eq3A_575 = arith.cmpi eq, %shift_right_arithmetic3A_542, %eq3A_574 : vector<16xi32>
      %select_n3A_576 = arith.select %eq3A_575, %gather3A_572, %select_n3A_569 : vector<16xi1>, vector<16xf32>
      %reshape3A_577 = vector.shape_cast %and3A_545 : vector<16xi32> to vector<16x1xi32>
      %gather3A_578 = vector.shape_cast %reshape3A_577 : vector<16x1xi32> to vector<16xi32>
      %gather3A_579 = tpu.dynamic_gather %get3A_34[%gather3A_578] in [0] : vector<16xf32>, vector<16xi32> -> vector<16xf32>
      %eq3A_580 = arith.constant 5 : i32
      %eq3A_581 = vector.broadcast %eq3A_580 : i32 to vector<16xi32>
      %eq3A_582 = arith.cmpi eq, %shift_right_arithmetic3A_542, %eq3A_581 : vector<16xi32>
      %select_n3A_583 = arith.select %eq3A_582, %gather3A_579, %select_n3A_576 : vector<16xi1>, vector<16xf32>
      %reshape3A_584 = vector.shape_cast %and3A_545 : vector<16xi32> to vector<16x1xi32>
      %gather3A_585 = vector.shape_cast %reshape3A_584 : vector<16x1xi32> to vector<16xi32>
      %gather3A_586 = tpu.dynamic_gather %get3A_37[%gather3A_585] in [0] : vector<16xf32>, vector<16xi32> -> vector<16xf32>
      %eq3A_587 = arith.constant 6 : i32
      %eq3A_588 = vector.broadcast %eq3A_587 : i32 to vector<16xi32>
      %eq3A_589 = arith.cmpi eq, %shift_right_arithmetic3A_542, %eq3A_588 : vector<16xi32>
      %select_n3A_590 = arith.select %eq3A_589, %gather3A_586, %select_n3A_583 : vector<16xi1>, vector<16xf32>
      %reshape3A_591 = vector.shape_cast %and3A_545 : vector<16xi32> to vector<16x1xi32>
      %gather3A_592 = vector.shape_cast %reshape3A_591 : vector<16x1xi32> to vector<16xi32>
      %gather3A_593 = tpu.dynamic_gather %get3A_40[%gather3A_592] in [0] : vector<16xf32>, vector<16xi32> -> vector<16xf32>
      %eq3A_594 = arith.constant 7 : i32
      %eq3A_595 = vector.broadcast %eq3A_594 : i32 to vector<16xi32>
      %eq3A_596 = arith.cmpi eq, %shift_right_arithmetic3A_542, %eq3A_595 : vector<16xi32>
      %select_n3A_597 = arith.select %eq3A_596, %gather3A_593, %select_n3A_590 : vector<16xi1>, vector<16xf32>
      %reshape3A_598 = vector.shape_cast %and3A_545 : vector<16xi32> to vector<16x1xi32>
      %gather3A_599 = vector.shape_cast %reshape3A_598 : vector<16x1xi32> to vector<16xi32>
      %gather3A_600 = tpu.dynamic_gather %get3A_43[%gather3A_599] in [0] : vector<16xf32>, vector<16xi32> -> vector<16xf32>
      %eq3A_601 = arith.constant 8 : i32
      %eq3A_602 = vector.broadcast %eq3A_601 : i32 to vector<16xi32>
      %eq3A_603 = arith.cmpi eq, %shift_right_arithmetic3A_542, %eq3A_602 : vector<16xi32>
      %select_n3A_604 = arith.select %eq3A_603, %gather3A_600, %select_n3A_597 : vector<16xi1>, vector<16xf32>
      %mul3A_605 = arith.constant 9 : i32
      %mul3A_606 = vector.broadcast %mul3A_605 : i32 to vector<16xi32>
      %mul3A_607 = arith.muli %iota3A, %mul3A_606 : vector<16xi32>
      %add3A_608 = arith.constant 8 : i32
      %add3A_609 = vector.broadcast %add3A_608 : i32 to vector<16xi32>
      %add3A_610 = arith.addi %mul3A_607, %add3A_609 : vector<16xi32>
      %shift_right_arithmetic3A_611 = arith.constant 4 : i32
      %shift_right_arithmetic3A_612 = vector.broadcast %shift_right_arithmetic3A_611 : i32 to vector<16xi32>
      %shift_right_arithmetic3A_613 = arith.shrsi %add3A_610, %shift_right_arithmetic3A_612 : vector<16xi32>
      %and3A_614 = arith.constant 15 : i32
      %and3A_615 = vector.broadcast %and3A_614 : i32 to vector<16xi32>
      %and3A_616 = arith.andi %add3A_610, %and3A_615 : vector<16xi32>
      %reshape3A_617 = vector.shape_cast %and3A_616 : vector<16xi32> to vector<16x1xi32>
      %gather3A_618 = vector.shape_cast %reshape3A_617 : vector<16x1xi32> to vector<16xi32>
      %gather3A_619 = tpu.dynamic_gather %get3A_19[%gather3A_618] in [0] : vector<16xf32>, vector<16xi32> -> vector<16xf32>
      %reshape3A_620 = vector.shape_cast %and3A_616 : vector<16xi32> to vector<16x1xi32>
      %gather3A_621 = vector.shape_cast %reshape3A_620 : vector<16x1xi32> to vector<16xi32>
      %gather3A_622 = tpu.dynamic_gather %get3A_22[%gather3A_621] in [0] : vector<16xf32>, vector<16xi32> -> vector<16xf32>
      %eq3A_623 = arith.constant 1 : i32
      %eq3A_624 = vector.broadcast %eq3A_623 : i32 to vector<16xi32>
      %eq3A_625 = arith.cmpi eq, %shift_right_arithmetic3A_613, %eq3A_624 : vector<16xi32>
      %select_n3A_626 = arith.select %eq3A_625, %gather3A_622, %gather3A_619 : vector<16xi1>, vector<16xf32>
      %reshape3A_627 = vector.shape_cast %and3A_616 : vector<16xi32> to vector<16x1xi32>
      %gather3A_628 = vector.shape_cast %reshape3A_627 : vector<16x1xi32> to vector<16xi32>
      %gather3A_629 = tpu.dynamic_gather %get3A_25[%gather3A_628] in [0] : vector<16xf32>, vector<16xi32> -> vector<16xf32>
      %eq3A_630 = arith.constant 2 : i32
      %eq3A_631 = vector.broadcast %eq3A_630 : i32 to vector<16xi32>
      %eq3A_632 = arith.cmpi eq, %shift_right_arithmetic3A_613, %eq3A_631 : vector<16xi32>
      %select_n3A_633 = arith.select %eq3A_632, %gather3A_629, %select_n3A_626 : vector<16xi1>, vector<16xf32>
      %reshape3A_634 = vector.shape_cast %and3A_616 : vector<16xi32> to vector<16x1xi32>
      %gather3A_635 = vector.shape_cast %reshape3A_634 : vector<16x1xi32> to vector<16xi32>
      %gather3A_636 = tpu.dynamic_gather %get3A_28[%gather3A_635] in [0] : vector<16xf32>, vector<16xi32> -> vector<16xf32>
      %eq3A_637 = arith.constant 3 : i32
      %eq3A_638 = vector.broadcast %eq3A_637 : i32 to vector<16xi32>
      %eq3A_639 = arith.cmpi eq, %shift_right_arithmetic3A_613, %eq3A_638 : vector<16xi32>
      %select_n3A_640 = arith.select %eq3A_639, %gather3A_636, %select_n3A_633 : vector<16xi1>, vector<16xf32>
      %reshape3A_641 = vector.shape_cast %and3A_616 : vector<16xi32> to vector<16x1xi32>
      %gather3A_642 = vector.shape_cast %reshape3A_641 : vector<16x1xi32> to vector<16xi32>
      %gather3A_643 = tpu.dynamic_gather %get3A_31[%gather3A_642] in [0] : vector<16xf32>, vector<16xi32> -> vector<16xf32>
      %eq3A_644 = arith.constant 4 : i32
      %eq3A_645 = vector.broadcast %eq3A_644 : i32 to vector<16xi32>
      %eq3A_646 = arith.cmpi eq, %shift_right_arithmetic3A_613, %eq3A_645 : vector<16xi32>
      %select_n3A_647 = arith.select %eq3A_646, %gather3A_643, %select_n3A_640 : vector<16xi1>, vector<16xf32>
      %reshape3A_648 = vector.shape_cast %and3A_616 : vector<16xi32> to vector<16x1xi32>
      %gather3A_649 = vector.shape_cast %reshape3A_648 : vector<16x1xi32> to vector<16xi32>
      %gather3A_650 = tpu.dynamic_gather %get3A_34[%gather3A_649] in [0] : vector<16xf32>, vector<16xi32> -> vector<16xf32>
      %eq3A_651 = arith.constant 5 : i32
      %eq3A_652 = vector.broadcast %eq3A_651 : i32 to vector<16xi32>
      %eq3A_653 = arith.cmpi eq, %shift_right_arithmetic3A_613, %eq3A_652 : vector<16xi32>
      %select_n3A_654 = arith.select %eq3A_653, %gather3A_650, %select_n3A_647 : vector<16xi1>, vector<16xf32>
      %reshape3A_655 = vector.shape_cast %and3A_616 : vector<16xi32> to vector<16x1xi32>
      %gather3A_656 = vector.shape_cast %reshape3A_655 : vector<16x1xi32> to vector<16xi32>
      %gather3A_657 = tpu.dynamic_gather %get3A_37[%gather3A_656] in [0] : vector<16xf32>, vector<16xi32> -> vector<16xf32>
      %eq3A_658 = arith.constant 6 : i32
      %eq3A_659 = vector.broadcast %eq3A_658 : i32 to vector<16xi32>
      %eq3A_660 = arith.cmpi eq, %shift_right_arithmetic3A_613, %eq3A_659 : vector<16xi32>
      %select_n3A_661 = arith.select %eq3A_660, %gather3A_657, %select_n3A_654 : vector<16xi1>, vector<16xf32>
      %reshape3A_662 = vector.shape_cast %and3A_616 : vector<16xi32> to vector<16x1xi32>
      %gather3A_663 = vector.shape_cast %reshape3A_662 : vector<16x1xi32> to vector<16xi32>
      %gather3A_664 = tpu.dynamic_gather %get3A_40[%gather3A_663] in [0] : vector<16xf32>, vector<16xi32> -> vector<16xf32>
      %eq3A_665 = arith.constant 7 : i32
      %eq3A_666 = vector.broadcast %eq3A_665 : i32 to vector<16xi32>
      %eq3A_667 = arith.cmpi eq, %shift_right_arithmetic3A_613, %eq3A_666 : vector<16xi32>
      %select_n3A_668 = arith.select %eq3A_667, %gather3A_664, %select_n3A_661 : vector<16xi1>, vector<16xf32>
      %reshape3A_669 = vector.shape_cast %and3A_616 : vector<16xi32> to vector<16x1xi32>
      %gather3A_670 = vector.shape_cast %reshape3A_669 : vector<16x1xi32> to vector<16xi32>
      %gather3A_671 = tpu.dynamic_gather %get3A_43[%gather3A_670] in [0] : vector<16xf32>, vector<16xi32> -> vector<16xf32>
      %eq3A_672 = arith.constant 8 : i32
      %eq3A_673 = vector.broadcast %eq3A_672 : i32 to vector<16xi32>
      %eq3A_674 = arith.cmpi eq, %shift_right_arithmetic3A_613, %eq3A_673 : vector<16xi32>
      %select_n3A_675 = arith.select %eq3A_674, %gather3A_671, %select_n3A_668 : vector<16xi1>, vector<16xf32>
      %dma_wait3A = arith.constant 0 : i32
      %dma_wait3A_676 = arith.constant 0 : i32
      %dma_wait3A_677 = tpu.memref_slice %arg3[%arg1, %dma_wait3A, %dma_wait3A_676] : memref<7x18x16xf32, #tpu.memory_space<hbm>> -> memref<1x18x16xf32, #tpu.memory_space<hbm>>
      %dma_wait3A_678 = tpu.memref_squeeze %dma_wait3A_677 : memref<1x18x16xf32, #tpu.memory_space<hbm>> -> memref<18x16xf32, #tpu.memory_space<hbm>>
      %dma_wait3A_679 = arith.constant 0 : i32
      %dma_wait3A_680 = arith.constant 0 : i32
      %dma_wait3A_681 = tpu.memref_slice %arg3[%arg1, %dma_wait3A_679, %dma_wait3A_680] : memref<7x18x16xf32, #tpu.memory_space<hbm>> -> memref<1x18x16xf32, #tpu.memory_space<hbm>>
      %dma_wait3A_682 = tpu.memref_squeeze %dma_wait3A_681 : memref<1x18x16xf32, #tpu.memory_space<hbm>> -> memref<18x16xf32, #tpu.memory_space<hbm>>
      tpu.wait_dma2 semaphore(%arg10 : memref<!tpu.dma_semaphore, #tpu.memory_space<semaphore_mem>>) src(%dma_wait3A_682 : memref<18x16xf32, #tpu.memory_space<hbm>>) dst(%arg7 : memref<18x16xf32, #tpu.memory_space<vmem>>)
      %get3A_683 = arith.constant 0 : i32
      %get3A_684 = arith.index_cast %get3A_683 : i32 to index
      %get3A_685 = arith.constant 0 : index
      %get3A_686 = tpu.vector_load %arg7[%get3A_684, %get3A_685] {strides = array<i32>} : memref<18x16xf32, #tpu.memory_space<vmem>>, vector<1x16xf32>,
      %get3A_687 = vector.shape_cast %get3A_686 : vector<1x16xf32> to vector<16xf32>
      %add3A_688 = arith.addf %select_n3A_107, %get3A_687 : vector<16xf32>
      %mul3A_689 = arith.constant 2.000000e+00 : f32
      %mul3A_690 = vector.broadcast %mul3A_689 : f32 to vector<16xf32>
      %mul3A_691 = arith.mulf %add3A_688, %mul3A_690 : vector<16xf32>
      %get3A_692 = arith.constant 1 : i32
      %get3A_693 = arith.index_cast %get3A_692 : i32 to index
      %get3A_694 = arith.constant 0 : index
      %get3A_695 = tpu.vector_load %arg7[%get3A_693, %get3A_694] {strides = array<i32>} : memref<18x16xf32, #tpu.memory_space<vmem>>, vector<1x16xf32>,
      %get3A_696 = vector.shape_cast %get3A_695 : vector<1x16xf32> to vector<16xf32>
      %add3A_697 = arith.addf %select_n3A_178, %get3A_696 : vector<16xf32>
      %mul3A_698 = arith.constant 2.000000e+00 : f32
      %mul3A_699 = vector.broadcast %mul3A_698 : f32 to vector<16xf32>
      %mul3A_700 = arith.mulf %add3A_697, %mul3A_699 : vector<16xf32>
      %get3A_701 = arith.constant 2 : i32
      %get3A_702 = arith.index_cast %get3A_701 : i32 to index
      %get3A_703 = arith.constant 0 : index
      %get3A_704 = tpu.vector_load %arg7[%get3A_702, %get3A_703] {strides = array<i32>} : memref<18x16xf32, #tpu.memory_space<vmem>>, vector<1x16xf32>,
      %get3A_705 = vector.shape_cast %get3A_704 : vector<1x16xf32> to vector<16xf32>
      %add3A_706 = arith.addf %select_n3A_249, %get3A_705 : vector<16xf32>
      %mul3A_707 = arith.constant 2.000000e+00 : f32
      %mul3A_708 = vector.broadcast %mul3A_707 : f32 to vector<16xf32>
      %mul3A_709 = arith.mulf %add3A_706, %mul3A_708 : vector<16xf32>
      %get3A_710 = arith.constant 3 : i32
      %get3A_711 = arith.index_cast %get3A_710 : i32 to index
      %get3A_712 = arith.constant 0 : index
      %get3A_713 = tpu.vector_load %arg7[%get3A_711, %get3A_712] {strides = array<i32>} : memref<18x16xf32, #tpu.memory_space<vmem>>, vector<1x16xf32>,
      %get3A_714 = vector.shape_cast %get3A_713 : vector<1x16xf32> to vector<16xf32>
      %add3A_715 = arith.addf %select_n3A_320, %get3A_714 : vector<16xf32>
      %mul3A_716 = arith.constant 2.000000e+00 : f32
      %mul3A_717 = vector.broadcast %mul3A_716 : f32 to vector<16xf32>
      %mul3A_718 = arith.mulf %add3A_715, %mul3A_717 : vector<16xf32>
      %get3A_719 = arith.constant 4 : i32
      %get3A_720 = arith.index_cast %get3A_719 : i32 to index
      %get3A_721 = arith.constant 0 : index
      %get3A_722 = tpu.vector_load %arg7[%get3A_720, %get3A_721] {strides = array<i32>} : memref<18x16xf32, #tpu.memory_space<vmem>>, vector<1x16xf32>,
      %get3A_723 = vector.shape_cast %get3A_722 : vector<1x16xf32> to vector<16xf32>
      %add3A_724 = arith.addf %select_n3A_391, %get3A_723 : vector<16xf32>
      %mul3A_725 = arith.constant 2.000000e+00 : f32
      %mul3A_726 = vector.broadcast %mul3A_725 : f32 to vector<16xf32>
      %mul3A_727 = arith.mulf %add3A_724, %mul3A_726 : vector<16xf32>
      %get3A_728 = arith.constant 5 : i32
      %get3A_729 = arith.index_cast %get3A_728 : i32 to index
      %get3A_730 = arith.constant 0 : index
      %get3A_731 = tpu.vector_load %arg7[%get3A_729, %get3A_730] {strides = array<i32>} : memref<18x16xf32, #tpu.memory_space<vmem>>, vector<1x16xf32>,
      %get3A_732 = vector.shape_cast %get3A_731 : vector<1x16xf32> to vector<16xf32>
      %add3A_733 = arith.addf %select_n3A_462, %get3A_732 : vector<16xf32>
      %mul3A_734 = arith.constant 2.000000e+00 : f32
      %mul3A_735 = vector.broadcast %mul3A_734 : f32 to vector<16xf32>
      %mul3A_736 = arith.mulf %add3A_733, %mul3A_735 : vector<16xf32>
      %get3A_737 = arith.constant 6 : i32
      %get3A_738 = arith.index_cast %get3A_737 : i32 to index
      %get3A_739 = arith.constant 0 : index
      %get3A_740 = tpu.vector_load %arg7[%get3A_738, %get3A_739] {strides = array<i32>} : memref<18x16xf32, #tpu.memory_space<vmem>>, vector<1x16xf32>,
      %get3A_741 = vector.shape_cast %get3A_740 : vector<1x16xf32> to vector<16xf32>
      %add3A_742 = arith.addf %select_n3A_533, %get3A_741 : vector<16xf32>
      %mul3A_743 = arith.constant 2.000000e+00 : f32
      %mul3A_744 = vector.broadcast %mul3A_743 : f32 to vector<16xf32>
      %mul3A_745 = arith.mulf %add3A_742, %mul3A_744 : vector<16xf32>
      %get3A_746 = arith.constant 7 : i32
      %get3A_747 = arith.index_cast %get3A_746 : i32 to index
      %get3A_748 = arith.constant 0 : index
      %get3A_749 = tpu.vector_load %arg7[%get3A_747, %get3A_748] {strides = array<i32>} : memref<18x16xf32, #tpu.memory_space<vmem>>, vector<1x16xf32>,
      %get3A_750 = vector.shape_cast %get3A_749 : vector<1x16xf32> to vector<16xf32>
      %add3A_751 = arith.addf %select_n3A_604, %get3A_750 : vector<16xf32>
      %mul3A_752 = arith.constant 2.000000e+00 : f32
      %mul3A_753 = vector.broadcast %mul3A_752 : f32 to vector<16xf32>
      %mul3A_754 = arith.mulf %add3A_751, %mul3A_753 : vector<16xf32>
      %get3A_755 = arith.constant 8 : i32
      %get3A_756 = arith.index_cast %get3A_755 : i32 to index
      %get3A_757 = arith.constant 0 : index
      %get3A_758 = tpu.vector_load %arg7[%get3A_756, %get3A_757] {strides = array<i32>} : memref<18x16xf32, #tpu.memory_space<vmem>>, vector<1x16xf32>,
      %get3A_759 = vector.shape_cast %get3A_758 : vector<1x16xf32> to vector<16xf32>
      %add3A_760 = arith.addf %select_n3A_675, %get3A_759 : vector<16xf32>
      %mul3A_761 = arith.constant 2.000000e+00 : f32
      %mul3A_762 = vector.broadcast %mul3A_761 : f32 to vector<16xf32>
      %mul3A_763 = arith.mulf %add3A_760, %mul3A_762 : vector<16xf32>
      %max3A = arith.maximumf %mul3A_691, %mul3A_700 : vector<16xf32>
      %max3A_764 = arith.maximumf %max3A, %mul3A_709 : vector<16xf32>
      %max3A_765 = arith.maximumf %max3A_764, %mul3A_718 : vector<16xf32>
      %max3A_766 = arith.maximumf %max3A_765, %mul3A_727 : vector<16xf32>
      %max3A_767 = arith.maximumf %max3A_766, %mul3A_736 : vector<16xf32>
      %max3A_768 = arith.maximumf %max3A_767, %mul3A_745 : vector<16xf32>
      %max3A_769 = arith.maximumf %max3A_768, %mul3A_754 : vector<16xf32>
      %max3A_770 = arith.maximumf %max3A_769, %mul3A_763 : vector<16xf32>
      %sub3A = arith.subf %mul3A_691, %max3A_770 : vector<16xf32>
      %exp3A = math.exp %sub3A : vector<16xf32>
      %sub3A_771 = arith.subf %mul3A_700, %max3A_770 : vector<16xf32>
      %exp3A_772 = math.exp %sub3A_771 : vector<16xf32>
      %sub3A_773 = arith.subf %mul3A_709, %max3A_770 : vector<16xf32>
      %exp3A_774 = math.exp %sub3A_773 : vector<16xf32>
      %sub3A_775 = arith.subf %mul3A_718, %max3A_770 : vector<16xf32>
      %exp3A_776 = math.exp %sub3A_775 : vector<16xf32>
      %sub3A_777 = arith.subf %mul3A_727, %max3A_770 : vector<16xf32>
      %exp3A_778 = math.exp %sub3A_777 : vector<16xf32>
      %sub3A_779 = arith.subf %mul3A_736, %max3A_770 : vector<16xf32>
      %exp3A_780 = math.exp %sub3A_779 : vector<16xf32>
      %sub3A_781 = arith.subf %mul3A_745, %max3A_770 : vector<16xf32>
      %exp3A_782 = math.exp %sub3A_781 : vector<16xf32>
      %sub3A_783 = arith.subf %mul3A_754, %max3A_770 : vector<16xf32>
      %exp3A_784 = math.exp %sub3A_783 : vector<16xf32>
      %sub3A_785 = arith.subf %mul3A_763, %max3A_770 : vector<16xf32>
      %exp3A_786 = math.exp %sub3A_785 : vector<16xf32>
      %add3A_787 = arith.addf %exp3A, %exp3A_772 : vector<16xf32>
      %add3A_788 = arith.addf %add3A_787, %exp3A_774 : vector<16xf32>
      %add3A_789 = arith.addf %add3A_788, %exp3A_776 : vector<16xf32>
      %add3A_790 = arith.addf %add3A_789, %exp3A_778 : vector<16xf32>
      %add3A_791 = arith.addf %add3A_790, %exp3A_780 : vector<16xf32>
      %add3A_792 = arith.addf %add3A_791, %exp3A_782 : vector<16xf32>
      %add3A_793 = arith.addf %add3A_792, %exp3A_784 : vector<16xf32>
      %add3A_794 = arith.addf %add3A_793, %exp3A_786 : vector<16xf32>
      %div3A = arith.constant 1.000000e+00 : f32
      %div3A_795 = vector.broadcast %div3A : f32 to vector<16xf32>
      %div3A_796 = arith.divf %div3A_795, %add3A_794 : vector<16xf32>
      %mul3A_797 = arith.mulf %exp3A, %div3A_796 : vector<16xf32>
      %mul3A_798 = arith.mulf %exp3A_772, %div3A_796 : vector<16xf32>
      %mul3A_799 = arith.mulf %exp3A_774, %div3A_796 : vector<16xf32>
      %mul3A_800 = arith.mulf %exp3A_776, %div3A_796 : vector<16xf32>
      %mul3A_801 = arith.mulf %exp3A_778, %div3A_796 : vector<16xf32>
      %mul3A_802 = arith.mulf %exp3A_780, %div3A_796 : vector<16xf32>
      %mul3A_803 = arith.mulf %exp3A_782, %div3A_796 : vector<16xf32>
      %mul3A_804 = arith.mulf %exp3A_784, %div3A_796 : vector<16xf32>
      %mul3A_805 = arith.mulf %exp3A_786, %div3A_796 : vector<16xf32>
      %add3A_806 = arith.constant 1.000000e-07 : f32
      %add3A_807 = vector.broadcast %add3A_806 : f32 to vector<16xf32>
      %add3A_808 = arith.addf %mul3A_797, %add3A_807 : vector<16xf32>
      %get3A_809 = arith.constant 9 : i32
      %get3A_810 = arith.index_cast %get3A_809 : i32 to index
      %get3A_811 = arith.constant 0 : index
      %get3A_812 = tpu.vector_load %arg7[%get3A_810, %get3A_811] {strides = array<i32>} : memref<18x16xf32, #tpu.memory_space<vmem>>, vector<1x16xf32>,
      %get3A_813 = vector.shape_cast %get3A_812 : vector<1x16xf32> to vector<16xf32>
      %mul3A_814 = arith.mulf %add3A_808, %get3A_813 : vector<16xf32>
      %add3A_815 = arith.constant 1.000000e-07 : f32
      %add3A_816 = vector.broadcast %add3A_815 : f32 to vector<16xf32>
      %add3A_817 = arith.addf %mul3A_798, %add3A_816 : vector<16xf32>
      %get3A_818 = arith.constant 10 : i32
      %get3A_819 = arith.index_cast %get3A_818 : i32 to index
      %get3A_820 = arith.constant 0 : index
      %get3A_821 = tpu.vector_load %arg7[%get3A_819, %get3A_820] {strides = array<i32>} : memref<18x16xf32, #tpu.memory_space<vmem>>, vector<1x16xf32>,
      %get3A_822 = vector.shape_cast %get3A_821 : vector<1x16xf32> to vector<16xf32>
      %mul3A_823 = arith.mulf %add3A_817, %get3A_822 : vector<16xf32>
      %add3A_824 = arith.constant 1.000000e-07 : f32
      %add3A_825 = vector.broadcast %add3A_824 : f32 to vector<16xf32>
      %add3A_826 = arith.addf %mul3A_799, %add3A_825 : vector<16xf32>
      %get3A_827 = arith.constant 11 : i32
      %get3A_828 = arith.index_cast %get3A_827 : i32 to index
      %get3A_829 = arith.constant 0 : index
      %get3A_830 = tpu.vector_load %arg7[%get3A_828, %get3A_829] {strides = array<i32>} : memref<18x16xf32, #tpu.memory_space<vmem>>, vector<1x16xf32>,
      %get3A_831 = vector.shape_cast %get3A_830 : vector<1x16xf32> to vector<16xf32>
      %mul3A_832 = arith.mulf %add3A_826, %get3A_831 : vector<16xf32>
      %add3A_833 = arith.constant 1.000000e-07 : f32
      %add3A_834 = vector.broadcast %add3A_833 : f32 to vector<16xf32>
      %add3A_835 = arith.addf %mul3A_800, %add3A_834 : vector<16xf32>
      %get3A_836 = arith.constant 12 : i32
      %get3A_837 = arith.index_cast %get3A_836 : i32 to index
      %get3A_838 = arith.constant 0 : index
      %get3A_839 = tpu.vector_load %arg7[%get3A_837, %get3A_838] {strides = array<i32>} : memref<18x16xf32, #tpu.memory_space<vmem>>, vector<1x16xf32>,
      %get3A_840 = vector.shape_cast %get3A_839 : vector<1x16xf32> to vector<16xf32>
      %mul3A_841 = arith.mulf %add3A_835, %get3A_840 : vector<16xf32>
      %add3A_842 = arith.constant 1.000000e-07 : f32
      %add3A_843 = vector.broadcast %add3A_842 : f32 to vector<16xf32>
      %add3A_844 = arith.addf %mul3A_801, %add3A_843 : vector<16xf32>
      %get3A_845 = arith.constant 13 : i32
      %get3A_846 = arith.index_cast %get3A_845 : i32 to index
      %get3A_847 = arith.constant 0 : index
      %get3A_848 = tpu.vector_load %arg7[%get3A_846, %get3A_847] {strides = array<i32>} : memref<18x16xf32, #tpu.memory_space<vmem>>, vector<1x16xf32>,
      %get3A_849 = vector.shape_cast %get3A_848 : vector<1x16xf32> to vector<16xf32>
      %mul3A_850 = arith.mulf %add3A_844, %get3A_849 : vector<16xf32>
      %add3A_851 = arith.constant 1.000000e-07 : f32
      %add3A_852 = vector.broadcast %add3A_851 : f32 to vector<16xf32>
      %add3A_853 = arith.addf %mul3A_802, %add3A_852 : vector<16xf32>
      %get3A_854 = arith.constant 14 : i32
      %get3A_855 = arith.index_cast %get3A_854 : i32 to index
      %get3A_856 = arith.constant 0 : index
      %get3A_857 = tpu.vector_load %arg7[%get3A_855, %get3A_856] {strides = array<i32>} : memref<18x16xf32, #tpu.memory_space<vmem>>, vector<1x16xf32>,
      %get3A_858 = vector.shape_cast %get3A_857 : vector<1x16xf32> to vector<16xf32>
      %mul3A_859 = arith.mulf %add3A_853, %get3A_858 : vector<16xf32>
      %add3A_860 = arith.constant 1.000000e-07 : f32
      %add3A_861 = vector.broadcast %add3A_860 : f32 to vector<16xf32>
      %add3A_862 = arith.addf %mul3A_803, %add3A_861 : vector<16xf32>
      %get3A_863 = arith.constant 15 : i32
      %get3A_864 = arith.index_cast %get3A_863 : i32 to index
      %get3A_865 = arith.constant 0 : index
      %get3A_866 = tpu.vector_load %arg7[%get3A_864, %get3A_865] {strides = array<i32>} : memref<18x16xf32, #tpu.memory_space<vmem>>, vector<1x16xf32>,
      %get3A_867 = vector.shape_cast %get3A_866 : vector<1x16xf32> to vector<16xf32>
      %mul3A_868 = arith.mulf %add3A_862, %get3A_867 : vector<16xf32>
      %add3A_869 = arith.constant 1.000000e-07 : f32
      %add3A_870 = vector.broadcast %add3A_869 : f32 to vector<16xf32>
      %add3A_871 = arith.addf %mul3A_804, %add3A_870 : vector<16xf32>
      %get3A_872 = arith.constant 16 : i32
      %get3A_873 = arith.index_cast %get3A_872 : i32 to index
      %get3A_874 = arith.constant 0 : index
      %get3A_875 = tpu.vector_load %arg7[%get3A_873, %get3A_874] {strides = array<i32>} : memref<18x16xf32, #tpu.memory_space<vmem>>, vector<1x16xf32>,
      %get3A_876 = vector.shape_cast %get3A_875 : vector<1x16xf32> to vector<16xf32>
      %mul3A_877 = arith.mulf %add3A_871, %get3A_876 : vector<16xf32>
      %add3A_878 = arith.constant 1.000000e-07 : f32
      %add3A_879 = vector.broadcast %add3A_878 : f32 to vector<16xf32>
      %add3A_880 = arith.addf %mul3A_805, %add3A_879 : vector<16xf32>
      %get3A_881 = arith.constant 17 : i32
      %get3A_882 = arith.index_cast %get3A_881 : i32 to index
      %get3A_883 = arith.constant 0 : index
      %get3A_884 = tpu.vector_load %arg7[%get3A_882, %get3A_883] {strides = array<i32>} : memref<18x16xf32, #tpu.memory_space<vmem>>, vector<1x16xf32>,
      %get3A_885 = vector.shape_cast %get3A_884 : vector<1x16xf32> to vector<16xf32>
      %mul3A_886 = arith.mulf %add3A_880, %get3A_885 : vector<16xf32>
      %broadcast_in_dim3A = arith.constant 0 : i32
      %broadcast_in_dim3A_887 = vector.broadcast %broadcast_in_dim3A : i32 to vector<16xi32>
      %gt3A = arith.cmpf ogt, %mul3A_823, %mul3A_814 : vector<16xf32>
      %select_n3A_888 = arith.select %gt3A, %mul3A_823, %mul3A_814 : vector<16xi1>, vector<16xf32>
      %jit3A = arith.constant 1 : i32
      %broadcast_in_dim3A_889 = vector.broadcast %jit3A : i32 to vector<16xi32>
      %select_n3A_890 = arith.select %gt3A, %broadcast_in_dim3A_889, %broadcast_in_dim3A_887 : vector<16xi1>, vector<16xi32>
      %gt3A_891 = arith.cmpf ogt, %mul3A_832, %select_n3A_888 : vector<16xf32>
      %select_n3A_892 = arith.select %gt3A_891, %mul3A_832, %select_n3A_888 : vector<16xi1>, vector<16xf32>
      %jit3A_893 = arith.constant 2 : i32
      %broadcast_in_dim3A_894 = vector.broadcast %jit3A_893 : i32 to vector<16xi32>
      %select_n3A_895 = arith.select %gt3A_891, %broadcast_in_dim3A_894, %select_n3A_890 : vector<16xi1>, vector<16xi32>
      %gt3A_896 = arith.cmpf ogt, %mul3A_841, %select_n3A_892 : vector<16xf32>
      %select_n3A_897 = arith.select %gt3A_896, %mul3A_841, %select_n3A_892 : vector<16xi1>, vector<16xf32>
      %jit3A_898 = arith.constant 3 : i32
      %broadcast_in_dim3A_899 = vector.broadcast %jit3A_898 : i32 to vector<16xi32>
      %select_n3A_900 = arith.select %gt3A_896, %broadcast_in_dim3A_899, %select_n3A_895 : vector<16xi1>, vector<16xi32>
      %gt3A_901 = arith.cmpf ogt, %mul3A_850, %select_n3A_897 : vector<16xf32>
      %select_n3A_902 = arith.select %gt3A_901, %mul3A_850, %select_n3A_897 : vector<16xi1>, vector<16xf32>
      %jit3A_903 = arith.constant 4 : i32
      %broadcast_in_dim3A_904 = vector.broadcast %jit3A_903 : i32 to vector<16xi32>
      %select_n3A_905 = arith.select %gt3A_901, %broadcast_in_dim3A_904, %select_n3A_900 : vector<16xi1>, vector<16xi32>
      %gt3A_906 = arith.cmpf ogt, %mul3A_859, %select_n3A_902 : vector<16xf32>
      %select_n3A_907 = arith.select %gt3A_906, %mul3A_859, %select_n3A_902 : vector<16xi1>, vector<16xf32>
      %jit3A_908 = arith.constant 5 : i32
      %broadcast_in_dim3A_909 = vector.broadcast %jit3A_908 : i32 to vector<16xi32>
      %select_n3A_910 = arith.select %gt3A_906, %broadcast_in_dim3A_909, %select_n3A_905 : vector<16xi1>, vector<16xi32>
      %gt3A_911 = arith.cmpf ogt, %mul3A_868, %select_n3A_907 : vector<16xf32>
      %select_n3A_912 = arith.select %gt3A_911, %mul3A_868, %select_n3A_907 : vector<16xi1>, vector<16xf32>
      %jit3A_913 = arith.constant 6 : i32
      %broadcast_in_dim3A_914 = vector.broadcast %jit3A_913 : i32 to vector<16xi32>
      %select_n3A_915 = arith.select %gt3A_911, %broadcast_in_dim3A_914, %select_n3A_910 : vector<16xi1>, vector<16xi32>
      %gt3A_916 = arith.cmpf ogt, %mul3A_877, %select_n3A_912 : vector<16xf32>
      %select_n3A_917 = arith.select %gt3A_916, %mul3A_877, %select_n3A_912 : vector<16xi1>, vector<16xf32>
      %jit3A_918 = arith.constant 7 : i32
      %broadcast_in_dim3A_919 = vector.broadcast %jit3A_918 : i32 to vector<16xi32>
      %select_n3A_920 = arith.select %gt3A_916, %broadcast_in_dim3A_919, %select_n3A_915 : vector<16xi1>, vector<16xi32>
      %gt3A_921 = arith.cmpf ogt, %mul3A_886, %select_n3A_917 : vector<16xf32>
      %select_n3A_922 = arith.select %gt3A_921, %mul3A_886, %select_n3A_917 : vector<16xi1>, vector<16xf32>
      %jit3A_923 = arith.constant 8 : i32
      %broadcast_in_dim3A_924 = vector.broadcast %jit3A_923 : i32 to vector<16xi32>
      %select_n3A_925 = arith.select %gt3A_921, %broadcast_in_dim3A_924, %select_n3A_920 : vector<16xi1>, vector<16xi32>
      %broadcast_in_dim3A_926 = arith.constant -1.000000e+00 : f32
      %broadcast_in_dim3A_927 = vector.broadcast %broadcast_in_dim3A_926 : f32 to vector<16xf32>
      %eq3A_928 = arith.constant 0 : i32
      %eq3A_929 = vector.broadcast %eq3A_928 : i32 to vector<16xi32>
      %eq3A_930 = arith.cmpi eq, %select_n3A_925, %eq3A_929 : vector<16xi32>
      %select_n3A_931 = arith.select %eq3A_930, %broadcast_in_dim3A_927, %mul3A_814 : vector<16xi1>, vector<16xf32>
      %broadcast_in_dim3A_932 = arith.constant 0 : i32
      %broadcast_in_dim3A_933 = vector.broadcast %broadcast_in_dim3A_932 : i32 to vector<16xi32>
      %eq3A_934 = arith.constant 1 : i32
      %eq3A_935 = vector.broadcast %eq3A_934 : i32 to vector<16xi32>
      %eq3A_936 = arith.cmpi eq, %select_n3A_925, %eq3A_935 : vector<16xi32>
      %select_n3A_937 = arith.select %eq3A_936, %broadcast_in_dim3A_927, %mul3A_823 : vector<16xi1>, vector<16xf32>
      %gt3A_938 = arith.cmpf ogt, %select_n3A_937, %select_n3A_931 : vector<16xf32>
      %select_n3A_939 = arith.select %gt3A_938, %select_n3A_937, %select_n3A_931 : vector<16xi1>, vector<16xf32>
      %jit3A_940 = arith.constant 1 : i32
      %broadcast_in_dim3A_941 = vector.broadcast %jit3A_940 : i32 to vector<16xi32>
      %select_n3A_942 = arith.select %gt3A_938, %broadcast_in_dim3A_941, %broadcast_in_dim3A_933 : vector<16xi1>, vector<16xi32>
      %eq3A_943 = arith.constant 2 : i32
      %eq3A_944 = vector.broadcast %eq3A_943 : i32 to vector<16xi32>
      %eq3A_945 = arith.cmpi eq, %select_n3A_925, %eq3A_944 : vector<16xi32>
      %select_n3A_946 = arith.select %eq3A_945, %broadcast_in_dim3A_927, %mul3A_832 : vector<16xi1>, vector<16xf32>
      %gt3A_947 = arith.cmpf ogt, %select_n3A_946, %select_n3A_939 : vector<16xf32>
      %select_n3A_948 = arith.select %gt3A_947, %select_n3A_946, %select_n3A_939 : vector<16xi1>, vector<16xf32>
      %jit3A_949 = arith.constant 2 : i32
      %broadcast_in_dim3A_950 = vector.broadcast %jit3A_949 : i32 to vector<16xi32>
      %select_n3A_951 = arith.select %gt3A_947, %broadcast_in_dim3A_950, %select_n3A_942 : vector<16xi1>, vector<16xi32>
      %eq3A_952 = arith.constant 3 : i32
      %eq3A_953 = vector.broadcast %eq3A_952 : i32 to vector<16xi32>
      %eq3A_954 = arith.cmpi eq, %select_n3A_925, %eq3A_953 : vector<16xi32>
      %select_n3A_955 = arith.select %eq3A_954, %broadcast_in_dim3A_927, %mul3A_841 : vector<16xi1>, vector<16xf32>
      %gt3A_956 = arith.cmpf ogt, %select_n3A_955, %select_n3A_948 : vector<16xf32>
      %select_n3A_957 = arith.select %gt3A_956, %select_n3A_955, %select_n3A_948 : vector<16xi1>, vector<16xf32>
      %jit3A_958 = arith.constant 3 : i32
      %broadcast_in_dim3A_959 = vector.broadcast %jit3A_958 : i32 to vector<16xi32>
      %select_n3A_960 = arith.select %gt3A_956, %broadcast_in_dim3A_959, %select_n3A_951 : vector<16xi1>, vector<16xi32>
      %eq3A_961 = arith.constant 4 : i32
      %eq3A_962 = vector.broadcast %eq3A_961 : i32 to vector<16xi32>
      %eq3A_963 = arith.cmpi eq, %select_n3A_925, %eq3A_962 : vector<16xi32>
      %select_n3A_964 = arith.select %eq3A_963, %broadcast_in_dim3A_927, %mul3A_850 : vector<16xi1>, vector<16xf32>
      %gt3A_965 = arith.cmpf ogt, %select_n3A_964, %select_n3A_957 : vector<16xf32>
      %select_n3A_966 = arith.select %gt3A_965, %select_n3A_964, %select_n3A_957 : vector<16xi1>, vector<16xf32>
      %jit3A_967 = arith.constant 4 : i32
      %broadcast_in_dim3A_968 = vector.broadcast %jit3A_967 : i32 to vector<16xi32>
      %select_n3A_969 = arith.select %gt3A_965, %broadcast_in_dim3A_968, %select_n3A_960 : vector<16xi1>, vector<16xi32>
      %eq3A_970 = arith.constant 5 : i32
      %eq3A_971 = vector.broadcast %eq3A_970 : i32 to vector<16xi32>
      %eq3A_972 = arith.cmpi eq, %select_n3A_925, %eq3A_971 : vector<16xi32>
      %select_n3A_973 = arith.select %eq3A_972, %broadcast_in_dim3A_927, %mul3A_859 : vector<16xi1>, vector<16xf32>
      %gt3A_974 = arith.cmpf ogt, %select_n3A_973, %select_n3A_966 : vector<16xf32>
      %select_n3A_975 = arith.select %gt3A_974, %select_n3A_973, %select_n3A_966 : vector<16xi1>, vector<16xf32>
      %jit3A_976 = arith.constant 5 : i32
      %broadcast_in_dim3A_977 = vector.broadcast %jit3A_976 : i32 to vector<16xi32>
      %select_n3A_978 = arith.select %gt3A_974, %broadcast_in_dim3A_977, %select_n3A_969 : vector<16xi1>, vector<16xi32>
      %eq3A_979 = arith.constant 6 : i32
      %eq3A_980 = vector.broadcast %eq3A_979 : i32 to vector<16xi32>
      %eq3A_981 = arith.cmpi eq, %select_n3A_925, %eq3A_980 : vector<16xi32>
      %select_n3A_982 = arith.select %eq3A_981, %broadcast_in_dim3A_927, %mul3A_868 : vector<16xi1>, vector<16xf32>
      %gt3A_983 = arith.cmpf ogt, %select_n3A_982, %select_n3A_975 : vector<16xf32>
      %select_n3A_984 = arith.select %gt3A_983, %select_n3A_982, %select_n3A_975 : vector<16xi1>, vector<16xf32>
      %jit3A_985 = arith.constant 6 : i32
      %broadcast_in_dim3A_986 = vector.broadcast %jit3A_985 : i32 to vector<16xi32>
      %select_n3A_987 = arith.select %gt3A_983, %broadcast_in_dim3A_986, %select_n3A_978 : vector<16xi1>, vector<16xi32>
      %eq3A_988 = arith.constant 7 : i32
      %eq3A_989 = vector.broadcast %eq3A_988 : i32 to vector<16xi32>
      %eq3A_990 = arith.cmpi eq, %select_n3A_925, %eq3A_989 : vector<16xi32>
      %select_n3A_991 = arith.select %eq3A_990, %broadcast_in_dim3A_927, %mul3A_877 : vector<16xi1>, vector<16xf32>
      %gt3A_992 = arith.cmpf ogt, %select_n3A_991, %select_n3A_984 : vector<16xf32>
      %select_n3A_993 = arith.select %gt3A_992, %select_n3A_991, %select_n3A_984 : vector<16xi1>, vector<16xf32>
      %jit3A_994 = arith.constant 7 : i32
      %broadcast_in_dim3A_995 = vector.broadcast %jit3A_994 : i32 to vector<16xi32>
      %select_n3A_996 = arith.select %gt3A_992, %broadcast_in_dim3A_995, %select_n3A_987 : vector<16xi1>, vector<16xi32>
      %eq3A_997 = arith.constant 8 : i32
      %eq3A_998 = vector.broadcast %eq3A_997 : i32 to vector<16xi32>
      %eq3A_999 = arith.cmpi eq, %select_n3A_925, %eq3A_998 : vector<16xi32>
      %select_n3A_1000 = arith.select %eq3A_999, %broadcast_in_dim3A_927, %mul3A_886 : vector<16xi1>, vector<16xf32>
      %gt3A_1001 = arith.cmpf ogt, %select_n3A_1000, %select_n3A_993 : vector<16xf32>
      %select_n3A_1002 = arith.select %gt3A_1001, %select_n3A_1000, %select_n3A_993 : vector<16xi1>, vector<16xf32>
      %jit3A_1003 = arith.constant 8 : i32
      %broadcast_in_dim3A_1004 = vector.broadcast %jit3A_1003 : i32 to vector<16xi32>
      %select_n3A_1005 = arith.select %gt3A_1001, %broadcast_in_dim3A_1004, %select_n3A_996 : vector<16xi1>, vector<16xi32>
      %iota3A_1006 = tpu.iota {dimensions = array<i32: 0>} : vector<16xi32>
      %add3A_1007 = arith.constant 0 : i32
      %add3A_1008 = vector.broadcast %add3A_1007 : i32 to vector<16xi32>
      %add3A_1009 = arith.addi %iota3A_1006, %add3A_1008 : vector<16xi32>
      %ge3A = arith.constant 9 : i32
      %ge3A_1010 = vector.broadcast %ge3A : i32 to vector<16xi32>
      %ge3A_1011 = arith.cmpi sge, %add3A_1009, %ge3A_1010 : vector<16xi32>
      %jit3A_1012 = arith.constant 1 : i32
      %jit3A_1013 = arith.constant 0 : i32
      %broadcast_in_dim3A_1014 = vector.broadcast %jit3A_1012 : i32 to vector<16xi32>
      %broadcast_in_dim3A_1015 = vector.broadcast %jit3A_1013 : i32 to vector<16xi32>
      %select_n3A_1016 = arith.select %ge3A_1011, %broadcast_in_dim3A_1014, %broadcast_in_dim3A_1015 : vector<16xi1>, vector<16xi32>
      %ge3A_1017 = arith.constant 18 : i32
      %ge3A_1018 = vector.broadcast %ge3A_1017 : i32 to vector<16xi32>
      %ge3A_1019 = arith.cmpi sge, %add3A_1009, %ge3A_1018 : vector<16xi32>
      %jit3A_1020 = arith.constant 1 : i32
      %jit3A_1021 = arith.constant 0 : i32
      %broadcast_in_dim3A_1022 = vector.broadcast %jit3A_1020 : i32 to vector<16xi32>
      %broadcast_in_dim3A_1023 = vector.broadcast %jit3A_1021 : i32 to vector<16xi32>
      %select_n3A_1024 = arith.select %ge3A_1019, %broadcast_in_dim3A_1022, %broadcast_in_dim3A_1023 : vector<16xi1>, vector<16xi32>
      %add3A_1025 = arith.addi %select_n3A_1016, %select_n3A_1024 : vector<16xi32>
      %add3A_1026 = arith.constant 0 : i32
      %add3A_1027 = vector.broadcast %add3A_1026 : i32 to vector<16xi32>
      %add3A_1028 = arith.addi %add3A_1025, %add3A_1027 : vector<16xi32>
      %add3A_1029 = arith.addi %select_n3A_1016, %select_n3A_1024 : vector<16xi32>
      %mul3A_1030 = arith.constant 9 : i32
      %mul3A_1031 = vector.broadcast %mul3A_1030 : i32 to vector<16xi32>
      %mul3A_1032 = arith.muli %mul3A_1031, %add3A_1029 : vector<16xi32>
      %sub3A_1033 = arith.subi %add3A_1009, %mul3A_1032 : vector<16xi32>
      %reshape3A_1034 = vector.shape_cast %add3A_1028 : vector<16xi32> to vector<16x1xi32>
      %gather3A_1035 = vector.shape_cast %reshape3A_1034 : vector<16x1xi32> to vector<16xi32>
      %gather3A_1036 = tpu.dynamic_gather %mul3A_797[%gather3A_1035] in [0] : vector<16xf32>, vector<16xi32> -> vector<16xf32>
      %reshape3A_1037 = vector.shape_cast %add3A_1028 : vector<16xi32> to vector<16x1xi32>
      %gather3A_1038 = vector.shape_cast %reshape3A_1037 : vector<16x1xi32> to vector<16xi32>
      %gather3A_1039 = tpu.dynamic_gather %mul3A_798[%gather3A_1038] in [0] : vector<16xf32>, vector<16xi32> -> vector<16xf32>
      %eq3A_1040 = arith.constant 1 : i32
      %eq3A_1041 = vector.broadcast %eq3A_1040 : i32 to vector<16xi32>
      %eq3A_1042 = arith.cmpi eq, %sub3A_1033, %eq3A_1041 : vector<16xi32>
      %select_n3A_1043 = arith.select %eq3A_1042, %gather3A_1039, %gather3A_1036 : vector<16xi1>, vector<16xf32>
      %reshape3A_1044 = vector.shape_cast %add3A_1028 : vector<16xi32> to vector<16x1xi32>
      %gather3A_1045 = vector.shape_cast %reshape3A_1044 : vector<16x1xi32> to vector<16xi32>
      %gather3A_1046 = tpu.dynamic_gather %mul3A_799[%gather3A_1045] in [0] : vector<16xf32>, vector<16xi32> -> vector<16xf32>
      %eq3A_1047 = arith.constant 2 : i32
      %eq3A_1048 = vector.broadcast %eq3A_1047 : i32 to vector<16xi32>
      %eq3A_1049 = arith.cmpi eq, %sub3A_1033, %eq3A_1048 : vector<16xi32>
      %select_n3A_1050 = arith.select %eq3A_1049, %gather3A_1046, %select_n3A_1043 : vector<16xi1>, vector<16xf32>
      %reshape3A_1051 = vector.shape_cast %add3A_1028 : vector<16xi32> to vector<16x1xi32>
      %gather3A_1052 = vector.shape_cast %reshape3A_1051 : vector<16x1xi32> to vector<16xi32>
      %gather3A_1053 = tpu.dynamic_gather %mul3A_800[%gather3A_1052] in [0] : vector<16xf32>, vector<16xi32> -> vector<16xf32>
      %eq3A_1054 = arith.constant 3 : i32
      %eq3A_1055 = vector.broadcast %eq3A_1054 : i32 to vector<16xi32>
      %eq3A_1056 = arith.cmpi eq, %sub3A_1033, %eq3A_1055 : vector<16xi32>
      %select_n3A_1057 = arith.select %eq3A_1056, %gather3A_1053, %select_n3A_1050 : vector<16xi1>, vector<16xf32>
      %reshape3A_1058 = vector.shape_cast %add3A_1028 : vector<16xi32> to vector<16x1xi32>
      %gather3A_1059 = vector.shape_cast %reshape3A_1058 : vector<16x1xi32> to vector<16xi32>
      %gather3A_1060 = tpu.dynamic_gather %mul3A_801[%gather3A_1059] in [0] : vector<16xf32>, vector<16xi32> -> vector<16xf32>
      %eq3A_1061 = arith.constant 4 : i32
      %eq3A_1062 = vector.broadcast %eq3A_1061 : i32 to vector<16xi32>
      %eq3A_1063 = arith.cmpi eq, %sub3A_1033, %eq3A_1062 : vector<16xi32>
      %select_n3A_1064 = arith.select %eq3A_1063, %gather3A_1060, %select_n3A_1057 : vector<16xi1>, vector<16xf32>
      %reshape3A_1065 = vector.shape_cast %add3A_1028 : vector<16xi32> to vector<16x1xi32>
      %gather3A_1066 = vector.shape_cast %reshape3A_1065 : vector<16x1xi32> to vector<16xi32>
      %gather3A_1067 = tpu.dynamic_gather %mul3A_802[%gather3A_1066] in [0] : vector<16xf32>, vector<16xi32> -> vector<16xf32>
      %eq3A_1068 = arith.constant 5 : i32
      %eq3A_1069 = vector.broadcast %eq3A_1068 : i32 to vector<16xi32>
      %eq3A_1070 = arith.cmpi eq, %sub3A_1033, %eq3A_1069 : vector<16xi32>
      %select_n3A_1071 = arith.select %eq3A_1070, %gather3A_1067, %select_n3A_1064 : vector<16xi1>, vector<16xf32>
      %reshape3A_1072 = vector.shape_cast %add3A_1028 : vector<16xi32> to vector<16x1xi32>
      %gather3A_1073 = vector.shape_cast %reshape3A_1072 : vector<16x1xi32> to vector<16xi32>
      %gather3A_1074 = tpu.dynamic_gather %mul3A_803[%gather3A_1073] in [0] : vector<16xf32>, vector<16xi32> -> vector<16xf32>
      %eq3A_1075 = arith.constant 6 : i32
      %eq3A_1076 = vector.broadcast %eq3A_1075 : i32 to vector<16xi32>
      %eq3A_1077 = arith.cmpi eq, %sub3A_1033, %eq3A_1076 : vector<16xi32>
      %select_n3A_1078 = arith.select %eq3A_1077, %gather3A_1074, %select_n3A_1071 : vector<16xi1>, vector<16xf32>
      %reshape3A_1079 = vector.shape_cast %add3A_1028 : vector<16xi32> to vector<16x1xi32>
      %gather3A_1080 = vector.shape_cast %reshape3A_1079 : vector<16x1xi32> to vector<16xi32>
      %gather3A_1081 = tpu.dynamic_gather %mul3A_804[%gather3A_1080] in [0] : vector<16xf32>, vector<16xi32> -> vector<16xf32>
      %eq3A_1082 = arith.constant 7 : i32
      %eq3A_1083 = vector.broadcast %eq3A_1082 : i32 to vector<16xi32>
      %eq3A_1084 = arith.cmpi eq, %sub3A_1033, %eq3A_1083 : vector<16xi32>
      %select_n3A_1085 = arith.select %eq3A_1084, %gather3A_1081, %select_n3A_1078 : vector<16xi1>, vector<16xf32>
      %reshape3A_1086 = vector.shape_cast %add3A_1028 : vector<16xi32> to vector<16x1xi32>
      %gather3A_1087 = vector.shape_cast %reshape3A_1086 : vector<16x1xi32> to vector<16xi32>
      %gather3A_1088 = tpu.dynamic_gather %mul3A_805[%gather3A_1087] in [0] : vector<16xf32>, vector<16xi32> -> vector<16xf32>
      %eq3A_1089 = arith.constant 8 : i32
      %eq3A_1090 = vector.broadcast %eq3A_1089 : i32 to vector<16xi32>
      %eq3A_1091 = arith.cmpi eq, %sub3A_1033, %eq3A_1090 : vector<16xi32>
      %select_n3A_1092 = arith.select %eq3A_1091, %gather3A_1088, %select_n3A_1085 : vector<16xi1>, vector<16xf32>
      %add3A_1093 = arith.constant 7 : i32
      %add3A_1094 = vector.broadcast %add3A_1093 : i32 to vector<16xi32>
      %add3A_1095 = arith.addi %iota3A_1006, %add3A_1094 : vector<16xi32>
      %ge3A_1096 = arith.constant 9 : i32
      %ge3A_1097 = vector.broadcast %ge3A_1096 : i32 to vector<16xi32>
      %ge3A_1098 = arith.cmpi sge, %add3A_1095, %ge3A_1097 : vector<16xi32>
      %jit3A_1099 = arith.constant 1 : i32
      %jit3A_1100 = arith.constant 0 : i32
      %broadcast_in_dim3A_1101 = vector.broadcast %jit3A_1099 : i32 to vector<16xi32>
      %broadcast_in_dim3A_1102 = vector.broadcast %jit3A_1100 : i32 to vector<16xi32>
      %select_n3A_1103 = arith.select %ge3A_1098, %broadcast_in_dim3A_1101, %broadcast_in_dim3A_1102 : vector<16xi1>, vector<16xi32>
      %ge3A_1104 = arith.constant 18 : i32
      %ge3A_1105 = vector.broadcast %ge3A_1104 : i32 to vector<16xi32>
      %ge3A_1106 = arith.cmpi sge, %add3A_1095, %ge3A_1105 : vector<16xi32>
      %jit3A_1107 = arith.constant 1 : i32
      %jit3A_1108 = arith.constant 0 : i32
      %broadcast_in_dim3A_1109 = vector.broadcast %jit3A_1107 : i32 to vector<16xi32>
      %broadcast_in_dim3A_1110 = vector.broadcast %jit3A_1108 : i32 to vector<16xi32>
      %select_n3A_1111 = arith.select %ge3A_1106, %broadcast_in_dim3A_1109, %broadcast_in_dim3A_1110 : vector<16xi1>, vector<16xi32>
      %add3A_1112 = arith.addi %select_n3A_1103, %select_n3A_1111 : vector<16xi32>
      %add3A_1113 = arith.constant 1 : i32
      %add3A_1114 = vector.broadcast %add3A_1113 : i32 to vector<16xi32>
      %add3A_1115 = arith.addi %add3A_1112, %add3A_1114 : vector<16xi32>
      %add3A_1116 = arith.addi %select_n3A_1103, %select_n3A_1111 : vector<16xi32>
      %mul3A_1117 = arith.constant 9 : i32
      %mul3A_1118 = vector.broadcast %mul3A_1117 : i32 to vector<16xi32>
      %mul3A_1119 = arith.muli %mul3A_1118, %add3A_1116 : vector<16xi32>
      %sub3A_1120 = arith.subi %add3A_1095, %mul3A_1119 : vector<16xi32>
      %reshape3A_1121 = vector.shape_cast %add3A_1115 : vector<16xi32> to vector<16x1xi32>
      %gather3A_1122 = vector.shape_cast %reshape3A_1121 : vector<16x1xi32> to vector<16xi32>
      %gather3A_1123 = tpu.dynamic_gather %mul3A_797[%gather3A_1122] in [0] : vector<16xf32>, vector<16xi32> -> vector<16xf32>
      %reshape3A_1124 = vector.shape_cast %add3A_1115 : vector<16xi32> to vector<16x1xi32>
      %gather3A_1125 = vector.shape_cast %reshape3A_1124 : vector<16x1xi32> to vector<16xi32>
      %gather3A_1126 = tpu.dynamic_gather %mul3A_798[%gather3A_1125] in [0] : vector<16xf32>, vector<16xi32> -> vector<16xf32>
      %eq3A_1127 = arith.constant 1 : i32
      %eq3A_1128 = vector.broadcast %eq3A_1127 : i32 to vector<16xi32>
      %eq3A_1129 = arith.cmpi eq, %sub3A_1120, %eq3A_1128 : vector<16xi32>
      %select_n3A_1130 = arith.select %eq3A_1129, %gather3A_1126, %gather3A_1123 : vector<16xi1>, vector<16xf32>
      %reshape3A_1131 = vector.shape_cast %add3A_1115 : vector<16xi32> to vector<16x1xi32>
      %gather3A_1132 = vector.shape_cast %reshape3A_1131 : vector<16x1xi32> to vector<16xi32>
      %gather3A_1133 = tpu.dynamic_gather %mul3A_799[%gather3A_1132] in [0] : vector<16xf32>, vector<16xi32> -> vector<16xf32>
      %eq3A_1134 = arith.constant 2 : i32
      %eq3A_1135 = vector.broadcast %eq3A_1134 : i32 to vector<16xi32>
      %eq3A_1136 = arith.cmpi eq, %sub3A_1120, %eq3A_1135 : vector<16xi32>
      %select_n3A_1137 = arith.select %eq3A_1136, %gather3A_1133, %select_n3A_1130 : vector<16xi1>, vector<16xf32>
      %reshape3A_1138 = vector.shape_cast %add3A_1115 : vector<16xi32> to vector<16x1xi32>
      %gather3A_1139 = vector.shape_cast %reshape3A_1138 : vector<16x1xi32> to vector<16xi32>
      %gather3A_1140 = tpu.dynamic_gather %mul3A_800[%gather3A_1139] in [0] : vector<16xf32>, vector<16xi32> -> vector<16xf32>
      %eq3A_1141 = arith.constant 3 : i32
      %eq3A_1142 = vector.broadcast %eq3A_1141 : i32 to vector<16xi32>
      %eq3A_1143 = arith.cmpi eq, %sub3A_1120, %eq3A_1142 : vector<16xi32>
      %select_n3A_1144 = arith.select %eq3A_1143, %gather3A_1140, %select_n3A_1137 : vector<16xi1>, vector<16xf32>
      %reshape3A_1145 = vector.shape_cast %add3A_1115 : vector<16xi32> to vector<16x1xi32>
      %gather3A_1146 = vector.shape_cast %reshape3A_1145 : vector<16x1xi32> to vector<16xi32>
      %gather3A_1147 = tpu.dynamic_gather %mul3A_801[%gather3A_1146] in [0] : vector<16xf32>, vector<16xi32> -> vector<16xf32>
      %eq3A_1148 = arith.constant 4 : i32
      %eq3A_1149 = vector.broadcast %eq3A_1148 : i32 to vector<16xi32>
      %eq3A_1150 = arith.cmpi eq, %sub3A_1120, %eq3A_1149 : vector<16xi32>
      %select_n3A_1151 = arith.select %eq3A_1150, %gather3A_1147, %select_n3A_1144 : vector<16xi1>, vector<16xf32>
      %reshape3A_1152 = vector.shape_cast %add3A_1115 : vector<16xi32> to vector<16x1xi32>
      %gather3A_1153 = vector.shape_cast %reshape3A_1152 : vector<16x1xi32> to vector<16xi32>
      %gather3A_1154 = tpu.dynamic_gather %mul3A_802[%gather3A_1153] in [0] : vector<16xf32>, vector<16xi32> -> vector<16xf32>
      %eq3A_1155 = arith.constant 5 : i32
      %eq3A_1156 = vector.broadcast %eq3A_1155 : i32 to vector<16xi32>
      %eq3A_1157 = arith.cmpi eq, %sub3A_1120, %eq3A_1156 : vector<16xi32>
      %select_n3A_1158 = arith.select %eq3A_1157, %gather3A_1154, %select_n3A_1151 : vector<16xi1>, vector<16xf32>
      %reshape3A_1159 = vector.shape_cast %add3A_1115 : vector<16xi32> to vector<16x1xi32>
      %gather3A_1160 = vector.shape_cast %reshape3A_1159 : vector<16x1xi32> to vector<16xi32>
      %gather3A_1161 = tpu.dynamic_gather %mul3A_803[%gather3A_1160] in [0] : vector<16xf32>, vector<16xi32> -> vector<16xf32>
      %eq3A_1162 = arith.constant 6 : i32
      %eq3A_1163 = vector.broadcast %eq3A_1162 : i32 to vector<16xi32>
      %eq3A_1164 = arith.cmpi eq, %sub3A_1120, %eq3A_1163 : vector<16xi32>
      %select_n3A_1165 = arith.select %eq3A_1164, %gather3A_1161, %select_n3A_1158 : vector<16xi1>, vector<16xf32>
      %reshape3A_1166 = vector.shape_cast %add3A_1115 : vector<16xi32> to vector<16x1xi32>
      %gather3A_1167 = vector.shape_cast %reshape3A_1166 : vector<16x1xi32> to vector<16xi32>
      %gather3A_1168 = tpu.dynamic_gather %mul3A_804[%gather3A_1167] in [0] : vector<16xf32>, vector<16xi32> -> vector<16xf32>
      %eq3A_1169 = arith.constant 7 : i32
      %eq3A_1170 = vector.broadcast %eq3A_1169 : i32 to vector<16xi32>
      %eq3A_1171 = arith.cmpi eq, %sub3A_1120, %eq3A_1170 : vector<16xi32>
      %select_n3A_1172 = arith.select %eq3A_1171, %gather3A_1168, %select_n3A_1165 : vector<16xi1>, vector<16xf32>
      %reshape3A_1173 = vector.shape_cast %add3A_1115 : vector<16xi32> to vector<16x1xi32>
      %gather3A_1174 = vector.shape_cast %reshape3A_1173 : vector<16x1xi32> to vector<16xi32>
      %gather3A_1175 = tpu.dynamic_gather %mul3A_805[%gather3A_1174] in [0] : vector<16xf32>, vector<16xi32> -> vector<16xf32>
      %eq3A_1176 = arith.constant 8 : i32
      %eq3A_1177 = vector.broadcast %eq3A_1176 : i32 to vector<16xi32>
      %eq3A_1178 = arith.cmpi eq, %sub3A_1120, %eq3A_1177 : vector<16xi32>
      %select_n3A_1179 = arith.select %eq3A_1178, %gather3A_1175, %select_n3A_1172 : vector<16xi1>, vector<16xf32>
      %add3A_1180 = arith.constant 5 : i32
      %add3A_1181 = vector.broadcast %add3A_1180 : i32 to vector<16xi32>
      %add3A_1182 = arith.addi %iota3A_1006, %add3A_1181 : vector<16xi32>
      %ge3A_1183 = arith.constant 9 : i32
      %ge3A_1184 = vector.broadcast %ge3A_1183 : i32 to vector<16xi32>
      %ge3A_1185 = arith.cmpi sge, %add3A_1182, %ge3A_1184 : vector<16xi32>
      %jit3A_1186 = arith.constant 1 : i32
      %jit3A_1187 = arith.constant 0 : i32
      %broadcast_in_dim3A_1188 = vector.broadcast %jit3A_1186 : i32 to vector<16xi32>
      %broadcast_in_dim3A_1189 = vector.broadcast %jit3A_1187 : i32 to vector<16xi32>
      %select_n3A_1190 = arith.select %ge3A_1185, %broadcast_in_dim3A_1188, %broadcast_in_dim3A_1189 : vector<16xi1>, vector<16xi32>
      %ge3A_1191 = arith.constant 18 : i32
      %ge3A_1192 = vector.broadcast %ge3A_1191 : i32 to vector<16xi32>
      %ge3A_1193 = arith.cmpi sge, %add3A_1182, %ge3A_1192 : vector<16xi32>
      %jit3A_1194 = arith.constant 1 : i32
      %jit3A_1195 = arith.constant 0 : i32
      %broadcast_in_dim3A_1196 = vector.broadcast %jit3A_1194 : i32 to vector<16xi32>
      %broadcast_in_dim3A_1197 = vector.broadcast %jit3A_1195 : i32 to vector<16xi32>
      %select_n3A_1198 = arith.select %ge3A_1193, %broadcast_in_dim3A_1196, %broadcast_in_dim3A_1197 : vector<16xi1>, vector<16xi32>
      %add3A_1199 = arith.addi %select_n3A_1190, %select_n3A_1198 : vector<16xi32>
      %add3A_1200 = arith.constant 3 : i32
      %add3A_1201 = vector.broadcast %add3A_1200 : i32 to vector<16xi32>
      %add3A_1202 = arith.addi %add3A_1199, %add3A_1201 : vector<16xi32>
      %add3A_1203 = arith.addi %select_n3A_1190, %select_n3A_1198 : vector<16xi32>
      %mul3A_1204 = arith.constant 9 : i32
      %mul3A_1205 = vector.broadcast %mul3A_1204 : i32 to vector<16xi32>
      %mul3A_1206 = arith.muli %mul3A_1205, %add3A_1203 : vector<16xi32>
      %sub3A_1207 = arith.subi %add3A_1182, %mul3A_1206 : vector<16xi32>
      %reshape3A_1208 = vector.shape_cast %add3A_1202 : vector<16xi32> to vector<16x1xi32>
      %gather3A_1209 = vector.shape_cast %reshape3A_1208 : vector<16x1xi32> to vector<16xi32>
      %gather3A_1210 = tpu.dynamic_gather %mul3A_797[%gather3A_1209] in [0] : vector<16xf32>, vector<16xi32> -> vector<16xf32>
      %reshape3A_1211 = vector.shape_cast %add3A_1202 : vector<16xi32> to vector<16x1xi32>
      %gather3A_1212 = vector.shape_cast %reshape3A_1211 : vector<16x1xi32> to vector<16xi32>
      %gather3A_1213 = tpu.dynamic_gather %mul3A_798[%gather3A_1212] in [0] : vector<16xf32>, vector<16xi32> -> vector<16xf32>
      %eq3A_1214 = arith.constant 1 : i32
      %eq3A_1215 = vector.broadcast %eq3A_1214 : i32 to vector<16xi32>
      %eq3A_1216 = arith.cmpi eq, %sub3A_1207, %eq3A_1215 : vector<16xi32>
      %select_n3A_1217 = arith.select %eq3A_1216, %gather3A_1213, %gather3A_1210 : vector<16xi1>, vector<16xf32>
      %reshape3A_1218 = vector.shape_cast %add3A_1202 : vector<16xi32> to vector<16x1xi32>
      %gather3A_1219 = vector.shape_cast %reshape3A_1218 : vector<16x1xi32> to vector<16xi32>
      %gather3A_1220 = tpu.dynamic_gather %mul3A_799[%gather3A_1219] in [0] : vector<16xf32>, vector<16xi32> -> vector<16xf32>
      %eq3A_1221 = arith.constant 2 : i32
      %eq3A_1222 = vector.broadcast %eq3A_1221 : i32 to vector<16xi32>
      %eq3A_1223 = arith.cmpi eq, %sub3A_1207, %eq3A_1222 : vector<16xi32>
      %select_n3A_1224 = arith.select %eq3A_1223, %gather3A_1220, %select_n3A_1217 : vector<16xi1>, vector<16xf32>
      %reshape3A_1225 = vector.shape_cast %add3A_1202 : vector<16xi32> to vector<16x1xi32>
      %gather3A_1226 = vector.shape_cast %reshape3A_1225 : vector<16x1xi32> to vector<16xi32>
      %gather3A_1227 = tpu.dynamic_gather %mul3A_800[%gather3A_1226] in [0] : vector<16xf32>, vector<16xi32> -> vector<16xf32>
      %eq3A_1228 = arith.constant 3 : i32
      %eq3A_1229 = vector.broadcast %eq3A_1228 : i32 to vector<16xi32>
      %eq3A_1230 = arith.cmpi eq, %sub3A_1207, %eq3A_1229 : vector<16xi32>
      %select_n3A_1231 = arith.select %eq3A_1230, %gather3A_1227, %select_n3A_1224 : vector<16xi1>, vector<16xf32>
      %reshape3A_1232 = vector.shape_cast %add3A_1202 : vector<16xi32> to vector<16x1xi32>
      %gather3A_1233 = vector.shape_cast %reshape3A_1232 : vector<16x1xi32> to vector<16xi32>
      %gather3A_1234 = tpu.dynamic_gather %mul3A_801[%gather3A_1233] in [0] : vector<16xf32>, vector<16xi32> -> vector<16xf32>
      %eq3A_1235 = arith.constant 4 : i32
      %eq3A_1236 = vector.broadcast %eq3A_1235 : i32 to vector<16xi32>
      %eq3A_1237 = arith.cmpi eq, %sub3A_1207, %eq3A_1236 : vector<16xi32>
      %select_n3A_1238 = arith.select %eq3A_1237, %gather3A_1234, %select_n3A_1231 : vector<16xi1>, vector<16xf32>
      %reshape3A_1239 = vector.shape_cast %add3A_1202 : vector<16xi32> to vector<16x1xi32>
      %gather3A_1240 = vector.shape_cast %reshape3A_1239 : vector<16x1xi32> to vector<16xi32>
      %gather3A_1241 = tpu.dynamic_gather %mul3A_802[%gather3A_1240] in [0] : vector<16xf32>, vector<16xi32> -> vector<16xf32>
      %eq3A_1242 = arith.constant 5 : i32
      %eq3A_1243 = vector.broadcast %eq3A_1242 : i32 to vector<16xi32>
      %eq3A_1244 = arith.cmpi eq, %sub3A_1207, %eq3A_1243 : vector<16xi32>
      %select_n3A_1245 = arith.select %eq3A_1244, %gather3A_1241, %select_n3A_1238 : vector<16xi1>, vector<16xf32>
      %reshape3A_1246 = vector.shape_cast %add3A_1202 : vector<16xi32> to vector<16x1xi32>
      %gather3A_1247 = vector.shape_cast %reshape3A_1246 : vector<16x1xi32> to vector<16xi32>
      %gather3A_1248 = tpu.dynamic_gather %mul3A_803[%gather3A_1247] in [0] : vector<16xf32>, vector<16xi32> -> vector<16xf32>
      %eq3A_1249 = arith.constant 6 : i32
      %eq3A_1250 = vector.broadcast %eq3A_1249 : i32 to vector<16xi32>
      %eq3A_1251 = arith.cmpi eq, %sub3A_1207, %eq3A_1250 : vector<16xi32>
      %select_n3A_1252 = arith.select %eq3A_1251, %gather3A_1248, %select_n3A_1245 : vector<16xi1>, vector<16xf32>
      %reshape3A_1253 = vector.shape_cast %add3A_1202 : vector<16xi32> to vector<16x1xi32>
      %gather3A_1254 = vector.shape_cast %reshape3A_1253 : vector<16x1xi32> to vector<16xi32>
      %gather3A_1255 = tpu.dynamic_gather %mul3A_804[%gather3A_1254] in [0] : vector<16xf32>, vector<16xi32> -> vector<16xf32>
      %eq3A_1256 = arith.constant 7 : i32
      %eq3A_1257 = vector.broadcast %eq3A_1256 : i32 to vector<16xi32>
      %eq3A_1258 = arith.cmpi eq, %sub3A_1207, %eq3A_1257 : vector<16xi32>
      %select_n3A_1259 = arith.select %eq3A_1258, %gather3A_1255, %select_n3A_1252 : vector<16xi1>, vector<16xf32>
      %reshape3A_1260 = vector.shape_cast %add3A_1202 : vector<16xi32> to vector<16x1xi32>
      %gather3A_1261 = vector.shape_cast %reshape3A_1260 : vector<16x1xi32> to vector<16xi32>
      %gather3A_1262 = tpu.dynamic_gather %mul3A_805[%gather3A_1261] in [0] : vector<16xf32>, vector<16xi32> -> vector<16xf32>
      %eq3A_1263 = arith.constant 8 : i32
      %eq3A_1264 = vector.broadcast %eq3A_1263 : i32 to vector<16xi32>
      %eq3A_1265 = arith.cmpi eq, %sub3A_1207, %eq3A_1264 : vector<16xi32>
      %select_n3A_1266 = arith.select %eq3A_1265, %gather3A_1262, %select_n3A_1259 : vector<16xi1>, vector<16xf32>
      %add3A_1267 = arith.constant 3 : i32
      %add3A_1268 = vector.broadcast %add3A_1267 : i32 to vector<16xi32>
      %add3A_1269 = arith.addi %iota3A_1006, %add3A_1268 : vector<16xi32>
      %ge3A_1270 = arith.constant 9 : i32
      %ge3A_1271 = vector.broadcast %ge3A_1270 : i32 to vector<16xi32>
      %ge3A_1272 = arith.cmpi sge, %add3A_1269, %ge3A_1271 : vector<16xi32>
      %jit3A_1273 = arith.constant 1 : i32
      %jit3A_1274 = arith.constant 0 : i32
      %broadcast_in_dim3A_1275 = vector.broadcast %jit3A_1273 : i32 to vector<16xi32>
      %broadcast_in_dim3A_1276 = vector.broadcast %jit3A_1274 : i32 to vector<16xi32>
      %select_n3A_1277 = arith.select %ge3A_1272, %broadcast_in_dim3A_1275, %broadcast_in_dim3A_1276 : vector<16xi1>, vector<16xi32>
      %ge3A_1278 = arith.constant 18 : i32
      %ge3A_1279 = vector.broadcast %ge3A_1278 : i32 to vector<16xi32>
      %ge3A_1280 = arith.cmpi sge, %add3A_1269, %ge3A_1279 : vector<16xi32>
      %jit3A_1281 = arith.constant 1 : i32
      %jit3A_1282 = arith.constant 0 : i32
      %broadcast_in_dim3A_1283 = vector.broadcast %jit3A_1281 : i32 to vector<16xi32>
      %broadcast_in_dim3A_1284 = vector.broadcast %jit3A_1282 : i32 to vector<16xi32>
      %select_n3A_1285 = arith.select %ge3A_1280, %broadcast_in_dim3A_1283, %broadcast_in_dim3A_1284 : vector<16xi1>, vector<16xi32>
      %add3A_1286 = arith.addi %select_n3A_1277, %select_n3A_1285 : vector<16xi32>
      %add3A_1287 = arith.constant 5 : i32
      %add3A_1288 = vector.broadcast %add3A_1287 : i32 to vector<16xi32>
      %add3A_1289 = arith.addi %add3A_1286, %add3A_1288 : vector<16xi32>
      %add3A_1290 = arith.addi %select_n3A_1277, %select_n3A_1285 : vector<16xi32>
      %mul3A_1291 = arith.constant 9 : i32
      %mul3A_1292 = vector.broadcast %mul3A_1291 : i32 to vector<16xi32>
      %mul3A_1293 = arith.muli %mul3A_1292, %add3A_1290 : vector<16xi32>
      %sub3A_1294 = arith.subi %add3A_1269, %mul3A_1293 : vector<16xi32>
      %reshape3A_1295 = vector.shape_cast %add3A_1289 : vector<16xi32> to vector<16x1xi32>
      %gather3A_1296 = vector.shape_cast %reshape3A_1295 : vector<16x1xi32> to vector<16xi32>
      %gather3A_1297 = tpu.dynamic_gather %mul3A_797[%gather3A_1296] in [0] : vector<16xf32>, vector<16xi32> -> vector<16xf32>
      %reshape3A_1298 = vector.shape_cast %add3A_1289 : vector<16xi32> to vector<16x1xi32>
      %gather3A_1299 = vector.shape_cast %reshape3A_1298 : vector<16x1xi32> to vector<16xi32>
      %gather3A_1300 = tpu.dynamic_gather %mul3A_798[%gather3A_1299] in [0] : vector<16xf32>, vector<16xi32> -> vector<16xf32>
      %eq3A_1301 = arith.constant 1 : i32
      %eq3A_1302 = vector.broadcast %eq3A_1301 : i32 to vector<16xi32>
      %eq3A_1303 = arith.cmpi eq, %sub3A_1294, %eq3A_1302 : vector<16xi32>
      %select_n3A_1304 = arith.select %eq3A_1303, %gather3A_1300, %gather3A_1297 : vector<16xi1>, vector<16xf32>
      %reshape3A_1305 = vector.shape_cast %add3A_1289 : vector<16xi32> to vector<16x1xi32>
      %gather3A_1306 = vector.shape_cast %reshape3A_1305 : vector<16x1xi32> to vector<16xi32>
      %gather3A_1307 = tpu.dynamic_gather %mul3A_799[%gather3A_1306] in [0] : vector<16xf32>, vector<16xi32> -> vector<16xf32>
      %eq3A_1308 = arith.constant 2 : i32
      %eq3A_1309 = vector.broadcast %eq3A_1308 : i32 to vector<16xi32>
      %eq3A_1310 = arith.cmpi eq, %sub3A_1294, %eq3A_1309 : vector<16xi32>
      %select_n3A_1311 = arith.select %eq3A_1310, %gather3A_1307, %select_n3A_1304 : vector<16xi1>, vector<16xf32>
      %reshape3A_1312 = vector.shape_cast %add3A_1289 : vector<16xi32> to vector<16x1xi32>
      %gather3A_1313 = vector.shape_cast %reshape3A_1312 : vector<16x1xi32> to vector<16xi32>
      %gather3A_1314 = tpu.dynamic_gather %mul3A_800[%gather3A_1313] in [0] : vector<16xf32>, vector<16xi32> -> vector<16xf32>
      %eq3A_1315 = arith.constant 3 : i32
      %eq3A_1316 = vector.broadcast %eq3A_1315 : i32 to vector<16xi32>
      %eq3A_1317 = arith.cmpi eq, %sub3A_1294, %eq3A_1316 : vector<16xi32>
      %select_n3A_1318 = arith.select %eq3A_1317, %gather3A_1314, %select_n3A_1311 : vector<16xi1>, vector<16xf32>
      %reshape3A_1319 = vector.shape_cast %add3A_1289 : vector<16xi32> to vector<16x1xi32>
      %gather3A_1320 = vector.shape_cast %reshape3A_1319 : vector<16x1xi32> to vector<16xi32>
      %gather3A_1321 = tpu.dynamic_gather %mul3A_801[%gather3A_1320] in [0] : vector<16xf32>, vector<16xi32> -> vector<16xf32>
      %eq3A_1322 = arith.constant 4 : i32
      %eq3A_1323 = vector.broadcast %eq3A_1322 : i32 to vector<16xi32>
      %eq3A_1324 = arith.cmpi eq, %sub3A_1294, %eq3A_1323 : vector<16xi32>
      %select_n3A_1325 = arith.select %eq3A_1324, %gather3A_1321, %select_n3A_1318 : vector<16xi1>, vector<16xf32>
      %reshape3A_1326 = vector.shape_cast %add3A_1289 : vector<16xi32> to vector<16x1xi32>
      %gather3A_1327 = vector.shape_cast %reshape3A_1326 : vector<16x1xi32> to vector<16xi32>
      %gather3A_1328 = tpu.dynamic_gather %mul3A_802[%gather3A_1327] in [0] : vector<16xf32>, vector<16xi32> -> vector<16xf32>
      %eq3A_1329 = arith.constant 5 : i32
      %eq3A_1330 = vector.broadcast %eq3A_1329 : i32 to vector<16xi32>
      %eq3A_1331 = arith.cmpi eq, %sub3A_1294, %eq3A_1330 : vector<16xi32>
      %select_n3A_1332 = arith.select %eq3A_1331, %gather3A_1328, %select_n3A_1325 : vector<16xi1>, vector<16xf32>
      %reshape3A_1333 = vector.shape_cast %add3A_1289 : vector<16xi32> to vector<16x1xi32>
      %gather3A_1334 = vector.shape_cast %reshape3A_1333 : vector<16x1xi32> to vector<16xi32>
      %gather3A_1335 = tpu.dynamic_gather %mul3A_803[%gather3A_1334] in [0] : vector<16xf32>, vector<16xi32> -> vector<16xf32>
      %eq3A_1336 = arith.constant 6 : i32
      %eq3A_1337 = vector.broadcast %eq3A_1336 : i32 to vector<16xi32>
      %eq3A_1338 = arith.cmpi eq, %sub3A_1294, %eq3A_1337 : vector<16xi32>
      %select_n3A_1339 = arith.select %eq3A_1338, %gather3A_1335, %select_n3A_1332 : vector<16xi1>, vector<16xf32>
      %reshape3A_1340 = vector.shape_cast %add3A_1289 : vector<16xi32> to vector<16x1xi32>
      %gather3A_1341 = vector.shape_cast %reshape3A_1340 : vector<16x1xi32> to vector<16xi32>
      %gather3A_1342 = tpu.dynamic_gather %mul3A_804[%gather3A_1341] in [0] : vector<16xf32>, vector<16xi32> -> vector<16xf32>
      %eq3A_1343 = arith.constant 7 : i32
      %eq3A_1344 = vector.broadcast %eq3A_1343 : i32 to vector<16xi32>
      %eq3A_1345 = arith.cmpi eq, %sub3A_1294, %eq3A_1344 : vector<16xi32>
      %select_n3A_1346 = arith.select %eq3A_1345, %gather3A_1342, %select_n3A_1339 : vector<16xi1>, vector<16xf32>
      %reshape3A_1347 = vector.shape_cast %add3A_1289 : vector<16xi32> to vector<16x1xi32>
      %gather3A_1348 = vector.shape_cast %reshape3A_1347 : vector<16x1xi32> to vector<16xi32>
      %gather3A_1349 = tpu.dynamic_gather %mul3A_805[%gather3A_1348] in [0] : vector<16xf32>, vector<16xi32> -> vector<16xf32>
      %eq3A_1350 = arith.constant 8 : i32
      %eq3A_1351 = vector.broadcast %eq3A_1350 : i32 to vector<16xi32>
      %eq3A_1352 = arith.cmpi eq, %sub3A_1294, %eq3A_1351 : vector<16xi32>
      %select_n3A_1353 = arith.select %eq3A_1352, %gather3A_1349, %select_n3A_1346 : vector<16xi1>, vector<16xf32>
      %add3A_1354 = arith.constant 1 : i32
      %add3A_1355 = vector.broadcast %add3A_1354 : i32 to vector<16xi32>
      %add3A_1356 = arith.addi %iota3A_1006, %add3A_1355 : vector<16xi32>
      %ge3A_1357 = arith.constant 9 : i32
      %ge3A_1358 = vector.broadcast %ge3A_1357 : i32 to vector<16xi32>
      %ge3A_1359 = arith.cmpi sge, %add3A_1356, %ge3A_1358 : vector<16xi32>
      %jit3A_1360 = arith.constant 1 : i32
      %jit3A_1361 = arith.constant 0 : i32
      %broadcast_in_dim3A_1362 = vector.broadcast %jit3A_1360 : i32 to vector<16xi32>
      %broadcast_in_dim3A_1363 = vector.broadcast %jit3A_1361 : i32 to vector<16xi32>
      %select_n3A_1364 = arith.select %ge3A_1359, %broadcast_in_dim3A_1362, %broadcast_in_dim3A_1363 : vector<16xi1>, vector<16xi32>
      %ge3A_1365 = arith.constant 18 : i32
      %ge3A_1366 = vector.broadcast %ge3A_1365 : i32 to vector<16xi32>
      %ge3A_1367 = arith.cmpi sge, %add3A_1356, %ge3A_1366 : vector<16xi32>
      %jit3A_1368 = arith.constant 1 : i32
      %jit3A_1369 = arith.constant 0 : i32
      %broadcast_in_dim3A_1370 = vector.broadcast %jit3A_1368 : i32 to vector<16xi32>
      %broadcast_in_dim3A_1371 = vector.broadcast %jit3A_1369 : i32 to vector<16xi32>
      %select_n3A_1372 = arith.select %ge3A_1367, %broadcast_in_dim3A_1370, %broadcast_in_dim3A_1371 : vector<16xi1>, vector<16xi32>
      %add3A_1373 = arith.addi %select_n3A_1364, %select_n3A_1372 : vector<16xi32>
      %add3A_1374 = arith.constant 7 : i32
      %add3A_1375 = vector.broadcast %add3A_1374 : i32 to vector<16xi32>
      %add3A_1376 = arith.addi %add3A_1373, %add3A_1375 : vector<16xi32>
      %add3A_1377 = arith.addi %select_n3A_1364, %select_n3A_1372 : vector<16xi32>
      %mul3A_1378 = arith.constant 9 : i32
      %mul3A_1379 = vector.broadcast %mul3A_1378 : i32 to vector<16xi32>
      %mul3A_1380 = arith.muli %mul3A_1379, %add3A_1377 : vector<16xi32>
      %sub3A_1381 = arith.subi %add3A_1356, %mul3A_1380 : vector<16xi32>
      %reshape3A_1382 = vector.shape_cast %add3A_1376 : vector<16xi32> to vector<16x1xi32>
      %gather3A_1383 = vector.shape_cast %reshape3A_1382 : vector<16x1xi32> to vector<16xi32>
      %gather3A_1384 = tpu.dynamic_gather %mul3A_797[%gather3A_1383] in [0] : vector<16xf32>, vector<16xi32> -> vector<16xf32>
      %reshape3A_1385 = vector.shape_cast %add3A_1376 : vector<16xi32> to vector<16x1xi32>
      %gather3A_1386 = vector.shape_cast %reshape3A_1385 : vector<16x1xi32> to vector<16xi32>
      %gather3A_1387 = tpu.dynamic_gather %mul3A_798[%gather3A_1386] in [0] : vector<16xf32>, vector<16xi32> -> vector<16xf32>
      %eq3A_1388 = arith.constant 1 : i32
      %eq3A_1389 = vector.broadcast %eq3A_1388 : i32 to vector<16xi32>
      %eq3A_1390 = arith.cmpi eq, %sub3A_1381, %eq3A_1389 : vector<16xi32>
      %select_n3A_1391 = arith.select %eq3A_1390, %gather3A_1387, %gather3A_1384 : vector<16xi1>, vector<16xf32>
      %reshape3A_1392 = vector.shape_cast %add3A_1376 : vector<16xi32> to vector<16x1xi32>
      %gather3A_1393 = vector.shape_cast %reshape3A_1392 : vector<16x1xi32> to vector<16xi32>
      %gather3A_1394 = tpu.dynamic_gather %mul3A_799[%gather3A_1393] in [0] : vector<16xf32>, vector<16xi32> -> vector<16xf32>
      %eq3A_1395 = arith.constant 2 : i32
      %eq3A_1396 = vector.broadcast %eq3A_1395 : i32 to vector<16xi32>
      %eq3A_1397 = arith.cmpi eq, %sub3A_1381, %eq3A_1396 : vector<16xi32>
      %select_n3A_1398 = arith.select %eq3A_1397, %gather3A_1394, %select_n3A_1391 : vector<16xi1>, vector<16xf32>
      %reshape3A_1399 = vector.shape_cast %add3A_1376 : vector<16xi32> to vector<16x1xi32>
      %gather3A_1400 = vector.shape_cast %reshape3A_1399 : vector<16x1xi32> to vector<16xi32>
      %gather3A_1401 = tpu.dynamic_gather %mul3A_800[%gather3A_1400] in [0] : vector<16xf32>, vector<16xi32> -> vector<16xf32>
      %eq3A_1402 = arith.constant 3 : i32
      %eq3A_1403 = vector.broadcast %eq3A_1402 : i32 to vector<16xi32>
      %eq3A_1404 = arith.cmpi eq, %sub3A_1381, %eq3A_1403 : vector<16xi32>
      %select_n3A_1405 = arith.select %eq3A_1404, %gather3A_1401, %select_n3A_1398 : vector<16xi1>, vector<16xf32>
      %reshape3A_1406 = vector.shape_cast %add3A_1376 : vector<16xi32> to vector<16x1xi32>
      %gather3A_1407 = vector.shape_cast %reshape3A_1406 : vector<16x1xi32> to vector<16xi32>
      %gather3A_1408 = tpu.dynamic_gather %mul3A_801[%gather3A_1407] in [0] : vector<16xf32>, vector<16xi32> -> vector<16xf32>
      %eq3A_1409 = arith.constant 4 : i32
      %eq3A_1410 = vector.broadcast %eq3A_1409 : i32 to vector<16xi32>
      %eq3A_1411 = arith.cmpi eq, %sub3A_1381, %eq3A_1410 : vector<16xi32>
      %select_n3A_1412 = arith.select %eq3A_1411, %gather3A_1408, %select_n3A_1405 : vector<16xi1>, vector<16xf32>
      %reshape3A_1413 = vector.shape_cast %add3A_1376 : vector<16xi32> to vector<16x1xi32>
      %gather3A_1414 = vector.shape_cast %reshape3A_1413 : vector<16x1xi32> to vector<16xi32>
      %gather3A_1415 = tpu.dynamic_gather %mul3A_802[%gather3A_1414] in [0] : vector<16xf32>, vector<16xi32> -> vector<16xf32>
      %eq3A_1416 = arith.constant 5 : i32
      %eq3A_1417 = vector.broadcast %eq3A_1416 : i32 to vector<16xi32>
      %eq3A_1418 = arith.cmpi eq, %sub3A_1381, %eq3A_1417 : vector<16xi32>
      %select_n3A_1419 = arith.select %eq3A_1418, %gather3A_1415, %select_n3A_1412 : vector<16xi1>, vector<16xf32>
      %reshape3A_1420 = vector.shape_cast %add3A_1376 : vector<16xi32> to vector<16x1xi32>
      %gather3A_1421 = vector.shape_cast %reshape3A_1420 : vector<16x1xi32> to vector<16xi32>
      %gather3A_1422 = tpu.dynamic_gather %mul3A_803[%gather3A_1421] in [0] : vector<16xf32>, vector<16xi32> -> vector<16xf32>
      %eq3A_1423 = arith.constant 6 : i32
      %eq3A_1424 = vector.broadcast %eq3A_1423 : i32 to vector<16xi32>
      %eq3A_1425 = arith.cmpi eq, %sub3A_1381, %eq3A_1424 : vector<16xi32>
      %select_n3A_1426 = arith.select %eq3A_1425, %gather3A_1422, %select_n3A_1419 : vector<16xi1>, vector<16xf32>
      %reshape3A_1427 = vector.shape_cast %add3A_1376 : vector<16xi32> to vector<16x1xi32>
      %gather3A_1428 = vector.shape_cast %reshape3A_1427 : vector<16x1xi32> to vector<16xi32>
      %gather3A_1429 = tpu.dynamic_gather %mul3A_804[%gather3A_1428] in [0] : vector<16xf32>, vector<16xi32> -> vector<16xf32>
      %eq3A_1430 = arith.constant 7 : i32
      %eq3A_1431 = vector.broadcast %eq3A_1430 : i32 to vector<16xi32>
      %eq3A_1432 = arith.cmpi eq, %sub3A_1381, %eq3A_1431 : vector<16xi32>
      %select_n3A_1433 = arith.select %eq3A_1432, %gather3A_1429, %select_n3A_1426 : vector<16xi1>, vector<16xf32>
      %reshape3A_1434 = vector.shape_cast %add3A_1376 : vector<16xi32> to vector<16x1xi32>
      %gather3A_1435 = vector.shape_cast %reshape3A_1434 : vector<16x1xi32> to vector<16xi32>
      %gather3A_1436 = tpu.dynamic_gather %mul3A_805[%gather3A_1435] in [0] : vector<16xf32>, vector<16xi32> -> vector<16xf32>
      %eq3A_1437 = arith.constant 8 : i32
      %eq3A_1438 = vector.broadcast %eq3A_1437 : i32 to vector<16xi32>
      %eq3A_1439 = arith.cmpi eq, %sub3A_1381, %eq3A_1438 : vector<16xi32>
      %select_n3A_1440 = arith.select %eq3A_1439, %gather3A_1436, %select_n3A_1433 : vector<16xi1>, vector<16xf32>
      %add3A_1441 = arith.constant 8 : i32
      %add3A_1442 = vector.broadcast %add3A_1441 : i32 to vector<16xi32>
      %add3A_1443 = arith.addi %iota3A_1006, %add3A_1442 : vector<16xi32>
      %ge3A_1444 = arith.constant 9 : i32
      %ge3A_1445 = vector.broadcast %ge3A_1444 : i32 to vector<16xi32>
      %ge3A_1446 = arith.cmpi sge, %add3A_1443, %ge3A_1445 : vector<16xi32>
      %jit3A_1447 = arith.constant 1 : i32
      %jit3A_1448 = arith.constant 0 : i32
      %broadcast_in_dim3A_1449 = vector.broadcast %jit3A_1447 : i32 to vector<16xi32>
      %broadcast_in_dim3A_1450 = vector.broadcast %jit3A_1448 : i32 to vector<16xi32>
      %select_n3A_1451 = arith.select %ge3A_1446, %broadcast_in_dim3A_1449, %broadcast_in_dim3A_1450 : vector<16xi1>, vector<16xi32>
      %ge3A_1452 = arith.constant 18 : i32
      %ge3A_1453 = vector.broadcast %ge3A_1452 : i32 to vector<16xi32>
      %ge3A_1454 = arith.cmpi sge, %add3A_1443, %ge3A_1453 : vector<16xi32>
      %jit3A_1455 = arith.constant 1 : i32
      %jit3A_1456 = arith.constant 0 : i32
      %broadcast_in_dim3A_1457 = vector.broadcast %jit3A_1455 : i32 to vector<16xi32>
      %broadcast_in_dim3A_1458 = vector.broadcast %jit3A_1456 : i32 to vector<16xi32>
      %select_n3A_1459 = arith.select %ge3A_1454, %broadcast_in_dim3A_1457, %broadcast_in_dim3A_1458 : vector<16xi1>, vector<16xi32>
      %add3A_1460 = arith.addi %select_n3A_1451, %select_n3A_1459 : vector<16xi32>
      %add3A_1461 = arith.constant 8 : i32
      %add3A_1462 = vector.broadcast %add3A_1461 : i32 to vector<16xi32>
      %add3A_1463 = arith.addi %add3A_1460, %add3A_1462 : vector<16xi32>
      %add3A_1464 = arith.addi %select_n3A_1451, %select_n3A_1459 : vector<16xi32>
      %mul3A_1465 = arith.constant 9 : i32
      %mul3A_1466 = vector.broadcast %mul3A_1465 : i32 to vector<16xi32>
      %mul3A_1467 = arith.muli %mul3A_1466, %add3A_1464 : vector<16xi32>
      %sub3A_1468 = arith.subi %add3A_1443, %mul3A_1467 : vector<16xi32>
      %reshape3A_1469 = vector.shape_cast %add3A_1463 : vector<16xi32> to vector<16x1xi32>
      %gather3A_1470 = vector.shape_cast %reshape3A_1469 : vector<16x1xi32> to vector<16xi32>
      %gather3A_1471 = tpu.dynamic_gather %mul3A_797[%gather3A_1470] in [0] : vector<16xf32>, vector<16xi32> -> vector<16xf32>
      %reshape3A_1472 = vector.shape_cast %add3A_1463 : vector<16xi32> to vector<16x1xi32>
      %gather3A_1473 = vector.shape_cast %reshape3A_1472 : vector<16x1xi32> to vector<16xi32>
      %gather3A_1474 = tpu.dynamic_gather %mul3A_798[%gather3A_1473] in [0] : vector<16xf32>, vector<16xi32> -> vector<16xf32>
      %eq3A_1475 = arith.constant 1 : i32
      %eq3A_1476 = vector.broadcast %eq3A_1475 : i32 to vector<16xi32>
      %eq3A_1477 = arith.cmpi eq, %sub3A_1468, %eq3A_1476 : vector<16xi32>
      %select_n3A_1478 = arith.select %eq3A_1477, %gather3A_1474, %gather3A_1471 : vector<16xi1>, vector<16xf32>
      %reshape3A_1479 = vector.shape_cast %add3A_1463 : vector<16xi32> to vector<16x1xi32>
      %gather3A_1480 = vector.shape_cast %reshape3A_1479 : vector<16x1xi32> to vector<16xi32>
      %gather3A_1481 = tpu.dynamic_gather %mul3A_799[%gather3A_1480] in [0] : vector<16xf32>, vector<16xi32> -> vector<16xf32>
      %eq3A_1482 = arith.constant 2 : i32
      %eq3A_1483 = vector.broadcast %eq3A_1482 : i32 to vector<16xi32>
      %eq3A_1484 = arith.cmpi eq, %sub3A_1468, %eq3A_1483 : vector<16xi32>
      %select_n3A_1485 = arith.select %eq3A_1484, %gather3A_1481, %select_n3A_1478 : vector<16xi1>, vector<16xf32>
      %reshape3A_1486 = vector.shape_cast %add3A_1463 : vector<16xi32> to vector<16x1xi32>
      %gather3A_1487 = vector.shape_cast %reshape3A_1486 : vector<16x1xi32> to vector<16xi32>
      %gather3A_1488 = tpu.dynamic_gather %mul3A_800[%gather3A_1487] in [0] : vector<16xf32>, vector<16xi32> -> vector<16xf32>
      %eq3A_1489 = arith.constant 3 : i32
      %eq3A_1490 = vector.broadcast %eq3A_1489 : i32 to vector<16xi32>
      %eq3A_1491 = arith.cmpi eq, %sub3A_1468, %eq3A_1490 : vector<16xi32>
      %select_n3A_1492 = arith.select %eq3A_1491, %gather3A_1488, %select_n3A_1485 : vector<16xi1>, vector<16xf32>
      %reshape3A_1493 = vector.shape_cast %add3A_1463 : vector<16xi32> to vector<16x1xi32>
      %gather3A_1494 = vector.shape_cast %reshape3A_1493 : vector<16x1xi32> to vector<16xi32>
      %gather3A_1495 = tpu.dynamic_gather %mul3A_801[%gather3A_1494] in [0] : vector<16xf32>, vector<16xi32> -> vector<16xf32>
      %eq3A_1496 = arith.constant 4 : i32
      %eq3A_1497 = vector.broadcast %eq3A_1496 : i32 to vector<16xi32>
      %eq3A_1498 = arith.cmpi eq, %sub3A_1468, %eq3A_1497 : vector<16xi32>
      %select_n3A_1499 = arith.select %eq3A_1498, %gather3A_1495, %select_n3A_1492 : vector<16xi1>, vector<16xf32>
      %reshape3A_1500 = vector.shape_cast %add3A_1463 : vector<16xi32> to vector<16x1xi32>
      %gather3A_1501 = vector.shape_cast %reshape3A_1500 : vector<16x1xi32> to vector<16xi32>
      %gather3A_1502 = tpu.dynamic_gather %mul3A_802[%gather3A_1501] in [0] : vector<16xf32>, vector<16xi32> -> vector<16xf32>
      %eq3A_1503 = arith.constant 5 : i32
      %eq3A_1504 = vector.broadcast %eq3A_1503 : i32 to vector<16xi32>
      %eq3A_1505 = arith.cmpi eq, %sub3A_1468, %eq3A_1504 : vector<16xi32>
      %select_n3A_1506 = arith.select %eq3A_1505, %gather3A_1502, %select_n3A_1499 : vector<16xi1>, vector<16xf32>
      %reshape3A_1507 = vector.shape_cast %add3A_1463 : vector<16xi32> to vector<16x1xi32>
      %gather3A_1508 = vector.shape_cast %reshape3A_1507 : vector<16x1xi32> to vector<16xi32>
      %gather3A_1509 = tpu.dynamic_gather %mul3A_803[%gather3A_1508] in [0] : vector<16xf32>, vector<16xi32> -> vector<16xf32>
      %eq3A_1510 = arith.constant 6 : i32
      %eq3A_1511 = vector.broadcast %eq3A_1510 : i32 to vector<16xi32>
      %eq3A_1512 = arith.cmpi eq, %sub3A_1468, %eq3A_1511 : vector<16xi32>
      %select_n3A_1513 = arith.select %eq3A_1512, %gather3A_1509, %select_n3A_1506 : vector<16xi1>, vector<16xf32>
      %reshape3A_1514 = vector.shape_cast %add3A_1463 : vector<16xi32> to vector<16x1xi32>
      %gather3A_1515 = vector.shape_cast %reshape3A_1514 : vector<16x1xi32> to vector<16xi32>
      %gather3A_1516 = tpu.dynamic_gather %mul3A_804[%gather3A_1515] in [0] : vector<16xf32>, vector<16xi32> -> vector<16xf32>
      %eq3A_1517 = arith.constant 7 : i32
      %eq3A_1518 = vector.broadcast %eq3A_1517 : i32 to vector<16xi32>
      %eq3A_1519 = arith.cmpi eq, %sub3A_1468, %eq3A_1518 : vector<16xi32>
      %select_n3A_1520 = arith.select %eq3A_1519, %gather3A_1516, %select_n3A_1513 : vector<16xi1>, vector<16xf32>
      %reshape3A_1521 = vector.shape_cast %add3A_1463 : vector<16xi32> to vector<16x1xi32>
      %gather3A_1522 = vector.shape_cast %reshape3A_1521 : vector<16x1xi32> to vector<16xi32>
      %gather3A_1523 = tpu.dynamic_gather %mul3A_805[%gather3A_1522] in [0] : vector<16xf32>, vector<16xi32> -> vector<16xf32>
      %eq3A_1524 = arith.constant 8 : i32
      %eq3A_1525 = vector.broadcast %eq3A_1524 : i32 to vector<16xi32>
      %eq3A_1526 = arith.cmpi eq, %sub3A_1468, %eq3A_1525 : vector<16xi32>
      %select_n3A_1527 = arith.select %eq3A_1526, %gather3A_1523, %select_n3A_1520 : vector<16xi1>, vector<16xf32>
      %add3A_1528 = arith.constant 6 : i32
      %add3A_1529 = vector.broadcast %add3A_1528 : i32 to vector<16xi32>
      %add3A_1530 = arith.addi %iota3A_1006, %add3A_1529 : vector<16xi32>
      %ge3A_1531 = arith.constant 9 : i32
      %ge3A_1532 = vector.broadcast %ge3A_1531 : i32 to vector<16xi32>
      %ge3A_1533 = arith.cmpi sge, %add3A_1530, %ge3A_1532 : vector<16xi32>
      %jit3A_1534 = arith.constant 1 : i32
      %jit3A_1535 = arith.constant 0 : i32
      %broadcast_in_dim3A_1536 = vector.broadcast %jit3A_1534 : i32 to vector<16xi32>
      %broadcast_in_dim3A_1537 = vector.broadcast %jit3A_1535 : i32 to vector<16xi32>
      %select_n3A_1538 = arith.select %ge3A_1533, %broadcast_in_dim3A_1536, %broadcast_in_dim3A_1537 : vector<16xi1>, vector<16xi32>
      %ge3A_1539 = arith.constant 18 : i32
      %ge3A_1540 = vector.broadcast %ge3A_1539 : i32 to vector<16xi32>
      %ge3A_1541 = arith.cmpi sge, %add3A_1530, %ge3A_1540 : vector<16xi32>
      %jit3A_1542 = arith.constant 1 : i32
      %jit3A_1543 = arith.constant 0 : i32
      %broadcast_in_dim3A_1544 = vector.broadcast %jit3A_1542 : i32 to vector<16xi32>
      %broadcast_in_dim3A_1545 = vector.broadcast %jit3A_1543 : i32 to vector<16xi32>
      %select_n3A_1546 = arith.select %ge3A_1541, %broadcast_in_dim3A_1544, %broadcast_in_dim3A_1545 : vector<16xi1>, vector<16xi32>
      %add3A_1547 = arith.addi %select_n3A_1538, %select_n3A_1546 : vector<16xi32>
      %add3A_1548 = arith.constant 10 : i32
      %add3A_1549 = vector.broadcast %add3A_1548 : i32 to vector<16xi32>
      %add3A_1550 = arith.addi %add3A_1547, %add3A_1549 : vector<16xi32>
      %add3A_1551 = arith.addi %select_n3A_1538, %select_n3A_1546 : vector<16xi32>
      %mul3A_1552 = arith.constant 9 : i32
      %mul3A_1553 = vector.broadcast %mul3A_1552 : i32 to vector<16xi32>
      %mul3A_1554 = arith.muli %mul3A_1553, %add3A_1551 : vector<16xi32>
      %sub3A_1555 = arith.subi %add3A_1530, %mul3A_1554 : vector<16xi32>
      %reshape3A_1556 = vector.shape_cast %add3A_1550 : vector<16xi32> to vector<16x1xi32>
      %gather3A_1557 = vector.shape_cast %reshape3A_1556 : vector<16x1xi32> to vector<16xi32>
      %gather3A_1558 = tpu.dynamic_gather %mul3A_797[%gather3A_1557] in [0] : vector<16xf32>, vector<16xi32> -> vector<16xf32>
      %reshape3A_1559 = vector.shape_cast %add3A_1550 : vector<16xi32> to vector<16x1xi32>
      %gather3A_1560 = vector.shape_cast %reshape3A_1559 : vector<16x1xi32> to vector<16xi32>
      %gather3A_1561 = tpu.dynamic_gather %mul3A_798[%gather3A_1560] in [0] : vector<16xf32>, vector<16xi32> -> vector<16xf32>
      %eq3A_1562 = arith.constant 1 : i32
      %eq3A_1563 = vector.broadcast %eq3A_1562 : i32 to vector<16xi32>
      %eq3A_1564 = arith.cmpi eq, %sub3A_1555, %eq3A_1563 : vector<16xi32>
      %select_n3A_1565 = arith.select %eq3A_1564, %gather3A_1561, %gather3A_1558 : vector<16xi1>, vector<16xf32>
      %reshape3A_1566 = vector.shape_cast %add3A_1550 : vector<16xi32> to vector<16x1xi32>
      %gather3A_1567 = vector.shape_cast %reshape3A_1566 : vector<16x1xi32> to vector<16xi32>
      %gather3A_1568 = tpu.dynamic_gather %mul3A_799[%gather3A_1567] in [0] : vector<16xf32>, vector<16xi32> -> vector<16xf32>
      %eq3A_1569 = arith.constant 2 : i32
      %eq3A_1570 = vector.broadcast %eq3A_1569 : i32 to vector<16xi32>
      %eq3A_1571 = arith.cmpi eq, %sub3A_1555, %eq3A_1570 : vector<16xi32>
      %select_n3A_1572 = arith.select %eq3A_1571, %gather3A_1568, %select_n3A_1565 : vector<16xi1>, vector<16xf32>
      %reshape3A_1573 = vector.shape_cast %add3A_1550 : vector<16xi32> to vector<16x1xi32>
      %gather3A_1574 = vector.shape_cast %reshape3A_1573 : vector<16x1xi32> to vector<16xi32>
      %gather3A_1575 = tpu.dynamic_gather %mul3A_800[%gather3A_1574] in [0] : vector<16xf32>, vector<16xi32> -> vector<16xf32>
      %eq3A_1576 = arith.constant 3 : i32
      %eq3A_1577 = vector.broadcast %eq3A_1576 : i32 to vector<16xi32>
      %eq3A_1578 = arith.cmpi eq, %sub3A_1555, %eq3A_1577 : vector<16xi32>
      %select_n3A_1579 = arith.select %eq3A_1578, %gather3A_1575, %select_n3A_1572 : vector<16xi1>, vector<16xf32>
      %reshape3A_1580 = vector.shape_cast %add3A_1550 : vector<16xi32> to vector<16x1xi32>
      %gather3A_1581 = vector.shape_cast %reshape3A_1580 : vector<16x1xi32> to vector<16xi32>
      %gather3A_1582 = tpu.dynamic_gather %mul3A_801[%gather3A_1581] in [0] : vector<16xf32>, vector<16xi32> -> vector<16xf32>
      %eq3A_1583 = arith.constant 4 : i32
      %eq3A_1584 = vector.broadcast %eq3A_1583 : i32 to vector<16xi32>
      %eq3A_1585 = arith.cmpi eq, %sub3A_1555, %eq3A_1584 : vector<16xi32>
      %select_n3A_1586 = arith.select %eq3A_1585, %gather3A_1582, %select_n3A_1579 : vector<16xi1>, vector<16xf32>
      %reshape3A_1587 = vector.shape_cast %add3A_1550 : vector<16xi32> to vector<16x1xi32>
      %gather3A_1588 = vector.shape_cast %reshape3A_1587 : vector<16x1xi32> to vector<16xi32>
      %gather3A_1589 = tpu.dynamic_gather %mul3A_802[%gather3A_1588] in [0] : vector<16xf32>, vector<16xi32> -> vector<16xf32>
      %eq3A_1590 = arith.constant 5 : i32
      %eq3A_1591 = vector.broadcast %eq3A_1590 : i32 to vector<16xi32>
      %eq3A_1592 = arith.cmpi eq, %sub3A_1555, %eq3A_1591 : vector<16xi32>
      %select_n3A_1593 = arith.select %eq3A_1592, %gather3A_1589, %select_n3A_1586 : vector<16xi1>, vector<16xf32>
      %reshape3A_1594 = vector.shape_cast %add3A_1550 : vector<16xi32> to vector<16x1xi32>
      %gather3A_1595 = vector.shape_cast %reshape3A_1594 : vector<16x1xi32> to vector<16xi32>
      %gather3A_1596 = tpu.dynamic_gather %mul3A_803[%gather3A_1595] in [0] : vector<16xf32>, vector<16xi32> -> vector<16xf32>
      %eq3A_1597 = arith.constant 6 : i32
      %eq3A_1598 = vector.broadcast %eq3A_1597 : i32 to vector<16xi32>
      %eq3A_1599 = arith.cmpi eq, %sub3A_1555, %eq3A_1598 : vector<16xi32>
      %select_n3A_1600 = arith.select %eq3A_1599, %gather3A_1596, %select_n3A_1593 : vector<16xi1>, vector<16xf32>
      %reshape3A_1601 = vector.shape_cast %add3A_1550 : vector<16xi32> to vector<16x1xi32>
      %gather3A_1602 = vector.shape_cast %reshape3A_1601 : vector<16x1xi32> to vector<16xi32>
      %gather3A_1603 = tpu.dynamic_gather %mul3A_804[%gather3A_1602] in [0] : vector<16xf32>, vector<16xi32> -> vector<16xf32>
      %eq3A_1604 = arith.constant 7 : i32
      %eq3A_1605 = vector.broadcast %eq3A_1604 : i32 to vector<16xi32>
      %eq3A_1606 = arith.cmpi eq, %sub3A_1555, %eq3A_1605 : vector<16xi32>
      %select_n3A_1607 = arith.select %eq3A_1606, %gather3A_1603, %select_n3A_1600 : vector<16xi1>, vector<16xf32>
      %reshape3A_1608 = vector.shape_cast %add3A_1550 : vector<16xi32> to vector<16x1xi32>
      %gather3A_1609 = vector.shape_cast %reshape3A_1608 : vector<16x1xi32> to vector<16xi32>
      %gather3A_1610 = tpu.dynamic_gather %mul3A_805[%gather3A_1609] in [0] : vector<16xf32>, vector<16xi32> -> vector<16xf32>
      %eq3A_1611 = arith.constant 8 : i32
      %eq3A_1612 = vector.broadcast %eq3A_1611 : i32 to vector<16xi32>
      %eq3A_1613 = arith.cmpi eq, %sub3A_1555, %eq3A_1612 : vector<16xi32>
      %select_n3A_1614 = arith.select %eq3A_1613, %gather3A_1610, %select_n3A_1607 : vector<16xi1>, vector<16xf32>
      %add3A_1615 = arith.constant 4 : i32
      %add3A_1616 = vector.broadcast %add3A_1615 : i32 to vector<16xi32>
      %add3A_1617 = arith.addi %iota3A_1006, %add3A_1616 : vector<16xi32>
      %ge3A_1618 = arith.constant 9 : i32
      %ge3A_1619 = vector.broadcast %ge3A_1618 : i32 to vector<16xi32>
      %ge3A_1620 = arith.cmpi sge, %add3A_1617, %ge3A_1619 : vector<16xi32>
      %jit3A_1621 = arith.constant 1 : i32
      %jit3A_1622 = arith.constant 0 : i32
      %broadcast_in_dim3A_1623 = vector.broadcast %jit3A_1621 : i32 to vector<16xi32>
      %broadcast_in_dim3A_1624 = vector.broadcast %jit3A_1622 : i32 to vector<16xi32>
      %select_n3A_1625 = arith.select %ge3A_1620, %broadcast_in_dim3A_1623, %broadcast_in_dim3A_1624 : vector<16xi1>, vector<16xi32>
      %ge3A_1626 = arith.constant 18 : i32
      %ge3A_1627 = vector.broadcast %ge3A_1626 : i32 to vector<16xi32>
      %ge3A_1628 = arith.cmpi sge, %add3A_1617, %ge3A_1627 : vector<16xi32>
      %jit3A_1629 = arith.constant 1 : i32
      %jit3A_1630 = arith.constant 0 : i32
      %broadcast_in_dim3A_1631 = vector.broadcast %jit3A_1629 : i32 to vector<16xi32>
      %broadcast_in_dim3A_1632 = vector.broadcast %jit3A_1630 : i32 to vector<16xi32>
      %select_n3A_1633 = arith.select %ge3A_1628, %broadcast_in_dim3A_1631, %broadcast_in_dim3A_1632 : vector<16xi1>, vector<16xi32>
      %add3A_1634 = arith.addi %select_n3A_1625, %select_n3A_1633 : vector<16xi32>
      %add3A_1635 = arith.constant 12 : i32
      %add3A_1636 = vector.broadcast %add3A_1635 : i32 to vector<16xi32>
      %add3A_1637 = arith.addi %add3A_1634, %add3A_1636 : vector<16xi32>
      %add3A_1638 = arith.addi %select_n3A_1625, %select_n3A_1633 : vector<16xi32>
      %mul3A_1639 = arith.constant 9 : i32
      %mul3A_1640 = vector.broadcast %mul3A_1639 : i32 to vector<16xi32>
      %mul3A_1641 = arith.muli %mul3A_1640, %add3A_1638 : vector<16xi32>
      %sub3A_1642 = arith.subi %add3A_1617, %mul3A_1641 : vector<16xi32>
      %reshape3A_1643 = vector.shape_cast %add3A_1637 : vector<16xi32> to vector<16x1xi32>
      %gather3A_1644 = vector.shape_cast %reshape3A_1643 : vector<16x1xi32> to vector<16xi32>
      %gather3A_1645 = tpu.dynamic_gather %mul3A_797[%gather3A_1644] in [0] : vector<16xf32>, vector<16xi32> -> vector<16xf32>
      %reshape3A_1646 = vector.shape_cast %add3A_1637 : vector<16xi32> to vector<16x1xi32>
      %gather3A_1647 = vector.shape_cast %reshape3A_1646 : vector<16x1xi32> to vector<16xi32>
      %gather3A_1648 = tpu.dynamic_gather %mul3A_798[%gather3A_1647] in [0] : vector<16xf32>, vector<16xi32> -> vector<16xf32>
      %eq3A_1649 = arith.constant 1 : i32
      %eq3A_1650 = vector.broadcast %eq3A_1649 : i32 to vector<16xi32>
      %eq3A_1651 = arith.cmpi eq, %sub3A_1642, %eq3A_1650 : vector<16xi32>
      %select_n3A_1652 = arith.select %eq3A_1651, %gather3A_1648, %gather3A_1645 : vector<16xi1>, vector<16xf32>
      %reshape3A_1653 = vector.shape_cast %add3A_1637 : vector<16xi32> to vector<16x1xi32>
      %gather3A_1654 = vector.shape_cast %reshape3A_1653 : vector<16x1xi32> to vector<16xi32>
      %gather3A_1655 = tpu.dynamic_gather %mul3A_799[%gather3A_1654] in [0] : vector<16xf32>, vector<16xi32> -> vector<16xf32>
      %eq3A_1656 = arith.constant 2 : i32
      %eq3A_1657 = vector.broadcast %eq3A_1656 : i32 to vector<16xi32>
      %eq3A_1658 = arith.cmpi eq, %sub3A_1642, %eq3A_1657 : vector<16xi32>
      %select_n3A_1659 = arith.select %eq3A_1658, %gather3A_1655, %select_n3A_1652 : vector<16xi1>, vector<16xf32>
      %reshape3A_1660 = vector.shape_cast %add3A_1637 : vector<16xi32> to vector<16x1xi32>
      %gather3A_1661 = vector.shape_cast %reshape3A_1660 : vector<16x1xi32> to vector<16xi32>
      %gather3A_1662 = tpu.dynamic_gather %mul3A_800[%gather3A_1661] in [0] : vector<16xf32>, vector<16xi32> -> vector<16xf32>
      %eq3A_1663 = arith.constant 3 : i32
      %eq3A_1664 = vector.broadcast %eq3A_1663 : i32 to vector<16xi32>
      %eq3A_1665 = arith.cmpi eq, %sub3A_1642, %eq3A_1664 : vector<16xi32>
      %select_n3A_1666 = arith.select %eq3A_1665, %gather3A_1662, %select_n3A_1659 : vector<16xi1>, vector<16xf32>
      %reshape3A_1667 = vector.shape_cast %add3A_1637 : vector<16xi32> to vector<16x1xi32>
      %gather3A_1668 = vector.shape_cast %reshape3A_1667 : vector<16x1xi32> to vector<16xi32>
      %gather3A_1669 = tpu.dynamic_gather %mul3A_801[%gather3A_1668] in [0] : vector<16xf32>, vector<16xi32> -> vector<16xf32>
      %eq3A_1670 = arith.constant 4 : i32
      %eq3A_1671 = vector.broadcast %eq3A_1670 : i32 to vector<16xi32>
      %eq3A_1672 = arith.cmpi eq, %sub3A_1642, %eq3A_1671 : vector<16xi32>
      %select_n3A_1673 = arith.select %eq3A_1672, %gather3A_1669, %select_n3A_1666 : vector<16xi1>, vector<16xf32>
      %reshape3A_1674 = vector.shape_cast %add3A_1637 : vector<16xi32> to vector<16x1xi32>
      %gather3A_1675 = vector.shape_cast %reshape3A_1674 : vector<16x1xi32> to vector<16xi32>
      %gather3A_1676 = tpu.dynamic_gather %mul3A_802[%gather3A_1675] in [0] : vector<16xf32>, vector<16xi32> -> vector<16xf32>
      %eq3A_1677 = arith.constant 5 : i32
      %eq3A_1678 = vector.broadcast %eq3A_1677 : i32 to vector<16xi32>
      %eq3A_1679 = arith.cmpi eq, %sub3A_1642, %eq3A_1678 : vector<16xi32>
      %select_n3A_1680 = arith.select %eq3A_1679, %gather3A_1676, %select_n3A_1673 : vector<16xi1>, vector<16xf32>
      %reshape3A_1681 = vector.shape_cast %add3A_1637 : vector<16xi32> to vector<16x1xi32>
      %gather3A_1682 = vector.shape_cast %reshape3A_1681 : vector<16x1xi32> to vector<16xi32>
      %gather3A_1683 = tpu.dynamic_gather %mul3A_803[%gather3A_1682] in [0] : vector<16xf32>, vector<16xi32> -> vector<16xf32>
      %eq3A_1684 = arith.constant 6 : i32
      %eq3A_1685 = vector.broadcast %eq3A_1684 : i32 to vector<16xi32>
      %eq3A_1686 = arith.cmpi eq, %sub3A_1642, %eq3A_1685 : vector<16xi32>
      %select_n3A_1687 = arith.select %eq3A_1686, %gather3A_1683, %select_n3A_1680 : vector<16xi1>, vector<16xf32>
      %reshape3A_1688 = vector.shape_cast %add3A_1637 : vector<16xi32> to vector<16x1xi32>
      %gather3A_1689 = vector.shape_cast %reshape3A_1688 : vector<16x1xi32> to vector<16xi32>
      %gather3A_1690 = tpu.dynamic_gather %mul3A_804[%gather3A_1689] in [0] : vector<16xf32>, vector<16xi32> -> vector<16xf32>
      %eq3A_1691 = arith.constant 7 : i32
      %eq3A_1692 = vector.broadcast %eq3A_1691 : i32 to vector<16xi32>
      %eq3A_1693 = arith.cmpi eq, %sub3A_1642, %eq3A_1692 : vector<16xi32>
      %select_n3A_1694 = arith.select %eq3A_1693, %gather3A_1690, %select_n3A_1687 : vector<16xi1>, vector<16xf32>
      %reshape3A_1695 = vector.shape_cast %add3A_1637 : vector<16xi32> to vector<16x1xi32>
      %gather3A_1696 = vector.shape_cast %reshape3A_1695 : vector<16x1xi32> to vector<16xi32>
      %gather3A_1697 = tpu.dynamic_gather %mul3A_805[%gather3A_1696] in [0] : vector<16xf32>, vector<16xi32> -> vector<16xf32>
      %eq3A_1698 = arith.constant 8 : i32
      %eq3A_1699 = vector.broadcast %eq3A_1698 : i32 to vector<16xi32>
      %eq3A_1700 = arith.cmpi eq, %sub3A_1642, %eq3A_1699 : vector<16xi32>
      %select_n3A_1701 = arith.select %eq3A_1700, %gather3A_1697, %select_n3A_1694 : vector<16xi1>, vector<16xf32>
      %add3A_1702 = arith.constant 2 : i32
      %add3A_1703 = vector.broadcast %add3A_1702 : i32 to vector<16xi32>
      %add3A_1704 = arith.addi %iota3A_1006, %add3A_1703 : vector<16xi32>
      %ge3A_1705 = arith.constant 9 : i32
      %ge3A_1706 = vector.broadcast %ge3A_1705 : i32 to vector<16xi32>
      %ge3A_1707 = arith.cmpi sge, %add3A_1704, %ge3A_1706 : vector<16xi32>
      %jit3A_1708 = arith.constant 1 : i32
      %jit3A_1709 = arith.constant 0 : i32
      %broadcast_in_dim3A_1710 = vector.broadcast %jit3A_1708 : i32 to vector<16xi32>
      %broadcast_in_dim3A_1711 = vector.broadcast %jit3A_1709 : i32 to vector<16xi32>
      %select_n3A_1712 = arith.select %ge3A_1707, %broadcast_in_dim3A_1710, %broadcast_in_dim3A_1711 : vector<16xi1>, vector<16xi32>
      %ge3A_1713 = arith.constant 18 : i32
      %ge3A_1714 = vector.broadcast %ge3A_1713 : i32 to vector<16xi32>
      %ge3A_1715 = arith.cmpi sge, %add3A_1704, %ge3A_1714 : vector<16xi32>
      %jit3A_1716 = arith.constant 1 : i32
      %jit3A_1717 = arith.constant 0 : i32
      %broadcast_in_dim3A_1718 = vector.broadcast %jit3A_1716 : i32 to vector<16xi32>
      %broadcast_in_dim3A_1719 = vector.broadcast %jit3A_1717 : i32 to vector<16xi32>
      %select_n3A_1720 = arith.select %ge3A_1715, %broadcast_in_dim3A_1718, %broadcast_in_dim3A_1719 : vector<16xi1>, vector<16xi32>
      %add3A_1721 = arith.addi %select_n3A_1712, %select_n3A_1720 : vector<16xi32>
      %add3A_1722 = arith.constant 14 : i32
      %add3A_1723 = vector.broadcast %add3A_1722 : i32 to vector<16xi32>
      %add3A_1724 = arith.addi %add3A_1721, %add3A_1723 : vector<16xi32>
      %add3A_1725 = arith.addi %select_n3A_1712, %select_n3A_1720 : vector<16xi32>
      %mul3A_1726 = arith.constant 9 : i32
      %mul3A_1727 = vector.broadcast %mul3A_1726 : i32 to vector<16xi32>
      %mul3A_1728 = arith.muli %mul3A_1727, %add3A_1725 : vector<16xi32>
      %sub3A_1729 = arith.subi %add3A_1704, %mul3A_1728 : vector<16xi32>
      %reshape3A_1730 = vector.shape_cast %add3A_1724 : vector<16xi32> to vector<16x1xi32>
      %gather3A_1731 = vector.shape_cast %reshape3A_1730 : vector<16x1xi32> to vector<16xi32>
      %gather3A_1732 = tpu.dynamic_gather %mul3A_797[%gather3A_1731] in [0] : vector<16xf32>, vector<16xi32> -> vector<16xf32>
      %reshape3A_1733 = vector.shape_cast %add3A_1724 : vector<16xi32> to vector<16x1xi32>
      %gather3A_1734 = vector.shape_cast %reshape3A_1733 : vector<16x1xi32> to vector<16xi32>
      %gather3A_1735 = tpu.dynamic_gather %mul3A_798[%gather3A_1734] in [0] : vector<16xf32>, vector<16xi32> -> vector<16xf32>
      %eq3A_1736 = arith.constant 1 : i32
      %eq3A_1737 = vector.broadcast %eq3A_1736 : i32 to vector<16xi32>
      %eq3A_1738 = arith.cmpi eq, %sub3A_1729, %eq3A_1737 : vector<16xi32>
      %select_n3A_1739 = arith.select %eq3A_1738, %gather3A_1735, %gather3A_1732 : vector<16xi1>, vector<16xf32>
      %reshape3A_1740 = vector.shape_cast %add3A_1724 : vector<16xi32> to vector<16x1xi32>
      %gather3A_1741 = vector.shape_cast %reshape3A_1740 : vector<16x1xi32> to vector<16xi32>
      %gather3A_1742 = tpu.dynamic_gather %mul3A_799[%gather3A_1741] in [0] : vector<16xf32>, vector<16xi32> -> vector<16xf32>
      %eq3A_1743 = arith.constant 2 : i32
      %eq3A_1744 = vector.broadcast %eq3A_1743 : i32 to vector<16xi32>
      %eq3A_1745 = arith.cmpi eq, %sub3A_1729, %eq3A_1744 : vector<16xi32>
      %select_n3A_1746 = arith.select %eq3A_1745, %gather3A_1742, %select_n3A_1739 : vector<16xi1>, vector<16xf32>
      %reshape3A_1747 = vector.shape_cast %add3A_1724 : vector<16xi32> to vector<16x1xi32>
      %gather3A_1748 = vector.shape_cast %reshape3A_1747 : vector<16x1xi32> to vector<16xi32>
      %gather3A_1749 = tpu.dynamic_gather %mul3A_800[%gather3A_1748] in [0] : vector<16xf32>, vector<16xi32> -> vector<16xf32>
      %eq3A_1750 = arith.constant 3 : i32
      %eq3A_1751 = vector.broadcast %eq3A_1750 : i32 to vector<16xi32>
      %eq3A_1752 = arith.cmpi eq, %sub3A_1729, %eq3A_1751 : vector<16xi32>
      %select_n3A_1753 = arith.select %eq3A_1752, %gather3A_1749, %select_n3A_1746 : vector<16xi1>, vector<16xf32>
      %reshape3A_1754 = vector.shape_cast %add3A_1724 : vector<16xi32> to vector<16x1xi32>
      %gather3A_1755 = vector.shape_cast %reshape3A_1754 : vector<16x1xi32> to vector<16xi32>
      %gather3A_1756 = tpu.dynamic_gather %mul3A_801[%gather3A_1755] in [0] : vector<16xf32>, vector<16xi32> -> vector<16xf32>
      %eq3A_1757 = arith.constant 4 : i32
      %eq3A_1758 = vector.broadcast %eq3A_1757 : i32 to vector<16xi32>
      %eq3A_1759 = arith.cmpi eq, %sub3A_1729, %eq3A_1758 : vector<16xi32>
      %select_n3A_1760 = arith.select %eq3A_1759, %gather3A_1756, %select_n3A_1753 : vector<16xi1>, vector<16xf32>
      %reshape3A_1761 = vector.shape_cast %add3A_1724 : vector<16xi32> to vector<16x1xi32>
      %gather3A_1762 = vector.shape_cast %reshape3A_1761 : vector<16x1xi32> to vector<16xi32>
      %gather3A_1763 = tpu.dynamic_gather %mul3A_802[%gather3A_1762] in [0] : vector<16xf32>, vector<16xi32> -> vector<16xf32>
      %eq3A_1764 = arith.constant 5 : i32
      %eq3A_1765 = vector.broadcast %eq3A_1764 : i32 to vector<16xi32>
      %eq3A_1766 = arith.cmpi eq, %sub3A_1729, %eq3A_1765 : vector<16xi32>
      %select_n3A_1767 = arith.select %eq3A_1766, %gather3A_1763, %select_n3A_1760 : vector<16xi1>, vector<16xf32>
      %reshape3A_1768 = vector.shape_cast %add3A_1724 : vector<16xi32> to vector<16x1xi32>
      %gather3A_1769 = vector.shape_cast %reshape3A_1768 : vector<16x1xi32> to vector<16xi32>
      %gather3A_1770 = tpu.dynamic_gather %mul3A_803[%gather3A_1769] in [0] : vector<16xf32>, vector<16xi32> -> vector<16xf32>
      %eq3A_1771 = arith.constant 6 : i32
      %eq3A_1772 = vector.broadcast %eq3A_1771 : i32 to vector<16xi32>
      %eq3A_1773 = arith.cmpi eq, %sub3A_1729, %eq3A_1772 : vector<16xi32>
      %select_n3A_1774 = arith.select %eq3A_1773, %gather3A_1770, %select_n3A_1767 : vector<16xi1>, vector<16xf32>
      %reshape3A_1775 = vector.shape_cast %add3A_1724 : vector<16xi32> to vector<16x1xi32>
      %gather3A_1776 = vector.shape_cast %reshape3A_1775 : vector<16x1xi32> to vector<16xi32>
      %gather3A_1777 = tpu.dynamic_gather %mul3A_804[%gather3A_1776] in [0] : vector<16xf32>, vector<16xi32> -> vector<16xf32>
      %eq3A_1778 = arith.constant 7 : i32
      %eq3A_1779 = vector.broadcast %eq3A_1778 : i32 to vector<16xi32>
      %eq3A_1780 = arith.cmpi eq, %sub3A_1729, %eq3A_1779 : vector<16xi32>
      %select_n3A_1781 = arith.select %eq3A_1780, %gather3A_1777, %select_n3A_1774 : vector<16xi1>, vector<16xf32>
      %reshape3A_1782 = vector.shape_cast %add3A_1724 : vector<16xi32> to vector<16x1xi32>
      %gather3A_1783 = vector.shape_cast %reshape3A_1782 : vector<16x1xi32> to vector<16xi32>
      %gather3A_1784 = tpu.dynamic_gather %mul3A_805[%gather3A_1783] in [0] : vector<16xf32>, vector<16xi32> -> vector<16xf32>
      %eq3A_1785 = arith.constant 8 : i32
      %eq3A_1786 = vector.broadcast %eq3A_1785 : i32 to vector<16xi32>
      %eq3A_1787 = arith.cmpi eq, %sub3A_1729, %eq3A_1786 : vector<16xi32>
      %select_n3A_1788 = arith.select %eq3A_1787, %gather3A_1784, %select_n3A_1781 : vector<16xi1>, vector<16xf32>
      %swap3A = arith.constant 0 : index
      %swap3A_1789 = tpu.vector_load %arg8[%swap3A] {strides = array<i32>} : memref<144xf32, #tpu.memory_space<vmem>>, vector<16xf32>,
      %swap3A_1790 = vector.shape_cast %swap3A_1789 : vector<16xf32> to vector<16xf32>
      %swap3A_1791 = vector.shape_cast %select_n3A_1092 : vector<16xf32> to vector<16xf32>
      tpu.vector_store %arg8[%swap3A], %swap3A_1791 {strides = array<i32>} : memref<144xf32, #tpu.memory_space<vmem>>, vector<16xf32>,
      %swap3A_1792 = arith.constant 16 : index
      %swap3A_1793 = tpu.vector_load %arg8[%swap3A_1792] {strides = array<i32>} : memref<144xf32, #tpu.memory_space<vmem>>, vector<16xf32>,
      %swap3A_1794 = vector.shape_cast %swap3A_1793 : vector<16xf32> to vector<16xf32>
      %swap3A_1795 = vector.shape_cast %select_n3A_1179 : vector<16xf32> to vector<16xf32>
      tpu.vector_store %arg8[%swap3A_1792], %swap3A_1795 {strides = array<i32>} : memref<144xf32, #tpu.memory_space<vmem>>, vector<16xf32>,
      %swap3A_1796 = arith.constant 32 : index
      %swap3A_1797 = tpu.vector_load %arg8[%swap3A_1796] {strides = array<i32>} : memref<144xf32, #tpu.memory_space<vmem>>, vector<16xf32>,
      %swap3A_1798 = vector.shape_cast %swap3A_1797 : vector<16xf32> to vector<16xf32>
      %swap3A_1799 = vector.shape_cast %select_n3A_1266 : vector<16xf32> to vector<16xf32>
      tpu.vector_store %arg8[%swap3A_1796], %swap3A_1799 {strides = array<i32>} : memref<144xf32, #tpu.memory_space<vmem>>, vector<16xf32>,
      %swap3A_1800 = arith.constant 48 : index
      %swap3A_1801 = tpu.vector_load %arg8[%swap3A_1800] {strides = array<i32>} : memref<144xf32, #tpu.memory_space<vmem>>, vector<16xf32>,
      %swap3A_1802 = vector.shape_cast %swap3A_1801 : vector<16xf32> to vector<16xf32>
      %swap3A_1803 = vector.shape_cast %select_n3A_1353 : vector<16xf32> to vector<16xf32>
      tpu.vector_store %arg8[%swap3A_1800], %swap3A_1803 {strides = array<i32>} : memref<144xf32, #tpu.memory_space<vmem>>, vector<16xf32>,
      %swap3A_1804 = arith.constant 64 : index
      %swap3A_1805 = tpu.vector_load %arg8[%swap3A_1804] {strides = array<i32>} : memref<144xf32, #tpu.memory_space<vmem>>, vector<16xf32>,
      %swap3A_1806 = vector.shape_cast %swap3A_1805 : vector<16xf32> to vector<16xf32>
      %swap3A_1807 = vector.shape_cast %select_n3A_1440 : vector<16xf32> to vector<16xf32>
      tpu.vector_store %arg8[%swap3A_1804], %swap3A_1807 {strides = array<i32>} : memref<144xf32, #tpu.memory_space<vmem>>, vector<16xf32>,
      %swap3A_1808 = arith.constant 80 : index
      %swap3A_1809 = tpu.vector_load %arg8[%swap3A_1808] {strides = array<i32>} : memref<144xf32, #tpu.memory_space<vmem>>, vector<16xf32>,
      %swap3A_1810 = vector.shape_cast %swap3A_1809 : vector<16xf32> to vector<16xf32>
      %swap3A_1811 = vector.shape_cast %select_n3A_1527 : vector<16xf32> to vector<16xf32>
      tpu.vector_store %arg8[%swap3A_1808], %swap3A_1811 {strides = array<i32>} : memref<144xf32, #tpu.memory_space<vmem>>, vector<16xf32>,
      %swap3A_1812 = arith.constant 96 : index
      %swap3A_1813 = tpu.vector_load %arg8[%swap3A_1812] {strides = array<i32>} : memref<144xf32, #tpu.memory_space<vmem>>, vector<16xf32>,
      %swap3A_1814 = vector.shape_cast %swap3A_1813 : vector<16xf32> to vector<16xf32>
      %swap3A_1815 = vector.shape_cast %select_n3A_1614 : vector<16xf32> to vector<16xf32>
      tpu.vector_store %arg8[%swap3A_1812], %swap3A_1815 {strides = array<i32>} : memref<144xf32, #tpu.memory_space<vmem>>, vector<16xf32>,
      %swap3A_1816 = arith.constant 112 : index
      %swap3A_1817 = tpu.vector_load %arg8[%swap3A_1816] {strides = array<i32>} : memref<144xf32, #tpu.memory_space<vmem>>, vector<16xf32>,
      %swap3A_1818 = vector.shape_cast %swap3A_1817 : vector<16xf32> to vector<16xf32>
      %swap3A_1819 = vector.shape_cast %select_n3A_1701 : vector<16xf32> to vector<16xf32>
      tpu.vector_store %arg8[%swap3A_1816], %swap3A_1819 {strides = array<i32>} : memref<144xf32, #tpu.memory_space<vmem>>, vector<16xf32>,
      %swap3A_1820 = arith.constant 128 : index
      %swap3A_1821 = tpu.vector_load %arg8[%swap3A_1820] {strides = array<i32>} : memref<144xf32, #tpu.memory_space<vmem>>, vector<16xf32>,
      %swap3A_1822 = vector.shape_cast %swap3A_1821 : vector<16xf32> to vector<16xf32>
      %swap3A_1823 = vector.shape_cast %select_n3A_1788 : vector<16xf32> to vector<16xf32>
      tpu.vector_store %arg8[%swap3A_1820], %swap3A_1823 {strides = array<i32>} : memref<144xf32, #tpu.memory_space<vmem>>, vector<16xf32>,
      %iota3A_1824 = tpu.iota {dimensions = array<i32: 0>} : vector<16xi32>
      %add3A_1825 = arith.constant 0 : i32
      %add3A_1826 = vector.broadcast %add3A_1825 : i32 to vector<16xi32>
      %add3A_1827 = arith.addi %iota3A_1824, %add3A_1826 : vector<16xi32>
      %shift_right_arithmetic3A_1828 = arith.constant 1 : i32
      %shift_right_arithmetic3A_1829 = vector.broadcast %shift_right_arithmetic3A_1828 : i32 to vector<16xi32>
      %shift_right_arithmetic3A_1830 = arith.shrsi %add3A_1827, %shift_right_arithmetic3A_1829 : vector<16xi32>
      %and3A_1831 = arith.constant 1 : i32
      %and3A_1832 = vector.broadcast %and3A_1831 : i32 to vector<16xi32>
      %and3A_1833 = arith.andi %add3A_1827, %and3A_1832 : vector<16xi32>
      %eq3A_1834 = arith.constant 0 : i32
      %eq3A_1835 = vector.broadcast %eq3A_1834 : i32 to vector<16xi32>
      %eq3A_1836 = arith.cmpi eq, %and3A_1833, %eq3A_1835 : vector<16xi32>
      %reshape3A_1837 = vector.shape_cast %shift_right_arithmetic3A_1830 : vector<16xi32> to vector<16x1xi32>
      %gather3A_1838 = vector.shape_cast %reshape3A_1837 : vector<16x1xi32> to vector<16xi32>
      %gather3A_1839 = tpu.dynamic_gather %select_n3A_925[%gather3A_1838] in [0] : vector<16xi32>, vector<16xi32> -> vector<16xi32>
      %reshape3A_1840 = vector.shape_cast %shift_right_arithmetic3A_1830 : vector<16xi32> to vector<16x1xi32>
      %gather3A_1841 = vector.shape_cast %reshape3A_1840 : vector<16x1xi32> to vector<16xi32>
      %gather3A_1842 = tpu.dynamic_gather %select_n3A_1005[%gather3A_1841] in [0] : vector<16xi32>, vector<16xi32> -> vector<16xi32>
      %select_n3A_1843 = arith.select %eq3A_1836, %gather3A_1839, %gather3A_1842 : vector<16xi1>, vector<16xi32>
      %add3A_1844 = arith.constant 16 : i32
      %add3A_1845 = vector.broadcast %add3A_1844 : i32 to vector<16xi32>
      %add3A_1846 = arith.addi %iota3A_1824, %add3A_1845 : vector<16xi32>
      %shift_right_arithmetic3A_1847 = arith.constant 1 : i32
      %shift_right_arithmetic3A_1848 = vector.broadcast %shift_right_arithmetic3A_1847 : i32 to vector<16xi32>
      %shift_right_arithmetic3A_1849 = arith.shrsi %add3A_1846, %shift_right_arithmetic3A_1848 : vector<16xi32>
      %and3A_1850 = arith.constant 1 : i32
      %and3A_1851 = vector.broadcast %and3A_1850 : i32 to vector<16xi32>
      %and3A_1852 = arith.andi %add3A_1846, %and3A_1851 : vector<16xi32>
      %eq3A_1853 = arith.constant 0 : i32
      %eq3A_1854 = vector.broadcast %eq3A_1853 : i32 to vector<16xi32>
      %eq3A_1855 = arith.cmpi eq, %and3A_1852, %eq3A_1854 : vector<16xi32>
      %reshape3A_1856 = vector.shape_cast %shift_right_arithmetic3A_1849 : vector<16xi32> to vector<16x1xi32>
      %gather3A_1857 = vector.shape_cast %reshape3A_1856 : vector<16x1xi32> to vector<16xi32>
      %gather3A_1858 = tpu.dynamic_gather %select_n3A_925[%gather3A_1857] in [0] : vector<16xi32>, vector<16xi32> -> vector<16xi32>
      %reshape3A_1859 = vector.shape_cast %shift_right_arithmetic3A_1849 : vector<16xi32> to vector<16x1xi32>
      %gather3A_1860 = vector.shape_cast %reshape3A_1859 : vector<16x1xi32> to vector<16xi32>
      %gather3A_1861 = tpu.dynamic_gather %select_n3A_1005[%gather3A_1860] in [0] : vector<16xi32>, vector<16xi32> -> vector<16xi32>
      %select_n3A_1862 = arith.select %eq3A_1855, %gather3A_1858, %gather3A_1861 : vector<16xi1>, vector<16xi32>
      %swap3A_1863 = arith.constant 0 : index
      %swap3A_1864 = tpu.vector_load %arg9[%swap3A_1863] {strides = array<i32>} : memref<32xi32, #tpu.memory_space<vmem>>, vector<16xi32>,
      %swap3A_1865 = vector.shape_cast %swap3A_1864 : vector<16xi32> to vector<16xi32>
      %swap3A_1866 = vector.shape_cast %select_n3A_1843 : vector<16xi32> to vector<16xi32>
      tpu.vector_store %arg9[%swap3A_1863], %swap3A_1866 {strides = array<i32>} : memref<32xi32, #tpu.memory_space<vmem>>, vector<16xi32>,
      %swap3A_1867 = arith.constant 16 : index
      %swap3A_1868 = tpu.vector_load %arg9[%swap3A_1867] {strides = array<i32>} : memref<32xi32, #tpu.memory_space<vmem>>, vector<16xi32>,
      %swap3A_1869 = vector.shape_cast %swap3A_1868 : vector<16xi32> to vector<16xi32>
      %swap3A_1870 = vector.shape_cast %select_n3A_1862 : vector<16xi32> to vector<16xi32>
      tpu.vector_store %arg9[%swap3A_1867], %swap3A_1870 {strides = array<i32>} : memref<32xi32, #tpu.memory_space<vmem>>, vector<16xi32>,
      %lt3A_1871 = arith.constant 6 : i32
      %lt3A_1872 = arith.cmpi slt, %arg1, %lt3A_1871 : i32
      %convert_element_type3A_1873 = arith.extui %lt3A_1872 : i1 to i32
      %cond3A_1874 = arith.constant 0 : i32
      %cond3A_1875 = arith.cmpi ne, %convert_element_type3A_1873, %cond3A_1874 : i32
      scf.if %cond3A_1875 {
        %mul3A_1881 = arith.constant 144 : i32
        %mul3A_1882 = arith.muli %arg1, %mul3A_1881 : i32
        %dma_start3A_1883 = tpu.memref_slice %arg4[%mul3A_1882] : memref<900xf32, #tpu.memory_space<hbm>> -> memref<144xf32, #tpu.memory_space<hbm>>
        %dma_start3A_1884 = tpu.memref_slice %arg4[%mul3A_1882] : memref<900xf32, #tpu.memory_space<hbm>> -> memref<144xf32, #tpu.memory_space<hbm>>
        tpu.enqueue_dma source(%arg8 : memref<144xf32, #tpu.memory_space<vmem>>) target(%dma_start3A_1884 : memref<144xf32, #tpu.memory_space<hbm>>) target_semaphore(%arg11 : memref<!tpu.dma_semaphore, #tpu.memory_space<semaphore_mem>>)
        %mul3A_1885 = arith.constant 32 : i32
        %mul3A_1886 = arith.muli %arg1, %mul3A_1885 : i32
        %dma_start3A_1887 = tpu.memref_slice %arg5[%mul3A_1886] : memref<200xi32, #tpu.memory_space<hbm>> -> memref<32xi32, #tpu.memory_space<hbm>>
        %dma_start3A_1888 = tpu.memref_slice %arg5[%mul3A_1886] : memref<200xi32, #tpu.memory_space<hbm>> -> memref<32xi32, #tpu.memory_space<hbm>>
        tpu.enqueue_dma source(%arg9 : memref<32xi32, #tpu.memory_space<vmem>>) target(%dma_start3A_1888 : memref<32xi32, #tpu.memory_space<hbm>>) target_semaphore(%arg10 : memref<!tpu.dma_semaphore, #tpu.memory_space<semaphore_mem>>)
        %dma_wait3A_1889 = tpu.memref_slice %arg4[%mul3A_1882] : memref<900xf32, #tpu.memory_space<hbm>> -> memref<144xf32, #tpu.memory_space<hbm>>
        %dma_wait3A_1890 = tpu.memref_slice %arg4[%mul3A_1882] : memref<900xf32, #tpu.memory_space<hbm>> -> memref<144xf32, #tpu.memory_space<hbm>>
        tpu.wait_dma2 semaphore(%arg11 : memref<!tpu.dma_semaphore, #tpu.memory_space<semaphore_mem>>) src(%arg8 : memref<144xf32, #tpu.memory_space<vmem>>) dst(%dma_wait3A_1890 : memref<144xf32, #tpu.memory_space<hbm>>)
        %dma_wait3A_1891 = tpu.memref_slice %arg5[%mul3A_1886] : memref<200xi32, #tpu.memory_space<hbm>> -> memref<32xi32, #tpu.memory_space<hbm>>
        %dma_wait3A_1892 = tpu.memref_slice %arg5[%mul3A_1886] : memref<200xi32, #tpu.memory_space<hbm>> -> memref<32xi32, #tpu.memory_space<hbm>>
        tpu.wait_dma2 semaphore(%arg10 : memref<!tpu.dma_semaphore, #tpu.memory_space<semaphore_mem>>) src(%arg9 : memref<32xi32, #tpu.memory_space<vmem>>) dst(%dma_wait3A_1892 : memref<32xi32, #tpu.memory_space<hbm>>)
      } else {
      }
      %eq3A_1876 = arith.constant 6 : i32
      %eq3A_1877 = arith.cmpi eq, %arg1, %eq3A_1876 : i32
      %convert_element_type3A_1878 = arith.extui %eq3A_1877 : i1 to i32
      %cond3A_1879 = arith.constant 0 : i32
      %cond3A_1880 = arith.cmpi ne, %convert_element_type3A_1878, %cond3A_1879 : i32
      scf.if %cond3A_1880 {
        %dma_start3A_1881 = arith.constant 0 : i32
        %dma_start3A_1882 = tpu.memref_slice %arg8[%dma_start3A_1881] : memref<144xf32, #tpu.memory_space<vmem>> -> memref<36xf32, #tpu.memory_space<vmem>>
        %dma_start3A_1883 = arith.constant 864 : i32
        %dma_start3A_1884 = tpu.memref_slice %arg4[%dma_start3A_1883] : memref<900xf32, #tpu.memory_space<hbm>> -> memref<36xf32, #tpu.memory_space<hbm>>
        %dma_start3A_1885 = arith.constant 864 : i32
        %dma_start3A_1886 = tpu.memref_slice %arg4[%dma_start3A_1885] : memref<900xf32, #tpu.memory_space<hbm>> -> memref<36xf32, #tpu.memory_space<hbm>>
        %dma_start3A_1887 = arith.constant 0 : i32
        %dma_start3A_1888 = tpu.memref_slice %arg8[%dma_start3A_1887] : memref<144xf32, #tpu.memory_space<vmem>> -> memref<36xf32, #tpu.memory_space<vmem>>
        tpu.enqueue_dma source(%dma_start3A_1888 : memref<36xf32, #tpu.memory_space<vmem>>) target(%dma_start3A_1886 : memref<36xf32, #tpu.memory_space<hbm>>) target_semaphore(%arg11 : memref<!tpu.dma_semaphore, #tpu.memory_space<semaphore_mem>>)
        %dma_start3A_1889 = arith.constant 0 : i32
        %dma_start3A_1890 = tpu.memref_slice %arg9[%dma_start3A_1889] : memref<32xi32, #tpu.memory_space<vmem>> -> memref<8xi32, #tpu.memory_space<vmem>>
        %dma_start3A_1891 = arith.constant 192 : i32
        %dma_start3A_1892 = tpu.memref_slice %arg5[%dma_start3A_1891] : memref<200xi32, #tpu.memory_space<hbm>> -> memref<8xi32, #tpu.memory_space<hbm>>
        %dma_start3A_1893 = arith.constant 192 : i32
        %dma_start3A_1894 = tpu.memref_slice %arg5[%dma_start3A_1893] : memref<200xi32, #tpu.memory_space<hbm>> -> memref<8xi32, #tpu.memory_space<hbm>>
        %dma_start3A_1895 = arith.constant 0 : i32
        %dma_start3A_1896 = tpu.memref_slice %arg9[%dma_start3A_1895] : memref<32xi32, #tpu.memory_space<vmem>> -> memref<8xi32, #tpu.memory_space<vmem>>
        tpu.enqueue_dma source(%dma_start3A_1896 : memref<8xi32, #tpu.memory_space<vmem>>) target(%dma_start3A_1894 : memref<8xi32, #tpu.memory_space<hbm>>) target_semaphore(%arg10 : memref<!tpu.dma_semaphore, #tpu.memory_space<semaphore_mem>>)
        %dma_wait3A_1897 = arith.constant 0 : i32
        %dma_wait3A_1898 = tpu.memref_slice %arg8[%dma_wait3A_1897] : memref<144xf32, #tpu.memory_space<vmem>> -> memref<36xf32, #tpu.memory_space<vmem>>
        %dma_wait3A_1899 = arith.constant 864 : i32
        %dma_wait3A_1900 = tpu.memref_slice %arg4[%dma_wait3A_1899] : memref<900xf32, #tpu.memory_space<hbm>> -> memref<36xf32, #tpu.memory_space<hbm>>
        %dma_wait3A_1901 = arith.constant 864 : i32
        %dma_wait3A_1902 = tpu.memref_slice %arg4[%dma_wait3A_1901] : memref<900xf32, #tpu.memory_space<hbm>> -> memref<36xf32, #tpu.memory_space<hbm>>
        %dma_wait3A_1903 = arith.constant 0 : i32
        %dma_wait3A_1904 = tpu.memref_slice %arg8[%dma_wait3A_1903] : memref<144xf32, #tpu.memory_space<vmem>> -> memref<36xf32, #tpu.memory_space<vmem>>
        tpu.wait_dma2 semaphore(%arg11 : memref<!tpu.dma_semaphore, #tpu.memory_space<semaphore_mem>>) src(%dma_wait3A_1904 : memref<36xf32, #tpu.memory_space<vmem>>) dst(%dma_wait3A_1902 : memref<36xf32, #tpu.memory_space<hbm>>)
        %dma_wait3A_1905 = arith.constant 0 : i32
        %dma_wait3A_1906 = tpu.memref_slice %arg9[%dma_wait3A_1905] : memref<32xi32, #tpu.memory_space<vmem>> -> memref<8xi32, #tpu.memory_space<vmem>>
        %dma_wait3A_1907 = arith.constant 192 : i32
        %dma_wait3A_1908 = tpu.memref_slice %arg5[%dma_wait3A_1907] : memref<200xi32, #tpu.memory_space<hbm>> -> memref<8xi32, #tpu.memory_space<hbm>>
        %dma_wait3A_1909 = arith.constant 192 : i32
        %dma_wait3A_1910 = tpu.memref_slice %arg5[%dma_wait3A_1909] : memref<200xi32, #tpu.memory_space<hbm>> -> memref<8xi32, #tpu.memory_space<hbm>>
        %dma_wait3A_1911 = arith.constant 0 : i32
        %dma_wait3A_1912 = tpu.memref_slice %arg9[%dma_wait3A_1911] : memref<32xi32, #tpu.memory_space<vmem>> -> memref<8xi32, #tpu.memory_space<vmem>>
        tpu.wait_dma2 semaphore(%arg10 : memref<!tpu.dma_semaphore, #tpu.memory_space<semaphore_mem>>) src(%dma_wait3A_1912 : memref<8xi32, #tpu.memory_space<vmem>>) dst(%dma_wait3A_1910 : memref<8xi32, #tpu.memory_space<hbm>>)
      } else {
      }
    } else {
    }
    return
  }
}

</mosaic_0001>

<sc_bundles>
// kernel: kernel.3.cloned.1.call-start
scs
__scs_entry_jumppad:
0x0: {  	(pc) =	sbr.rel $0x88, $3  }
0x1: {  	(tag) =	ssettag $0x0;
	lr =	simm.s32 $0x1  }
0x2: {  	[smem:$0x3FA0] =	sst lr;
	_ =	strace $0xD0000000  }
0x3: {  	_ = 	snop  }
0x4: {  	_ = 	snop  }
0x5: {  	_ = 	snop  }
0x6: {  	_ = 	snop  }
0x7: {  	_ = 	snop  }
__scs_overlays_trampoline_lowered:
0x8: {  	[smem:$0x3FAF] =	sst s0  }
0x9: {  	[smem:$0x3FB0] =	sst s1  }
0xa: {  	[smem:$0x3FB1] =	sst s2  }
0xb: {  	[smem:$0x3FB2] =	sst s3  }
0xc: {  	[smem:$0x3FB3] =	sst s4  }
0xd: {  	[smem:$0x3FB4] =	sst s5  }
0xe: {  	[smem:$0x3FB5] =	sst s6  }
0xf: {  	[smem:$0x3FB6] =	sst s7  }
0x10: {  	[smem:$0x3FB7] =	sst s8  }
0x11: {  	[smem:$0x3FB8] =	sst s9;
	s0 =	simm.s32 @!p0 $0x0  }
0x12: {  	s1 =	sld [smem:$0x3F9E];
	s0 =	simm.s32 @p0 $0x1  }
0x13: {  	[smem:$0x3FB9] =	sst s0;
	s0 =	simm.s32 @!p1 $0x0  }
0x14: {  	s2 =	sld [smem:$0x3F9D];
	s0 =	simm.s32 @p1 $0x1  }
0x15: {  	[smem:$0x3FBA] =	sst s0;
	s0 =	simm.s32 @!p2 $0x0  }
0x16: {  	s3 =	sld [smem:$0x3FDB];
	s0 =	simm.s32 @p2 $0x1  }
0x17: {  	s4 =	simm.s32 $0x1BF5;
	[smem:$0x3FBC] =	sst s0  }
0x18: {  	s0 =	sld [smem:$0x3F9F];
	_ =	swait.ge [sflag:s4], $0x0  }
0x19: {  	s7 =	sld [smem:$0x3FA0]  }
0x1a: {  	s8 =	sadd.s32 $0xFFFFE003, lr  }
0x1b: {  	s9 =	sadd.s32 $0xFFFFFEF7, lr;
	s5 =	simm.s32 $0xFFFFFFFF;
	p2 =	slt.u32 s8, $0xFFFFF086  }
0x1c: {  	p1 =	slt.u32 s9, $0xF7A;
	s5 =	simm.s32 @!p2 $0x0  }
0x1d: {  	s5 =	simm.s32 @p1 $0x1;
	p0 =	seq.s32 s7, s2  }
0x1e: {  	s7 =	smul.u32 @!p0 $0xF7A, s2;
	p2 =	seq.s32 @!p0 s5, $0x0  }
0x1f: {  	s9 =	smul.u32 $0xF7A, s1;
	s8 =	simm.s32 @!p0 $0x1BF5;
	p2 =	por !p2, p0  }
0x20: {  	[sflag:s8] =	ssyncset.s32 @!p0 $0xFFFFF086;
	s6 =	sadd.s32 @!p0 s3, s7;
	s7 =	simm.s32 @!p0 $0x108  }
0x21: {  	s3 =	sadd.s32 s3, s9;
	s6 =	sadd.s32 @!p0 $0x88, s6;
	s7 =	simm.s32 @p2 $0x1082  }
0x22: {  	[simem:s7], [sflag:s8] =	dma.local @!p0 [hbm:s6], $0xF7A  }
0x23: {  	s9 =	sor.u32 $0xD0000000, s2;
	s6 =	simm.s32 $0x108;
	_ =	swait.ge @!p0 [sflag:s8], $0x0  }
0x24: {  	s3 =	sadd.s32 $0x88, s3;
	s6 =	simm.s32 @!p1 $0x1082;
	[sflag:s4] =	ssyncset.s32 $0xFFFFF086  }
0x25: {  	[simem:s6], [sflag:s4] =	dma.local [hbm:s3], $0xF7A  }
0x26: {  	[smem:$0x3FA0] =	sst s1;
	(tag) =	ssettag s2;
	_ =	strace s9  }
0x27: {  	s1 =	sld [smem:$0x3FB0]  }
0x28: {  	s2 =	sld [smem:$0x3FB1]  }
0x29: {  	s4 =	sld [smem:$0x3FB3]  }
0x2a: {  	p0 =	seq.s32 s5, $0x0;
	s5 =	sld [smem:$0x3FB4]  }
0x2b: {  	s6 =	sld [smem:$0x3FB5]  }
0x2c: {  	s7 =	sld [smem:$0x3FB6]  }
0x2d: {  	s3 =	simm.s32 $0x108;
	s8 =	sld [smem:$0x3FB7]  }
0x2e: {  	s3 =	simm.s32 @!p0 $0x1082;
	s9 =	sld [smem:$0x3FB8]  }
0x2f: {  	lr =	sadd.s32 s0, s3;
	s0 =	sld [smem:$0x3FAF]  }
0x30: {  	s3 =	sld [smem:$0x3FB2]  }
0x31: {  	[smem:$0x3FBB] =	sst s10  }
0x32: {  	s10 =	sld [smem:$0x3FB9];
	_ =	sdelay $0x3  }
0x33: {  	p0 =	seq.s32 s10, $0x1;
	s10 =	sld [smem:$0x3FBB];
	_ =	sdelay $0x3  }
0x34: {  	[smem:$0x3FBB] =	sst s10  }
0x35: {  	s10 =	sld [smem:$0x3FBA];
	_ =	sdelay $0x3  }
0x36: {  	p1 =	seq.s32 s10, $0x1;
	s10 =	sld [smem:$0x3FBB];
	_ =	sdelay $0x3  }
0x37: {  	[smem:$0x3FBB] =	sst s10  }
0x38: {  	s10 =	sld [smem:$0x3FBC]  }
0x39: {  	_ = 	snop;
	(pc) =	sbr.ind lr, $3  }
0x3a: {  	_ = 	snop  }
0x3b: {  	_ = 	snop  }
0x3c: {  	p2 =	seq.s32 s10, $0x1;
	s10 =	sld [smem:$0x3FBB]  }
0x3d: {  	_ =	shalt  }
0x3e: {  	_ =	shalt  }
0x3f: {  	_ =	shalt  }
0x40: {  	_ =	shalt  }
0x41: {  	_ =	shalt  }
0x42: {  	_ =	shalt  }
0x43: {  	_ =	shalt  }
0x44: {  	_ =	shalt  }
0x45: {  	_ =	shalt  }
0x46: {  	_ =	shalt  }
0x47: {  	_ =	shalt  }
0x48: {  	_ =	shalt  }
0x49: {  	_ =	shalt  }
0x4a: {  	_ =	shalt  }
0x4b: {  	_ =	shalt  }
0x4c: {  	_ =	shalt  }
0x4d: {  	_ =	shalt  }
0x4e: {  	_ =	shalt  }
0x4f: {  	_ =	shalt  }
0x50: {  	_ =	shalt  }
0x51: {  	_ =	shalt  }
0x52: {  	_ =	shalt  }
0x53: {  	_ =	shalt  }
0x54: {  	_ =	shalt  }
0x55: {  	_ =	shalt  }
0x56: {  	_ =	shalt  }
0x57: {  	_ =	shalt  }
0x58: {  	_ =	shalt  }
0x59: {  	_ =	shalt  }
0x5a: {  	_ =	shalt  }
0x5b: {  	_ =	shalt  }
0x5c: {  	_ =	shalt  }
0x5d: {  	_ =	shalt  }
0x5e: {  	_ =	shalt  }
0x5f: {  	_ =	shalt  }
0x60: {  	_ =	shalt  }
0x61: {  	_ =	shalt  }
0x62: {  	_ =	shalt  }
0x63: {  	_ =	shalt  }
0x64: {  	_ =	shalt  }
0x65: {  	_ =	shalt  }
0x66: {  	_ =	shalt  }
0x67: {  	_ =	shalt  }
0x68: {  	_ =	shalt  }
0x69: {  	_ =	shalt  }
0x6a: {  	_ =	shalt  }
0x6b: {  	_ =	shalt  }
0x6c: {  	_ =	shalt  }
0x6d: {  	_ =	shalt  }
0x6e: {  	_ =	shalt  }
0x6f: {  	_ =	shalt  }
0x70: {  	_ =	shalt  }
0x71: {  	_ =	shalt  }
0x72: {  	_ =	shalt  }
0x73: {  	_ =	shalt  }
0x74: {  	_ =	shalt  }
0x75: {  	_ =	shalt  }
0x76: {  	_ =	shalt  }
0x77: {  	_ =	shalt  }
0x78: {  	_ =	shalt  }
0x79: {  	_ =	shalt  }
0x7a: {  	_ =	shalt  }
0x7b: {  	_ =	shalt  }
0x7c: {  	_ =	shalt  }
0x7d: {  	_ =	shalt  }
0x7e: {  	_ =	shalt  }
0x7f: {  	_ =	shalt  }
0x80: {  	_ =	shalt  }
0x81: {  	_ =	shalt  }
0x82: {  	_ =	shalt  }
0x83: {  	_ =	shalt  }
0x84: {  	_ =	shalt  }
0x85: {  	_ =	shalt  }
0x86: {  	_ =	shalt  }
0x87: {  	_ =	shalt  }
.Lfunc_end0:
.L_simem_size_0:
called_computation_lowered:
.L_overlay_start_0:
0x88: {  	s0 =	sld [smem:$0x3FD9]  }
0x89: {  	s1 =	sld [smem:$0x3FFE];
	_ =	sdelay $0x3  }
0x8a: {  	s0 =	sadd.s32 s1, s0  }
0x8b: {  	[smem:$0x3FC7] =	sst s0  }
0x8c: {  	_ = 	snop  }
0x8d: {  	s0 =	sld [smem:$0x3FD0];
	_ =	sdelay $0x2  }
0x8e: {  	s13 =	simm.s32 $0xA;
	s2 =	simm.s32 $0x10  }
0x8f: {  	[smem:s2], [sflag:s13] =	dma.local [hbm:s0], $0x1  }
0x90: {  	_ =	swait.eq [sflag:s13], $0x1  }
0x91: {  	[sflag:s13] =	ssyncset.done $0x0  }
0x92: {  	s14 =	sld [smem:$0x10];
	[sflag:s13] =	ssyncadd.s32 $0xFFFFFFFF  }
0x93: {  	s15 =	sld [smem:$0x11];
	(tm) =	ssettm $0x1  }
0x94: {  	s16 =	sld [smem:$0x3FFB];
	_ =	sdelay $0x3  }
0x95: {  	_ =	strace s16  }
0x96: {  	s2 =	sld [smem:$0x3FFC];
	_ =	sdelay $0x3  }
0x97: {  	_ =	strace s2  }
0x98: {  	s2 =	sld [smem:$0x3FFD];
	_ =	sdelay $0x3  }
0x99: {  	_ =	strace s2  }
0x9a: {  	_ =	strace $0x8FFFFFFF  }
0x9b: {  	s17 =	sld [smem:$0x3FDB];
	_ =	sdelay $0x1  }
0x9c: {  	s3 =	simm.s32 $_scs_section_size  }
0x9d: {  	s4 =	simm.s32 $_size__tile_overlayer_lowered;
	s5 =	simm.s32 $_tile_overlayer_lowered  }
0x9e: {  	s20 =	simm.s32 $0x1BFF;
	s19 =	sshll.u32 s5, $0x1;
	s2 =	sadd.s32 s3, s17  }
0x9f: {  	s6 =	simm.s32 $0x0;
	s18 =	sshll.u32 s4, $0x1;
	s4 =	sadd.s32 s19, s2  }
0xa0: {  	[timem:s6], [sflag:s20] =	dma.local [hbm:s4], s18  }
0xa1: {  	_ =	swait.ge [sflag:s20], s18  }
0xa2: {  	s3 =	ssub.s32 $0x0, s18;
	[sflag:s20] =	ssyncset.done $0x0  }
0xa3: {  	[sflag:s20] =	ssyncadd.s32 s3;
	_ =	sdelay $0x1  }
0xa4: {  	s21 =	simm.s32 $0x1B8B  }
0xa5: {  	_ =	swait.ge [sflag:s21], $0x1  }
0xa6: {  	[sflag:s21] =	ssyncset.done $0x0  }
0xa7: {  	s23 =	simm.s32 $0x1B8E;
	s22 =	sld [smem:$0x3FFE];
	[sflag:s21] =	ssyncadd.s32 $0xFFFFFFFF  }
0xa8: {  	s24 =	simm.s32 $execute0_lowered;
	[smem:$0x3FD2] =	sst s23  }
0xa9: {  	s4 =	sshll.u32 s24, $0x1;
	_ =	strace $0x80000046;
	[dreg:$0x1] =	wrdreg $0xFFFFFFFF  }
0xaa: {  	s25 =	simm.s32 $_size_execute0_lowered;
	s2 =	sadd.s32 s2, s4;
	[dreg:$0x0] =	wrdreg $0x0  }
0xab: {  	s4 =	sshll.u32 s25, $0x1;
	[dreg:$0x2] =	wrdreg s2  }
0xac: {  	[dreg:$0x3] =	wrdreg s4  }
0xad: {  	[dreg:$0x4] =	wrdreg $0xC0  }
0xae: {  	_ =	task [dreg:s6], $0x5FFFF  }
0xaf: {  	[dreg:$0x1] =	wrdreg $0xFFFFFFFF  }
0xb0: {  	[dreg:$0x0] =	wrdreg $0x60  }
0xb1: {  	[dreg:$0x2] =	wrdreg s22  }
0xb2: {  	[dreg:$0x3] =	wrdreg s14  }
0xb3: {  	[dreg:$0x4] =	wrdreg s15  }
0xb4: {  	[dreg:$0x5] =	wrdreg $0x9  }
0xb5: {  	_ =	task.clear_ibuf [dreg:s6], $0x6FFFF;
	_ =	strace $0x90000046  }
0xb6: {  	s26 =	simm.s32 $0x9;
	_ =	strace $0x80000048  }
0xb7: {  	_ =	swait.ge [sflag:s26], $0x1  }
0xb8: {  	[sflag:s26] =	ssyncadd.s32 $0xFFFFFFFF  }
0xb9: {  	_ =	strace $0x90000048  }
0xba: {  	_ =	sfence  }
0xbb: {  	s28 =	sld [smem:$0x0];
	_ =	sdelay $0x1  }
0xbc: {  	s29 =	srdreg.scid  }
0xbd: {  	s30 =	sshll.u32 s29, $0xD;
	s31 =	sshrl.u32 s29, $0x2  }
0xbe: {  	s1 =	sand.u32 $0x1, s29;
	s2 =	sand.u32 $0x4000, s30;
	s0 =	sadd.s32 s31, s28  }
0xbf: {  	s1 =	sor.u32 s2, s1;
	s0 =	sshll.u32 s0, $0x11  }
0xc0: {  	s0 =	sor.u32 s0, s1  }
0xc1: {  	s0 =	sadd.s32 $0x8F2B, s0  }
0xc2: {  	[sflag:s0] =	ssyncadd.remote.s32 $0x1  }
0xc3: {  	_ =	sfence.sel $0xFFFF  }
0xc4: {  	[dreg:$0x0] =	wrdreg $0xFFFFFFFF;
	(pc) =	sbr.abs _section_cstart, $3  }
0xc5: {  	[dreg:$0x1] =	wrdreg $0xFFFFFFFF  }
0xc6: {  	_ =	task.clear_ibuf [dreg:s6], $0x2FFFF;
	_ =	strace $0x9FFFFFFF  }
0xc7: {  	(tm) =	ssettm $0x7FFFFFFF  }
tec
execute0_lowered:
.L_overlay_start_1:
0x0: {  	(tag) =	ssettag $0x1  }
0x1: {  	s0 =	stileid.u32  }
0x2: {  	p0 =	sgt.u32 s0, $0x7  }
0x3: {  	p1 =	seq.s32 @!p0 s0, $0x7  }
0x4: {  	p1 =	por p0, p1  }
.Ltmp0:
0x5: {  	s3 =	rddreg [dreg:$0x0];
	(pc) =	sbr.rel @p1 .LBB2_2-.Ltmp0, $4  }
0x6: {  	s4 =	rddreg [dreg:$0x1]  }
0x7: {  	s2 =	rddreg [dreg:$0x2];
	s5 =	simm.s32 $0x0  }
0x8: {  	[smem:$0x7FF] =	sst s5  }
0x9: {  	s1 =	rddreg [dreg:$0x3];
	_ =	strace $0x80000047  }
0xa: {  	s6 =	smul.u32 $0x24, s0  }
0xb: {  	s9 =	sadd.s32 $0xC00, s3;
	s30 =	simm.s32 $0x90  }
0xc: {  	p1 =	seq.s32 s0, $0x6;
	v0 =	vimm.s32 $0x7E5C3A18;
	v1 =	vimm.s32 $0xF6D4B290;
	v10 =	vimm.s32 $0x8F6D4B29;
	s4 =	sadd.s32 s4, s6  }
0xd: {  	vm3 =	vmmov $0x3;
	v12 =	vimm.s32 $0x7E5C3A1;
	[tilespmem:s30], [sflag:$0x1] =	stream.linear.gather [hbm4b:s4+s5], $0x120, $0x38;
	[tilespmem:$0x260] =	vst v63  }
0xe: {  	vm7 =	vmmov $0xf;
	vm5 =	vmmov $0x3f;
	vm0 =	vmmov $0xff;
	s8 =	simm.s32 @p1 $0x0;
	s7 =	simm.s32 @p1 $0x2;
	s4 =	sadd.s32 @!p0 $0x6C, s9  }
0xf: {  	vm1 =	vmmov $0x1ff;
	vm4 =	vmmov $0x7ff;
	v16 =	vimm.s32 $0x907E5C3A;
	[tilespmem:s8], [sflag:$0x2] =	stream.linear.gather @p1 [hbm4b:s4+s8], $0x24, $0x38;
	[tilespmem:$0x260] =	vst v63  }
0x10: {  	v17 =	vimm.s32 $0x18F6D4B2;
	vm8 =	vmmov $0x1fff;
	vm2 =	vmmov $0x7f;
	s6 =	smul.u32 @!p0 $0x12, s0;
	_ =	swait.ge @p1 [sflag:s7], $0x24  }
0x11: {  	v30 =	vimm.s32 $0xA18F6D4B;
	v20 =	vimm.s32 $0x2907E5C3;
	v39 =	vimm.s32 $0xB2907E5C;
	[sflag:s7] =	ssyncset.done @p1 $0x0  }
0x12: {  	vm6 =	vmmov $0x7fff;
	v40 =	vimm.s32 $0x3A18F6D4;
	v52 =	vimm.s32 $0xC3A18F6D;
	s5 =	simm.s32 @!p1 $0x0;
	s4 =	sadd.s32 @!p0 s9, s6;
	[sflag:s7] =	ssyncadd.s32 @p1 $0xFFFFFFDC  }
0x13: {  	vm12 =	vmmov $0x1f;
	vm13 =	vmmov $0x3fff;
	v53 =	vimm.s32 $0x4B2907E5;
	[tilespmem:s5], [sflag:$0x2] =	stream.linear.gather @!p1 [hbm4b:s4+s5], $0x90, $0x38;
	[tilespmem:$0x260] =	vst v63  }
0x14: {  	vm14 =	vmmov $0xfff;
	vm15 =	vmmov $0x7;
	vm9 =	vmmov $0x3ff;
	s4 =	simm.s32 @!p1 $0x2  }
0x15: {  	vm10 =	vmmov $0x1;
	v0 =	vunpack.c.l.s4.s8 v0;
	v1 =	vunpack.c.l.s4.s8 v1;
	_ =	swait.ge @!p1 [sflag:s4], $0x90  }
0x16: {  	v10 =	vunpack.c.l.s4.s8 v10;
	v12 =	vunpack.c.l.s4.s8 v12;
	v61 =	vunpack.c.l.s4.s8 v16;
	[sflag:s4] =	ssyncset.done @!p1 $0x0  }
0x17: {  	v62 =	vunpack.c.l.s4.s8 v17;
	v31 =	vunpack.c.l.s4.s8 v30;
	v32 =	vunpack.c.l.s4.s8 v20;
	[sflag:s4] =	ssyncadd.s32 @!p1 $0xFFFFFF70  }
0x18: {  	v54 =	vunpack.c.l.s4.s8 v52;
	v55 =	vunpack.c.l.s4.s8 v53;
	v8 =	vunpack.c.0.s8.s32 v0;
	v3 =	vld [tilespmem:$0x0]  }
0x19: {  	v9 =	vunpack.c.0.s8.s32 v1;
	v10 =	vunpack.c.0.s8.s32 v10;
	v12 =	vunpack.c.0.s8.s32 v12;
	v4 =	vld [tilespmem:$0x10]  }
0x1a: {  	v19 =	vunpack.c.0.s8.s32 v61;
	v16 =	vunpack.c.0.s8.s32 v62;
	v62 =	vimm.s32 $0x5C3A18F6;
	v5 =	vld [tilespmem:$0x20]  }
0x1b: {  	v17 =	vunpack.c.0.s8.s32 v31;
	v20 =	vunpack.c.l.s4.s8 v62;
	v0 =	vcombine.low v9, v8;
	v1 =	vld [tilespmem:$0x30]  }
0x1c: {  	v10 =	vcombine.low v12, v10;
	v16 =	vcombine.low v16, v19;
	v19 =	vunpack.c.0.s8.s32 v32;
	v2 =	vld [tilespmem:$0x40]  }
0x1d: {  	v61 =	vimm.s32 $0xD4B2907E;
	v8 =	vcombine.low v8, v9;
	v20 =	vunpack.c.0.s8.s32 v20  }
0x1e: {  	v11 =	vand.u32 $0xF, v0;
	v57 =	vand.u32 $0xF, v10;
	v37 =	vcombine.low v19, v17  }
0x1f: {  	v16 =	vand.u32 $0xF, v16;
	v0 =	vperm.xlane v3, v11;
	v6 =	vperm.xlane v4, v11  }
0x20: {  	v19 =	vunpack.c.l.s4.s8 v40;
	v7 =	vperm.xlane v5, v11;
	v13 =	vperm.xlane v1, v11  }
0x21: {  	v8 =	vand.u32 $0xF, v8;
	v10 =	vld [tilespmem:$0x80];
	v14 =	vperm.xlane v2, v11;
	v59 =	vperm.xlane v3, v57  }
0x22: {  	v60 =	vperm.xlane v4, v57;
	v21 =	vperm.xlane v5, v57;
	v6 =	vsel vm3, v0, v6;
	v0 =	vld [tilespmem:$0x50]  }
0x23: {  	v19 =	vunpack.c.0.s8.s32 v19;
	v18 =	vperm.xlane v1, v57;
	v22 =	vperm.xlane v2, v57  }
0x24: {  	v26 =	vperm.xlane v3, v16;
	v27 =	vperm.xlane v4, v16;
	v7 =	vsel vm7, v6, v7;
	v6 =	vld [tilespmem:$0x60]  }
0x25: {  	v28 =	vperm.xlane v5, v16;
	v29 =	vperm.xlane v1, v16;
	v13 =	vsel vm5, v7, v13  }
0x26: {  	v33 =	vperm.xlane v2, v16;
	v7 =	vld [tilespmem:$0x70];
	v56 =	vsel vm0, v13, v14;
	v14 =	vsel vm3, v59, v60  }
0x27: {  	v13 =	vperm.xlane v10, v57;
	v14 =	vsel vm7, v14, v21;
	v15 =	vperm.xlane v0, v11  }
0x28: {  	v14 =	vsel vm5, v14, v18;
	v23 =	vperm.xlane v0, v57;
	v34 =	vperm.xlane v0, v16  }
0x29: {  	v18 =	vunpack.c.l.s4.s8 v39;
	v58 =	vperm.xlane v6, v11;
	v14 =	vsel vm2, v14, v22  }
0x2a: {  	v24 =	vperm.xlane v6, v57;
	v36 =	vperm.xlane v6, v16;
	v12 =	vsel vm1, v56, v15  }
0x2b: {  	v63 =	vperm.xlane v7, v11;
	v25 =	vperm.xlane v7, v57;
	v14 =	vsel vm1, v14, v23  }
0x2c: {  	v11 =	vperm.xlane v10, v11;
	v15 =	vsel vm3, v26, v27;
	v38 =	vperm.xlane v7, v16  }
0x2d: {  	v18 =	vunpack.c.0.s8.s32 v18;
	v16 =	vperm.xlane v10, v16;
	v15 =	vsel vm7, v15, v28  }
0x2e: {  	v12 =	vsel vm4, v12, v58;
	v14 =	vsel vm4, v14, v24;
	v15 =	vsel vm5, v15, v29  }
0x2f: {  	v18 =	vcombine.low v19, v18;
	v35 =	vsel vm2, v15, v33;
	v15 =	vand.u32 $0xF, v37  }
0x30: {  	v12 =	vsel vm8, v12, v63;
	v41 =	vperm.xlane v3, v15;
	v42 =	vperm.xlane v4, v15  }
0x31: {  	v14 =	vsel vm8, v14, v25;
	v21 =	vperm.xlane v5, v15;
	v43 =	vperm.xlane v1, v15  }
0x32: {  	v19 =	vunpack.c.0.s8.s32 v54;
	v44 =	vperm.xlane v2, v15;
	v45 =	vperm.xlane v0, v15  }
0x33: {  	v46 =	vperm.xlane v6, v15;
	v18 =	vand.u32 $0xF, v18;
	v49 =	vperm.xlane v7, v15  }
0x34: {  	v12 =	vsel vm6, v12, v11;
	v15 =	vperm.xlane v10, v15;
	v47 =	vperm.xlane v3, v18  }
0x35: {  	v11 =	vsel vm6, v14, v13;
	v48 =	vperm.xlane v4, v18;
	v22 =	vperm.xlane v5, v18  }
0x36: {  	v13 =	vsel vm1, v35, v34;
	v50 =	vperm.xlane v1, v18;
	v51 =	vperm.xlane v2, v18  }
0x37: {  	v13 =	vsel vm4, v13, v36;
	v56 =	vperm.xlane v0, v18;
	v57 =	vperm.xlane v6, v18  }
0x38: {  	v59 =	vperm.xlane v7, v18;
	v13 =	vsel vm8, v13, v38;
	v14 =	vsel vm3, v41, v42  }
0x39: {  	v14 =	vsel vm7, v14, v21;
	v17 =	vsel vm3, v47, v48;
	v21 =	vunpack.c.0.s8.s32 v55  }
0x3a: {  	v18 =	vperm.xlane v10, v18;
	v13 =	vsel vm13, v13, v16;
	v17 =	vsel vm7, v17, v22  }
0x3b: {  	s31 =	simm.s32 $0x1;
	v14 =	vsel vm12, v14, v43;
	v17 =	vsel vm12, v17, v50;
	v60 =	vcombine.low v21, v19  }
0x3c: {  	_ =	swait.ge [sflag:s31], $0x120;
	v14 =	vsel vm2, v14, v44;
	v19 =	vunpack.c.l.s4.s8 v61;
	v17 =	vsel vm2, v17, v51  }
0x3d: {  	[sflag:s31] =	ssyncset.done $0x0;
	v61 =	vperm.xlane v7, v8;
	v58 =	vsel vm1, v17, v56;
	v17 =	vand.u32 $0xF, v60  }
0x3e: {  	[sflag:s31] =	ssyncadd.s32 $0xFFFFFEE0;
	v14 =	vsel vm1, v14, v45;
	v63 =	vperm.xlane v3, v17;
	v24 =	vperm.xlane v4, v17  }
0x3f: {  	v52 =	vld [tilespmem:$0x90];
	v14 =	vsel vm4, v14, v46;
	v25 =	vperm.xlane v5, v17;
	v26 =	vperm.xlane v1, v17  }
0x40: {  	v19 =	vunpack.c.0.s8.s32 v19;
	v27 =	vperm.xlane v2, v17;
	v28 =	vperm.xlane v0, v17  }
0x41: {  	v14 =	vsel vm8, v14, v49;
	v29 =	vperm.xlane v6, v17;
	v30 =	vperm.xlane v7, v17  }
0x42: {  	v17 =	vperm.xlane v10, v17;
	v14 =	vsel vm13, v14, v15;
	v15 =	vsel vm4, v58, v57  }
0x43: {  	v19 =	vcombine.low v20, v19;
	v57 =	vperm.xlane v6, v8;
	v15 =	vsel vm14, v15, v59  }
0x44: {  	v16 =	vsel vm3, v63, v24;
	v24 =	vimm.s32 $0xE5C3A18F;
	v59 =	vadd.f32 v52, v12  }
0x45: {  	v16 =	vsel vm15, v16, v25;
	v19 =	vand.u32 $0xF, v19;
	v25 =	vimm.s32 $0x6D4B2907  }
0x46: {  	v32 =	vunpack.c.l.s4.s8 v24;
	v31 =	vperm.xlane v3, v19;
	v33 =	vunpack.c.l.s4.s8 v25  }
0x47: {  	v15 =	vsel vm13, v15, v18;
	v23 =	vperm.xlane v4, v19;
	v35 =	vperm.xlane v5, v19  }
0x48: {  	v36 =	vperm.xlane v1, v19;
	v21 =	vunpack.c.0.s8.s32 v32;
	v24 =	vunpack.c.0.s8.s32 v33  }
0x49: {  	v16 =	vsel vm12, v16, v26;
	v37 =	vperm.xlane v2, v19;
	v38 =	vperm.xlane v0, v19  }
0x4a: {  	v40 =	vperm.xlane v6, v19;
	v16 =	vsel vm2, v16, v27;
	v21 =	vcombine.low v24, v21  }
0x4b: {  	v43 =	vperm.xlane v7, v19;
	v47 =	vperm.xlane v10, v19;
	v16 =	vsel vm1, v16, v28  }
0x4c: {  	v34 =	vsel vm3, v31, v23;
	v16 =	vsel vm4, v16, v29;
	v41 =	vand.u32 $0xF, v21  }
0x4d: {  	v20 =	vsel vm15, v34, v35;
	v21 =	vperm.xlane v3, v41;
	v42 =	vperm.xlane v4, v41  }
0x4e: {  	v60 =	vld [tilespmem:$0xE0];
	v16 =	vsel vm14, v16, v30;
	v44 =	vperm.xlane v5, v41;
	v46 =	vperm.xlane v1, v41  }
0x4f: {  	v20 =	vsel vm12, v20, v36;
	v48 =	vperm.xlane v2, v41;
	v49 =	vperm.xlane v0, v41  }
0x50: {  	v58 =	vld [tilespmem:$0xD0];
	v16 =	vsel vm13, v16, v17;
	v50 =	vperm.xlane v6, v41;
	v3 =	vperm.xlane v3, v8  }
0x51: {  	v53 =	vld [tilespmem:$0xA0];
	v39 =	vsel vm2, v20, v37;
	v4 =	vperm.xlane v4, v8;
	v5 =	vperm.xlane v5, v8  }
0x52: {  	v17 =	vsel vm1, v39, v38;
	v1 =	vperm.xlane v1, v8;
	v54 =	vperm.xlane v7, v41  }
0x53: {  	v55 =	vld [tilespmem:$0xB0];
	v19 =	vadd.f32 v60, v16;
	v2 =	vperm.xlane v2, v8;
	v20 =	vperm.xlane v10, v41  }
0x54: {  	v56 =	vld [tilespmem:$0xC0];
	v17 =	vsel vm9, v17, v40;
	v0 =	vperm.xlane v0, v8;
	v8 =	vperm.xlane v10, v8  }
0x55: {  	v6 =	vadd.f32 v58, v15;
	v17 =	vsel vm14, v17, v43;
	v45 =	vsel vm10, v21, v42  }
0x56: {  	v9 =	vsel vm13, v17, v47;
	v3 =	vsel vm10, v3, v4;
	v4 =	vadd.f32 v53, v11  }
0x57: {  	v6 =	vadd.f32 v6, v6;
	v18 =	vsel vm15, v45, v44;
	v3 =	vsel vm15, v3, v5  }
0x58: {  	v5 =	vadd.f32 v55, v13;
	v18 =	vsel vm12, v18, v46;
	v1 =	vsel vm12, v3, v1  }
0x59: {  	v62 =	vld [tilespmem:$0xF0];
	v13 =	vadd.f32 v4, v4;
	v3 =	vadd.f32 v56, v14;
	v18 =	vsel vm2, v18, v48  }
0x5a: {  	v63 =	vld [tilespmem:$0x100];
	v1 =	vsel vm2, v1, v2;
	v5 =	vadd.f32 v5, v5;
	v51 =	vsel vm1, v18, v49  }
0x5b: {  	v0 =	vsel vm0, v1, v0;
	v1 =	vadd.f32 v59, v59;
	v18 =	vld [tilespmem:$0x110];
	v17 =	vsel vm9, v51, v50  }
0x5c: {  	v3 =	vadd.f32 v3, v3;
	v0 =	vsel vm9, v0, v57;
	v17 =	vsel vm14, v17, v54  }
0x5d: {  	v0 =	vsel vm14, v0, v61;
	v17 =	vsel vm13, v17, v20;
	v20 =	vmax.f32 v1, v13  }
0x5e: {  	v7 =	vadd.f32 v62, v9;
	v0 =	vsel vm13, v0, v8;
	v21 =	vmax.f32 v20, v5  }
0x5f: {  	v8 =	vadd.f32 v19, v19;
	v10 =	vadd.f32 v63, v17;
	v9 =	vmax.f32 v21, v3  }
0x60: {  	v7 =	vadd.f32 v7, v7;
	v0 =	vadd.f32 v18, v0;
	v22 =	vmax.f32 v9, v6  }
0x61: {  	v23 =	vadd.f32 v10, v10;
	v4 =	vmax.f32 v22, v8  }
0x62: {  	v0 =	vadd.f32 v0, v0;
	v4 =	vmax.f32 v4, v7  }
0x63: {  	v4 =	vmax.f32 v4, v23  }
0x64: {  	v4 =	vmax.f32 v4, v0  }
0x65: {  	v1 =	vsub.f32 v1, v4  }
0x66: {  	v2 =	vsub.f32 v13, v4  }
0x67: {  	v1 =	vmul.f32 $1.442695020e+00, v1  }
0x68: {  	v5 =	vsub.f32 v5, v4;
	v2 =	vmul.f32 $1.442695020e+00, v2  }
0x69: {  	(erf) = vpow2.f32 v1  }
0x6a: {  	v25 =	vsub.f32 v3, v4;
	v24 =	vmul.f32 $1.442695020e+00, v5;
	(erf) = vpow2.f32 v2;
	_ =	sdelay $0x1  }
0x6b: {  	v27 =	vsub.f32 v6, v4;
	v26 =	vmul.f32 $1.442695020e+00, v25;
	(erf) = vpow2.f32 v24;
	_ =	sdelay $0x1  }
0x6c: {  	v29 =	vsub.f32 v8, v4;
	v28 =	vmul.f32 $1.442695020e+00, v27;
	(erf) = vpow2.f32 v26;
	_ =	sdelay $0x1  }
0x6d: {  	v30 =	vsub.f32 v7, v4;
	v31 =	vmul.f32 $1.442695020e+00, v29;
	(erf) = vpow2.f32 v28;
	_ =	sdelay $0x1  }
0x6e: {  	v34 =	vsub.f32 v23, v4;
	v32 =	vmul.f32 $1.442695020e+00, v30;
	v33 =	vpop (erf);
	(erf) = vpow2.f32 v31  }
0x6f: {  	v0 =	vsub.f32 v0, v4;
	v35 =	vpop (erf)  }
0x70: {  	v1 =	vmul.f32 $1.442695020e+00, v34;
	(erf) = vpow2.f32 v32;
	v36 =	vadd.f32 v35, v33  }
0x71: {  	v37 =	vpop (erf)  }
0x72: {  	v0 =	vmul.f32 $1.442695020e+00, v0;
	(erf) = vpow2.f32 v1;
	v38 =	vadd.f32 v36, v37  }
0x73: {  	v39 =	vpop (erf)  }
0x74: {  	(erf) = vpow2.f32 v0;
	v40 =	vadd.f32 v38, v39  }
0x75: {  	v41 =	vpop (erf)  }
0x76: {  	v0 =	vadd.f32 v40, v41  }
0x77: {  	v42 =	vpop (erf)  }
0x78: {  	v0 =	vadd.f32 v0, v42  }
0x79: {  	v43 =	vpop (erf)  }
0x7a: {  	v0 =	vadd.f32 v0, v43  }
0x7b: {  	v44 =	vpop (erf)  }
0x7c: {  	v0 =	vadd.f32 v0, v44  }
0x7d: {  	v45 =	vpop (erf)  }
0x7e: {  	v0 =	vadd.f32 v0, v45;
	_ =	sdelay $0x1  }
0x7f: {  	(erf) = vrcp.f32 v0;
	_ =	sdelay $0x7  }
0x80: {  	v46 =	vld [tilespmem:$0x120]  }
0x81: {  	v48 =	vld [tilespmem:$0x130];
	v47 =	vpop (erf)  }
0x82: {  	v2 =	vmul.f32 v47, v33;
	v3 =	vmul.f32 v47, v35  }
0x83: {  	v49 =	vld [tilespmem:$0x140]  }
0x84: {  	v0 =	vmul.f32 v47, v37;
	v50 =	vadd.f32 $1.000000010e-07, v2;
	v51 =	vadd.f32 $1.000000010e-07, v3  }
0x85: {  	v52 =	vld [tilespmem:$0x150];
	v4 =	vmul.f32 v47, v39  }
0x86: {  	v53 =	vadd.f32 $1.000000010e-07, v0;
	v11 =	vmul.f32 v50, v46;
	v13 =	vmul.f32 v51, v48  }
0x87: {  	v54 =	vld [tilespmem:$0x160];
	v1 =	vmul.f32 v47, v41  }
0x88: {  	v55 =	vadd.f32 $1.000000010e-07, v4;
	v14 =	vmul.f32 v53, v49;
	vm11 =	vgt.f32 v13, v11  }
0x89: {  	v56 =	vld [tilespmem:$0x170];
	v5 =	vmul.f32 v47, v42;
	v57 =	vsel vm11, v13, v11  }
0x8a: {  	v58 =	vadd.f32 $1.000000010e-07, v1;
	v16 =	vmul.f32 v55, v52;
	vm12 =	vgt.f32 v14, v57  }
0x8b: {  	v59 =	vld [tilespmem:$0x180];
	v27 =	vimm.s32 $0x0;
	v6 =	vmul.f32 v47, v43;
	v17 =	vsel vm12, v14, v57  }
0x8c: {  	v60 =	vadd.f32 $1.000000010e-07, v5;
	v15 =	vmul.f32 v58, v54;
	vm13 =	vgt.f32 v16, v17  }
0x8d: {  	v61 =	vld [tilespmem:$0x190];
	v8 =	vmul.f32 v47, v44;
	v7 =	vmul.f32 v47, v45;
	v62 =	vsel vm13, v16, v17  }
0x8e: {  	v24 =	vadd.f32 $1.000000010e-07, v6;
	v63 =	vmul.f32 v60, v56;
	vm14 =	vgt.f32 v15, v62  }
0x8f: {  	v26 =	vld [tilespmem:$0x1A0];
	v33 =	vimm.s32 $0x0;
	v42 =	vimm.s32 $0x1;
	v9 =	vsel vm14, v15, v62  }
0x90: {  	v25 =	vadd.f32 $1.000000010e-07, v8;
	v18 =	vmul.f32 v24, v59;
	vm15 =	vgt.f32 v63, v9  }
0x91: {  	v29 =	vadd.f32 $1.000000010e-07, v7;
	v28 =	vsel vm11, $0x1, v27;
	v9 =	vsel vm15, v63, v9  }
0x92: {  	v20 =	vmul.f32 v25, v61;
	v10 =	vsel vm12, $0x2, v28;
	vm5 =	vgt.f32 v18, v9  }
0x93: {  	v50 =	vimm.s32 $0x2020101;
	v30 =	vsel vm13, $0x3, v10;
	v9 =	vsel vm5, v18, v9  }
0x94: {  	v10 =	vmul.f32 v29, v26;
	v31 =	vsel vm14, $0x4, v30;
	vm0 =	vgt.f32 v20, v9  }
0x95: {  	v51 =	vunpack.c.0.s8.s32 v50;
	v12 =	vsel vm15, $0x5, v31;
	v9 =	vsel vm0, v20, v9  }
0x96: {  	v62 =	vimm.s32 $0x5;
	v12 =	vsel vm5, $0x6, v12;
	vm6 =	vgt.f32 v10, v9  }
0x97: {  	v32 =	vsel vm0, $0x7, v12;
	vm1 =	vmneg vm6;
	vm6 =	vcmask $0xF00  }
0x98: {  	v9 =	vnsel vm1, $0x8, v32;
	v12 =	vsel vm1, $0xFFFFFFFF, v33;
	vm0 =	vmand vm0, vm1  }
0x99: {  	vm1 =	vcmask $0x700;
	vm7 =	veq.s32 v9, $0x0;
	vm8 =	veq.s32 v9, $0x1  }
0x9a: {  	vm9 =	veq.s32 v9, $0x2;
	vm10 =	veq.s32 v9, $0x3;
	vm11 =	veq.s32 v9, $0x4  }
0x9b: {  	vm12 =	veq.s32 v9, $0x5;
	vm14 =	veq.s32 v9, $0x6;
	v41 =	vsel vm0, $0xBF800000, v20  }
0x9c: {  	vm0 =	vcmask $0xB00;
	v11 =	vsel vm7, $0xBF800000, v11;
	v34 =	vsel vm8, $0xBF800000, v13  }
0x9d: {  	v35 =	vsel vm9, $0xBF800000, v14;
	v36 =	vsel vm10, $0xBF800000, v16;
	v37 =	vsel vm11, $0xBF800000, v15  }
0x9e: {  	v38 =	vsel vm12, $0xBF800000, v63;
	v40 =	vsel vm14, $0xBF800000, v18;
	vm9 =	vcmask $0x2300  }
0x9f: {  	vm11 =	vcmask $0x2724;
	vm12 =	vcmask $0x2B24;
	vm7 =	vcmask $0x1300  }
0xa0: {  	vm8 =	vcmask $0x1B08;
	v18 =	vsel vm6, $0x3, v62;
	v62 =	vimm.s32 $0xB0A0A0A  }
0xa1: {  	vm2 =	vgt.f32 v34, v11;
	v14 =	vsel vm9, $0x0, v42;
	vm9 =	vcmask $0x3B24  }
0xa2: {  	v11 =	vsel vm2, v34, v11;
	v43 =	vperm.xlane v2, v14;
	v44 =	vperm.xlane v3, v14  }
0xa3: {  	v39 =	vsel vm2, $0x1, v27;
	v45 =	vperm.xlane v0, v14;
	v46 =	vperm.xlane v4, v14  }
0xa4: {  	v48 =	vperm.xlane v1, v14;
	v49 =	vperm.xlane v5, v14;
	vm3 =	vgt.f32 v35, v11  }
0xa5: {  	vm2 =	vcmask $0x3724;
	v52 =	vperm.xlane v6, v14;
	v11 =	vsel vm3, v35, v11  }
0xa6: {  	v56 =	vperm.xlane v8, v14;
	v14 =	vperm.xlane v7, v14;
	vm4 =	vgt.f32 v36, v11  }
0xa7: {  	v34 =	vimm.s32 $0x7;
	v13 =	vsel vm3, $0x2, v39;
	v11 =	vsel vm4, v36, v11  }
0xa8: {  	vm3 =	vmor vm1, vm12;
	vm12 =	vcmask $0xB08;
	vm5 =	vgt.f32 v37, v11  }
0xa9: {  	v13 =	vsel vm4, $0x3, v13;
	vm4 =	vcmask $0x300;
	v11 =	vsel vm5, v37, v11  }
0xaa: {  	v13 =	vsel vm5, $0x4, v13;
	vm5 =	vmor vm4, vm11;
	vm11 =	vmor vm7, vm2  }
0xab: {  	vm2 =	vcmask $0x1708;
	vm13 =	vgt.f32 v38, v11;
	v15 =	vsel vm5, v43, v44  }
0xac: {  	v11 =	vsel vm13, v38, v11;
	v13 =	vsel vm13, $0x5, v13;
	vm13 =	vcmask $0x2F24  }
0xad: {  	v47 =	vsel vm3, v15, v45;
	v15 =	vnsel vm6, $0x3, v51;
	v51 =	vimm.s32 $0x9090908  }
0xae: {  	vm15 =	vgt.f32 v40, v11;
	vm14 =	vmor vm0, vm13;
	vm13 =	vcmask $0xF08  }
0xaf: {  	v11 =	vsel vm15, v40, v11;
	v13 =	vsel vm15, $0x6, v13;
	vm15 =	vcmask $0x3324  }
0xb0: {  	v22 =	vunpack.c.0.s8.s32 v51;
	vm10 =	vgt.f32 v41, v11;
	vm3 =	vmor vm6, vm15  }
0xb1: {  	[tilespmem:$0x1FFF0] =	vst v12;
	v11 =	vsel vm10, v41, v11;
	v12 =	vsel vm10, $0x7, v13;
	vm10 =	vcmask $0x2B10  }
0xb2: {  	vm15 =	vcmask $0x1308;
	v13 =	vsel vm14, v47, v46;
	v15 =	vsel vm10, $0x2, v15  }
0xb3: {  	vm14 =	vcmask $0x372C;
	v13 =	vsel vm3, v13, v48;
	v53 =	vperm.xlane v2, v15  }
0xb4: {  	vm3 =	vcmask $0x1700;
	v54 =	vperm.xlane v3, v15;
	v55 =	vperm.xlane v0, v15  }
0xb5: {  	v13 =	vsel vm11, v13, v49;
	v57 =	vperm.xlane v4, v15;
	v58 =	vperm.xlane v1, v15  }
0xb6: {  	vm11 =	vcmask $0x2F2C;
	v59 =	vperm.xlane v5, v15;
	v61 =	vperm.xlane v6, v15  }
0xb7: {  	vm9 =	vmor vm3, vm9;
	v30 =	vperm.xlane v8, v15;
	v15 =	vperm.xlane v7, v15  }
0xb8: {  	vm11 =	vmor vm12, vm11;
	vm12 =	vcmask $0x332C;
	v13 =	vsel vm9, v13, v52  }
0xb9: {  	vm9 =	vmor vm15, vm14;
	v17 =	vsel vm11, v53, v54;
	vm13 =	vmor vm13, vm12  }
0xba: {  	vm15 =	vcmask $0x1F08;
	vm11 =	vcmask $0x3B2C;
	v17 =	vsel vm13, v17, v55  }
0xbb: {  	v53 =	vnsel vm6, $0xA, v22;
	vm13 =	vcmask $0x2708;
	v17 =	vsel vm9, v17, v57  }
0xbc: {  	vm9 =	vmor vm2, vm11;
	vm11 =	vcmask $0x3F2C;
	vm2 =	vcmask $0x1B24  }
0xbd: {  	v17 =	vsel vm9, v17, v58;
	vm14 =	vmor vm8, vm11;
	v13 =	vsel vm2, v13, v56  }
0xbe: {  	vm11 =	vmor vm15, vm11;
	vm2 =	vcmask $0x3310;
	vm9 =	vcmask $0x3734  }
0xbf: {  	vm15 =	vcmask $0x1310;
	v60 =	vsel vm14, v17, v59;
	v18 =	vsel vm2, $0x4, v18  }
0xc0: {  	vm12 =	vmor vm15, vm9;
	vm2 =	vcmask $0x3B34;
	vm14 =	vcmask $0x1710  }
0xc1: {  	vm15 =	vcmask $0x1F24;
	vm9 =	vcmask $0x1B10;
	v63 =	vperm.xlane v2, v18  }
0xc2: {  	v24 =	vperm.xlane v3, v18;
	v25 =	vperm.xlane v0, v18;
	vm8 =	vmor vm14, vm2  }
0xc3: {  	v13 =	vsel vm15, v13, v14;
	v26 =	vsel vm11, v60, v61;
	v28 =	vperm.xlane v4, v18  }
0xc4: {  	vm11 =	vcmask $0x3F34;
	v29 =	vperm.xlane v1, v18;
	v31 =	vperm.xlane v5, v18  }
0xc5: {  	vm2 =	vcmask $0x1F10;
	v32 =	vperm.xlane v6, v18;
	v33 =	vperm.xlane v8, v18  }
0xc6: {  	vm14 =	vcmask $0x3B18;
	v18 =	vperm.xlane v7, v18;
	v14 =	vsel vm5, v30, v26  }
0xc7: {  	v19 =	vsel vm12, v63, v24;
	vm12 =	vmor vm9, vm11;
	vm11 =	vmor vm2, vm11  }
0xc8: {  	vm9 =	vcmask $0x734;
	vm2 =	vcmask $0x32C;
	v24 =	vunpack.c.0.s8.s32 v62  }
0xc9: {  	v27 =	vsel vm8, v19, v25;
	vm8 =	vcmask $0x334;
	v19 =	vsel vm3, $0x5, v34  }
0xca: {  	vm10 =	vmor vm9, vm10;
	vm13 =	vmor vm2, vm13;
	vm2 =	vcmask $0x1F18  }
0xcb: {  	v16 =	vsel vm12, v27, v28;
	v19 =	vsel vm14, $0x6, v19;
	vm14 =	vcmask $0x3F3C  }
0xcc: {  	v15 =	vsel vm13, v14, v15;
	v35 =	vperm.xlane v2, v19;
	v36 =	vperm.xlane v3, v19  }
0xcd: {  	v28 =	vnsel vm6, $0xC, v24;
	v37 =	vperm.xlane v0, v19;
	v38 =	vperm.xlane v4, v19  }
0xce: {  	v16 =	vsel vm11, v16, v29;
	v40 =	vperm.xlane v1, v19;
	v41 =	vperm.xlane v5, v19  }
0xcf: {  	vm11 =	vcmask $0x2710;
	v42 =	vperm.xlane v6, v19;
	v43 =	vperm.xlane v8, v19  }
0xd0: {  	v19 =	vperm.xlane v7, v19;
	v16 =	vsel vm5, v31, v16;
	vm12 =	vmor vm8, vm11  }
0xd1: {  	vm8 =	vcmask $0xB34;
	v16 =	vsel vm12, v16, v32;
	vm12 =	vcmask $0x2F10  }
0xd2: {  	v16 =	vsel vm10, v16, v33;
	vm10 =	vcmask $0x1B18;
	vm15 =	vmor vm8, vm12  }
0xd3: {  	vm8 =	vcmask $0x2B18;
	vm9 =	vmor vm10, vm14;
	vm14 =	vmor vm2, vm14  }
0xd4: {  	v14 =	vsel vm15, v16, v18;
	vm2 =	vcmask $0x33C;
	vm15 =	vcmask $0x3718  }
0xd5: {  	v17 =	vsel vm9, v35, v36;
	vm9 =	vcmask $0x2718;
	v35 =	vimm.s32 $0xE  }
0xd6: {  	v17 =	vsel vm14, v17, v37;
	vm13 =	vmor vm2, vm9;
	vm9 =	vcmask $0x73C  }
0xd7: {  	vm14 =	vcmask $0x133C;
	v23 =	vsel vm7, $0xC, v35;
	v39 =	vsel vm5, v38, v17  }
0xd8: {  	vm2 =	vmor vm9, vm8;
	vm8 =	vcmask $0x2F18;
	vm9 =	vcmask $0xB3C  }
0xd9: {  	vm14 =	vmor vm14, vm15;
	vm15 =	vcmask $0x704;
	v16 =	vsel vm13, v39, v40  }
0xda: {  	v17 =	vsel vm2, v16, v41;
	vm2 =	vmor vm9, vm8;
	v16 =	vlaneseq.u32  }
0xdb: {  	vm8 =	vcmask $0x3318;
	vm9 =	vcmask $0xF3C;
	v44 =	vshrl.u32 v16, $0x3  }
0xdc: {  	v17 =	vsel vm2, v17, v42;
	vm13 =	vmor vm9, vm8;
	v20 =	vadd.s32 $0x7, v44  }
0xdd: {  	vm2 =	vcmask $0x2720;
	vm8 =	vcmask $0x2B20;
	v45 =	vperm.xlane v2, v20  }
0xde: {  	vm9 =	vcmask $0x2F20;
	v46 =	vperm.xlane v3, v20;
	v47 =	vperm.xlane v0, v20  }
0xdf: {  	v17 =	vsel vm13, v17, v43;
	v48 =	vperm.xlane v4, v20;
	v49 =	vperm.xlane v1, v20  }
0xe0: {  	vm13 =	vmor vm4, vm2;
	v50 =	vperm.xlane v5, v20;
	v52 =	vperm.xlane v6, v20  }
0xe1: {  	v17 =	vsel vm14, v17, v19;
	v19 =	vsel vm11, $0x9, v53;
	v57 =	vperm.xlane v8, v20  }
0xe2: {  	vm2 =	vcmask $0x3320;
	v20 =	vperm.xlane v7, v20;
	v54 =	vperm.xlane v2, v19  }
0xe3: {  	vm11 =	vcmask $0x2B28;
	v55 =	vperm.xlane v3, v19;
	v56 =	vperm.xlane v0, v19  }
0xe4: {  	vm14 =	vcmask $0x3B20;
	v58 =	vperm.xlane v4, v19;
	v59 =	vperm.xlane v1, v19  }
0xe5: {  	v60 =	vperm.xlane v5, v19;
	v61 =	vperm.xlane v6, v19;
	v21 =	vsel vm5, v46, v45  }
0xe6: {  	v32 =	vperm.xlane v8, v19;
	v19 =	vperm.xlane v7, v19;
	v18 =	vsel vm13, v21, v47  }
0xe7: {  	vm13 =	vmor vm1, vm8;
	vm8 =	vmmov vm1;
	vm1 =	vmor vm0, vm9  }
0xe8: {  	vm9 =	vmmov vm0;
	vm0 =	vcmask $0x3720;
	v18 =	vsel vm13, v18, v48  }
0xe9: {  	vm13 =	vmor vm6, vm2;
	vm0 =	vmor vm7, vm0;
	v18 =	vsel vm1, v18, v49  }
0xea: {  	vm2 =	vcmask $0xB04;
	vm1 =	vcmask $0x2F28;
	v18 =	vsel vm13, v18, v50  }
0xeb: {  	vm13 =	vcmask $0x3728;
	v50 =	vimm.s32 $0xF;
	v18 =	vsel vm0, v18, v52  }
0xec: {  	vm0 =	vmor vm15, vm11;
	vm15 =	vmor vm2, vm1;
	vm1 =	vcmask $0xF04  }
0xed: {  	vm2 =	vcmask $0x1704;
	v21 =	vsel vm0, v54, v55;
	vm0 =	vcmask $0x3328  }
0xee: {  	v21 =	vsel vm15, v21, v56;
	vm0 =	vmor vm1, vm0;
	vm15 =	vcmask $0x1304  }
0xef: {  	vm1 =	vcmask $0x3730;
	v21 =	vsel vm0, v21, v58;
	vm0 =	vmor vm3, vm14  }
0xf0: {  	vm13 =	vmor vm15, vm13;
	vm14 =	vcmask $0x1B04;
	vm15 =	vcmask $0xF0C  }
0xf1: {  	v58 =	vshrl.u32 v16, $0x1;
	v18 =	vsel vm0, v18, v57;
	vm0 =	vcmask $0x3B28  }
0xf2: {  	v21 =	vsel vm13, v21, v59;
	vm13 =	vcmask $0x3F28;
	vm0 =	vmor vm2, vm0  }
0xf3: {  	v59 =	vperm.xlane v9, v58;
	v21 =	vsel vm0, v21, v60;
	vm0 =	vcmask $0x1B20  }
0xf4: {  	vm14 =	vmor vm14, vm13;
	vm2 =	vcmask $0x130C;
	v18 =	vsel vm0, v18, v20  }
0xf5: {  	v63 =	vsel vm14, v21, v61;
	v21 =	vsel vm12, $0xB, v28;
	vm12 =	vcmask $0x3330  }
0xf6: {  	vm14 =	vcmask $0x1F04;
	v29 =	vperm.xlane v2, v21;
	v30 =	vperm.xlane v3, v21  }
0xf7: {  	vm0 =	vmor vm15, vm12;
	v31 =	vperm.xlane v0, v21;
	vm15 =	vmor vm2, vm1  }
0xf8: {  	vm2 =	vcmask $0x170C;
	v33 =	vperm.xlane v4, v21;
	v34 =	vperm.xlane v1, v21  }
0xf9: {  	vm1 =	vcmask $0x1B0C;
	v36 =	vperm.xlane v5, v21;
	v38 =	vperm.xlane v6, v21  }
0xfa: {  	vm13 =	vmor vm14, vm13;
	v27 =	vperm.xlane v8, v21;
	v21 =	vperm.xlane v7, v21  }
0xfb: {  	v20 =	vsel vm13, v63, v32;
	vm13 =	vcmask $0x1F0C;
	v22 =	vsel vm0, v29, v30  }
0xfc: {  	vm0 =	vcmask $0x3B30;
	v48 =	vsel vm5, v19, v20;
	v22 =	vsel vm15, v22, v31  }
0xfd: {  	vm0 =	vmor vm2, vm0;
	vm15 =	vcmask $0x3F30;
	vm2 =	vcmask $0x330  }
0xfe: {  	v22 =	vsel vm0, v22, v33;
	vm14 =	vmor vm1, vm15;
	vm0 =	vmor vm13, vm15  }
0xff: {  	vm1 =	vcmask $0x270C;
	vm13 =	vcmask $0x3B38;
	vm15 =	vcmask $0x1714  }
0x100: {  	v22 =	vsel vm14, v22, v34;
	vm14 =	vcmask $0x3714;
	vm15 =	vmor vm15, vm13  }
0x101: {  	v23 =	vsel vm14, $0xD, v23;
	v22 =	vsel vm0, v22, v36;
	vm0 =	vmor vm2, vm1  }
0x102: {  	vm1 =	vcmask $0x3F38;
	vm2 =	vcmask $0x1B14;
	v37 =	vperm.xlane v2, v23  }
0x103: {  	v26 =	vperm.xlane v3, v23;
	v39 =	vperm.xlane v0, v23;
	v22 =	vsel vm5, v38, v22  }
0x104: {  	vm14 =	vmor vm2, vm1;
	v41 =	vperm.xlane v4, v23;
	v42 =	vperm.xlane v1, v23  }
0x105: {  	vm2 =	vcmask $0x1F14;
	v43 =	vperm.xlane v5, v23;
	v44 =	vperm.xlane v6, v23  }
0x106: {  	v46 =	vld [tilespmem:$0x1FFF0];
	v47 =	vperm.xlane v8, v23;
	v52 =	vperm.xlane v7, v23;
	v22 =	vsel vm0, v22, v27  }
0x107: {  	vm0 =	vmor vm2, vm1;
	vm2 =	vcmask $0x2B0C;
	v25 =	vsel vm15, v37, v26  }
0x108: {  	vm1 =	vcmask $0x338;
	v40 =	vsel vm14, v25, v39;
	vm14 =	vcmask $0x730  }
0x109: {  	vm15 =	vcmask $0x2714;
	vm2 =	vmor vm14, vm2;
	v24 =	vsel vm0, v40, v41  }
0x10a: {  	vm0 =	vmor vm1, vm15;
	vm1 =	vcmask $0x2B14;
	vm14 =	vcmask $0x738  }
0x10b: {  	vm15 =	vnez.u8 v46;
	v24 =	vsel vm5, v42, v24;
	v21 =	vsel vm2, v22, v21  }
0x10c: {  	vm14 =	vmor vm14, vm1;
	v10 =	vnsel vm15, $0xBF800000, v10;
	v45 =	vsel vm0, v24, v43  }
0x10d: {  	vm15 =	vcmask $0xB38;
	v22 =	vsel vm14, v45, v44;
	vm14 =	vcmask $0x2F14  }
0x10e: {  	vm0 =	vmor vm15, vm14;
	vm14 =	vgt.f32 v10, v11;
	vm15 =	vcmask $0x1B00  }
0x10f: {  	v49 =	vsel vm0, v22, v47;
	v12 =	vsel vm14, $0x8, v12;
	v19 =	vsel vm15, $0xE, v50  }
0x110: {  	vm14 =	vcmask $0x3314;
	vm15 =	vcmask $0xF38;
	v2 =	vperm.xlane v2, v19  }
0x111: {  	v3 =	vperm.xlane v3, v19;
	vm0 =	vmor vm15, vm14;
	v0 =	vperm.xlane v0, v19  }
0x112: {  	vm14 =	vcmask $0x1F1C;
	v51 =	vperm.xlane v4, v19;
	v1 =	vperm.xlane v1, v19  }
0x113: {  	vm15 =	vcmask $0x271C;
	v53 =	vperm.xlane v5, v19;
	v55 =	vperm.xlane v6, v19  }
0x114: {  	v56 =	vperm.xlane v8, v19;
	v57 =	vperm.xlane v7, v19;
	vm1 =	vmor vm4, vm15  }
0x115: {  	v54 =	vsel vm0, v49, v52;
	v2 =	vsel vm14, v2, v3;
	vm14 =	vcmask $0x2F1C  }
0x116: {  	v0 =	vsel vm5, v0, v2;
	vm5 =	vcmask $0x2B1C;
	vm15 =	vmor vm9, vm14  }
0x117: {  	vm9 =	vcmask $0x1310;
	v0 =	vsel vm1, v0, v51;
	vm1 =	vmor vm8, vm5  }
0x118: {  	[tilespmem:$0x1B0] =	vst v13;
	vm5 =	vcmask $0x331C;
	vm8 =	vcmask $0xB08;
	v0 =	vsel vm1, v0, v1  }
0x119: {  	[tilespmem:$0x1C0] =	vst v15;
	vm0 =	vmor vm6, vm5;
	vm1 =	vmor vm4, vm8;
	v0 =	vsel vm15, v0, v53  }
0x11a: {  	[tilespmem:$0x1D0] =	vst v14;
	v60 =	vperm.xlane v12, v58;
	v0 =	vsel vm0, v0, v55;
	vm0 =	vmor vm1, vm9  }
0x11b: {  	[tilespmem:$0x1E0] =	vst v17;
	vm14 =	vcmask $0x3B1C;
	vm15 =	vcmask $0x2320;
	vm0 =	vmor vm0, vm10  }
0x11c: {  	[tilespmem:$0x1F0] =	vst v18;
	v2 =	vor.u32 $0x8, v58;
	vm6 =	vcmask $0x371C;
	vm0 =	vmor vm0, vm15  }
0x11d: {  	[tilespmem:$0x200] =	vst v48;
	v61 =	vperm.xlane v9, v2;
	vm7 =	vmor vm7, vm6;
	vm0 =	vmor vm0, vm11  }
0x11e: {  	[tilespmem:$0x210] =	vst v21;
	vm1 =	vmor vm3, vm14;
	v0 =	vsel vm7, v0, v56;
	vm0 =	vmor vm0, vm12  }
0x11f: {  	[tilespmem:$0x220] =	vst v54;
	v2 =	vperm.xlane v12, v2;
	v0 =	vsel vm1, v0, v57;
	vm0 =	vmor vm0, vm13  }
0x120: {  	[tilespmem:$0x230] =	vst v0;
	v62 =	vsel vm0, v59, v60  }
0x121: {  	s3 =	sadd.s32 $0xE00, s3;
	v63 =	vsel vm0, v61, v2;
	[tilespmem:$0x240] =	vst v62  }
0x122: {  	s10 =	simm.s32 @p1 $0x1B0;
	s9 =	sadd.s32 @!p0 $0x6C, s3;
	[tilespmem:$0x250] =	vst v63  }
0x123: {  	[hbm4b:s9+s8] =	stream.linear.scatter @p1 [tilespmem:s10], [sflag:$0x2], $0x24, $0x38;
	[tilespmem:$0x260] =	vst v63  }
0x124: {  	s9 =	sadd.s32 @!p0 $0x18, s2;
	s10 =	simm.s32 @p1 $0x240  }
0x125: {  	[hbm4b:s9+s8] =	stream.linear.scatter @p1 [tilespmem:s10], [sflag:$0x1], $0x8, $0x38;
	[tilespmem:$0x260] =	vst v63  }
0x126: {  	_ =	swait.ge @p1 [sflag:s7], $0x24  }
0x127: {  	[sflag:s7] =	ssyncset.done @p1 $0x0  }
0x128: {  	[sflag:s7] =	ssyncadd.s32 @p1 $0xFFFFFFDC;
	s7 =	simm.s32 @p1 $0x1  }
0x129: {  	_ =	swait.ge @p1 [sflag:s7], $0x8  }
0x12a: {  	s3 =	sadd.s32 @!p0 s3, s6;
	[sflag:s7] =	ssyncset.done @p1 $0x0  }
0x12b: {  	s6 =	sshll.u32 @!p0 s0, $0x2;
	[sflag:s7] =	ssyncadd.s32 @p1 $0xFFFFFFF8;
	s7 =	simm.s32 @!p1 $0x1B0  }
0x12c: {  	[hbm4b:s3+s5] =	stream.linear.scatter @!p1 [tilespmem:s7], [sflag:$0x2], $0x90, $0x38;
	[tilespmem:$0x260] =	vst v63  }
0x12d: {  	s2 =	sadd.s32 @!p0 s2, s6;
	s3 =	simm.s32 @!p1 $0x240  }
0x12e: {  	[hbm4b:s2+s5] =	stream.linear.scatter @!p1 [tilespmem:s3], [sflag:$0x1], $0x20, $0x38;
	[tilespmem:$0x260] =	vst v63  }
0x12f: {  	_ =	swait.ge @!p1 [sflag:s4], $0x90  }
0x130: {  	[sflag:s4] =	ssyncset.done @!p1 $0x0  }
0x131: {  	s2 =	simm.s32 @!p1 $0x1;
	[sflag:s4] =	ssyncadd.s32 @!p1 $0xFFFFFF70  }
0x132: {  	_ =	swait.ge @!p1 [sflag:s2], $0x20  }
0x133: {  	[sflag:s2] =	ssyncset.done @!p1 $0x0  }
0x134: {  	[sflag:s2] =	ssyncadd.s32 @!p1 $0xFFFFFFE0  }
.LBB2_2:
0x135: {  	_ =	sfence.sel $0x180000  }
0x136: {  	[bflag:$0x0] =	sbarrier.arrive $0xFFFF  }
0x137: {  	p0 =	sne.s32 s0, $0x0;
	_ =	strace $0x90000047  }
0x138: {  	s0 =	sadd.s32 @!p0 $0x100000, s1;
	[bflag:$0x2] =	sbarrier.arrive $0xFFFF  }
0x139: {  	[sflag:s0] =	ssyncadd.tile.s32 @!p0 $0x1;
	_ =	shalt  }
.Lfunc_end2:
_tile_overlayer_lowered:
.L_overlay_start_2:
0x13a: {  	(tag) =	ssettag $0x2  }
0x13b: {  	s0 =	rddreg [dreg:$0x0];
	s2 =	stileid.u32  }
0x13c: {  	s1 =	rddreg [dreg:$0x1];
	p0 =	sne.s32 s2, $0x0  }
0x13d: {  	s3 =	rddreg [dreg:$0x2];
	[bflag:$0x3] =	sbarrier.arrive $0xFFFF;
	s2 =	simm.s32 @!p0 $0x1C03  }
0x13e: {  	[timem:s3], [sflag:s2] =	dma.local @!p0 [hbm:s0], s1  }
0x13f: {  	s0 =	simm.s32 @!p0 $0x3  }
0x140: {  	_ =	swait.ge @!p0 [sflag:s0], s1  }
0x141: {  	s1 =	ssub.s32 @!p0 $0x0, s1;
	[sflag:s0] =	ssyncset.done @!p0 $0x0  }
0x142: {  	[sflag:s0] =	ssyncadd.s32 @!p0 s1  }
0x143: {  	[bflag:$0x3] =	sbarrier.arrive $0xFFFF  }
0x144: {  	_ =	shalt  }

</sc_bundles>
